<compile_context>
chip_gen: v7x
topology: tpu7x:2x2x1
jax: 0.10.2.dev20260603
libtpu: 0.0.44.dev20260713+nightly
codegen_flags: <defaults>
</compile_context>

<pallas_src>
import functools

import jax
import jax.numpy as jnp
from jax import lax
from jax.experimental import pallas as pl
from jax.experimental.pallas import tpu as pltpu
from jax.experimental.pallas import tpu_sc as plsc

NUM_CORES = 2
NUM_SUBCORES = 16
NW = NUM_CORES * NUM_SUBCORES
LANES = 16
B = 16384
D = 32
BPW = B // NW
IDX_CHUNK = 128
NCHUNK = BPW // IDX_CHUNK
ROWPACK = 128 // D
HALF = BPW // 2
NGROUP = HALF // LANES


def _mf_body(uidx_hbm, uoff_hbm, iidx_hbm, ioff_hbm, utab_hbm, itab_hbm,
             wb_hbm, out_hbm, uidx_v, iidx_v, uoff_v, ioff_v, urows_v,
             irows_v, wb_v, out_v, usem, isem):
    wid = lax.axis_index("s") * NUM_CORES + lax.axis_index("c")
    base = wid * BPW

    pltpu.sync_copy(uidx_hbm.at[wid], uidx_v)
    pltpu.sync_copy(iidx_hbm.at[wid], iidx_v)
    pltpu.sync_copy(uoff_hbm.at[pl.ds(base, BPW)], uoff_v)
    pltpu.sync_copy(ioff_hbm.at[pl.ds(base, BPW)], ioff_v)
    pltpu.sync_copy(wb_hbm, wb_v)

    w = wb_v[0, :]
    b = wb_v[1, :]
    lane = lax.iota(jnp.int32, 16)

    for half in range(2):
        copies = []
        for j in range(NCHUNK // 2):
            c = half * (NCHUNK // 2) + j
            dst = pl.ds(j * IDX_CHUNK, IDX_CHUNK)
            copies.append(pltpu.async_copy(utab_hbm.at[uidx_v.at[c]],
                                           urows_v.at[dst], usem))
            copies.append(pltpu.async_copy(itab_hbm.at[iidx_v.at[c]],
                                           irows_v.at[dst], isem))
        for cp in copies:
            cp.wait()

        def group(g, carry):
            row0 = pl.multiple_of(g * LANES, LANES)
            rows = row0 + lane
            uoff = uoff_v[pl.ds(half * HALF + row0, LANES)]
            ioff = ioff_v[pl.ds(half * HALF + row0, LANES)]
            acc = jnp.zeros((16,), jnp.float32)
            for d in range(D):
                uv = plsc.load_gather(urows_v, [rows, uoff + d])
                iv = plsc.load_gather(irows_v, [rows, ioff + d])
                acc = acc + uv * iv
            s = acc * w + b
            y = 1.0 / (1.0 + jnp.exp(-s))
            out_v[pl.ds(half * HALF + row0, LANES)] = y
            return carry

        lax.fori_loop(0, NGROUP, group, 0)

    pltpu.sync_copy(out_v, out_hbm.at[pl.ds(base, BPW)])


@jax.jit
def _mf_call(uidx, uoff, iidx, ioff, user_table4, item_table4, wb):
    mesh = plsc.VectorSubcoreMesh(core_axis_name="c", subcore_axis_name="s",
                                  num_cores=NUM_CORES,
                                  num_subcores=NUM_SUBCORES)
    fn = pl.kernel(
        _mf_body,
        out_type=jax.ShapeDtypeStruct((B,), jnp.float32),
        mesh=mesh,
        compiler_params=pltpu.CompilerParams(needs_layout_passes=False,
                                             use_tc_tiling_on_sc=True),
        scratch_types=[
            pltpu.VMEM((NCHUNK, IDX_CHUNK), jnp.int32),
            pltpu.VMEM((NCHUNK, IDX_CHUNK), jnp.int32),
            pltpu.VMEM((BPW,), jnp.int32),
            pltpu.VMEM((BPW,), jnp.int32),
            pltpu.VMEM((HALF, 128), jnp.float32),
            pltpu.VMEM((HALF, 128), jnp.float32),
            pltpu.VMEM((2, 16), jnp.float32),
            pltpu.VMEM((BPW,), jnp.float32),
            pltpu.SemaphoreType.DMA,
            pltpu.SemaphoreType.DMA,
        ],
    )
    return fn(uidx, uoff, iidx, ioff, user_table4, item_table4, wb)


def kernel(user_idx, item_idx, user_table, item_table, W_aff, b_aff):
    uidx_flat = user_idx.reshape(B).astype(jnp.int32)
    iidx_flat = item_idx.reshape(B).astype(jnp.int32)
    uidx = (uidx_flat // ROWPACK).reshape(NW, NCHUNK, IDX_CHUNK)
    iidx = (iidx_flat // ROWPACK).reshape(NW, NCHUNK, IDX_CHUNK)
    uoff = (uidx_flat % ROWPACK) * D
    ioff = (iidx_flat % ROWPACK) * D
    wb = jnp.stack([jnp.full((16,), W_aff[0, 0], jnp.float32),
                    jnp.full((16,), b_aff[0], jnp.float32)])
    ut4 = user_table.reshape(1000000 // ROWPACK, 128)
    it4 = item_table.reshape(1000000 // ROWPACK, 128)
    return _mf_call(uidx, uoff, iidx, ioff, ut4, it4, wb)

# --- scband reference (transcript-rebuilt; emitter-appended) ---
"""Pipeline reference for scband-mf-86234353369487 (READ-ONLY COPY).

The authoritative reference and input builder live on the scoring server;
editing this copy changes nothing except your own understanding.
"""

import jax, jax.numpy as jnp
import numpy as np

NUM_USERS = 1000000
NUM_ITEMS = 1000000
D = 32
B = 16384


def setup_inputs(seed: int = 0) -> dict:
    key = jax.random.key(seed)
    k1, k2, k3, k4, k5 = jax.random.split(key, 5)
    user_idx = jax.random.randint(k1, (B,), 0, NUM_USERS)
    item_idx = jax.random.randint(k2, (B,), 0, NUM_ITEMS)
    # weight_init_gaussian=True -> N(0, 0.01)
    user_table = jax.random.normal(k3, (NUM_USERS, D), dtype=jnp.float32) * 0.01
    item_table = jax.random.normal(k4, (NUM_ITEMS, D), dtype=jnp.float32) * 0.01
    # affine_out: Linear(1, 1) since no PL / text branch
    W_aff = jax.random.normal(k5, (1, 1), dtype=jnp.float32) * 0.5
    b_aff = jnp.zeros((1,), dtype=jnp.float32)
    return {
        "user_idx": user_idx,
        "item_idx": item_idx,
        "user_table": user_table,
        "item_table": item_table,
        "W_aff": W_aff,
        "b_aff": b_aff,
    }


def reference(user_idx, item_idx, user_table, item_table, W_aff, b_aff):
    # flatten indices (dim > 1 -> view(-1); already 1-D here)
    user_idx = user_idx.reshape(-1)
    item_idx = item_idx.reshape(-1)
    u_vec = jnp.take(user_table, user_idx, axis=0)   # [B, D] gather
    i_vec = jnp.take(item_table, item_idx, axis=0)   # [B, D] gather
    mf_score = jnp.sum(u_vec * i_vec, axis=-1, keepdims=True)  # [B, 1]
    fused = mf_score  # no PL branch, no text branch -> single feature column
    y_hat = jax.nn.sigmoid(fused @ W_aff.T + b_aff)  # [B, 1]
    return jnp.squeeze(y_hat, axis=-1)               # [B]

if __name__ == "__main__":
    import jax
    _d = setup_inputs()
    print(jax.jit(kernel)(*tuple(_d.values())))

</pallas_src>

<mosaic_0001>
#map = affine_map<(d0, d1) -> (0, 0, 0)>
#map1 = affine_map<(d0, d1) -> (0)>
#map2 = affine_map<(d0, d1) -> (0, 0)>
module attributes {stable_mosaic.version = 14 : i64} {
  func.func @_mf_body(%arg0: i32, %arg1: i32, %arg2: memref<32x4x128xi32, #tpu.memory_space<hbm>>, %arg3: memref<16384xi32, #tpu.memory_space<hbm>>, %arg4: memref<32x4x128xi32, #tpu.memory_space<hbm>>, %arg5: memref<16384xi32, #tpu.memory_space<hbm>>, %arg6: memref<250000x128xf32, #tpu.memory_space<hbm>>, %arg7: memref<250000x128xf32, #tpu.memory_space<hbm>>, %arg8: memref<2x16xf32, #tpu.memory_space<hbm>>, %arg9: memref<16384xf32, #tpu.memory_space<hbm>>, %arg10: memref<4x128xi32, #tpu.memory_space<vmem>>, %arg11: memref<4x128xi32, #tpu.memory_space<vmem>>, %arg12: memref<512xi32, #tpu.memory_space<vmem>>, %arg13: memref<512xi32, #tpu.memory_space<vmem>>, %arg14: memref<256x128xf32, #tpu.memory_space<vmem>>, %arg15: memref<256x128xf32, #tpu.memory_space<vmem>>, %arg16: memref<2x16xf32, #tpu.memory_space<vmem>>, %arg17: memref<512xf32, #tpu.memory_space<vmem>>, %arg18: memref<!tpu.dma_semaphore, #tpu.memory_space<semaphore_mem>>, %arg19: memref<!tpu.dma_semaphore, #tpu.memory_space<semaphore_mem>>) attributes {dimension_semantics = [#tpu.dimension_semantics<core_parallel>, #tpu.dimension_semantics<subcore_parallel>], iteration_bounds = array<i64: 2, 16>, scalar_prefetch = 0 : i64, scratch_operands = 10 : i64, tpu.core_type = #tpu.core_type<sc_vector_subcore>, window_params = [{transform_indices = #map}, {transform_indices = #map1}, {transform_indices = #map}, {transform_indices = #map1}, {transform_indices = #map2}, {transform_indices = #map2}, {transform_indices = #map2}, {transform_indices = #map1}]} {
    %mul3A = arith.constant 2 : i32
    %mul3A_0 = arith.muli %arg1, %mul3A : i32
    %add3A = arith.addi %mul3A_0, %arg0 : i32
    %mul3A_1 = arith.constant 512 : i32
    %mul3A_2 = arith.muli %add3A, %mul3A_1 : i32
    "tpu.region"() ({
      %run_scoped3A = tpu.sem_alloc : memref<!tpu.dma_semaphore, #tpu.memory_space<semaphore_mem>>
      %dma_start3A_179 = arith.constant 0 : i32
      %dma_start3A_180 = arith.constant 0 : i32
      %dma_start3A_181 = tpu.memref_slice %arg2[%add3A, %dma_start3A_179, %dma_start3A_180] : memref<32x4x128xi32, #tpu.memory_space<hbm>> -> memref<1x4x128xi32, #tpu.memory_space<hbm>>
      %dma_start3A_182 = tpu.memref_squeeze %dma_start3A_181 : memref<1x4x128xi32, #tpu.memory_space<hbm>> -> memref<4x128xi32, #tpu.memory_space<hbm>>
      %dma_start3A_183 = arith.constant 0 : i32
      %dma_start3A_184 = arith.constant 0 : i32
      %dma_start3A_185 = tpu.memref_slice %arg2[%add3A, %dma_start3A_183, %dma_start3A_184] : memref<32x4x128xi32, #tpu.memory_space<hbm>> -> memref<1x4x128xi32, #tpu.memory_space<hbm>>
      %dma_start3A_186 = tpu.memref_squeeze %dma_start3A_185 : memref<1x4x128xi32, #tpu.memory_space<hbm>> -> memref<4x128xi32, #tpu.memory_space<hbm>>
      tpu.enqueue_dma source(%dma_start3A_186 : memref<4x128xi32, #tpu.memory_space<hbm>>) target(%arg10 : memref<4x128xi32, #tpu.memory_space<vmem>>) target_semaphore(%run_scoped3A : memref<!tpu.dma_semaphore, #tpu.memory_space<semaphore_mem>>)
      %dma_wait3A_187 = arith.constant 0 : i32
      %dma_wait3A_188 = arith.constant 0 : i32
      %dma_wait3A_189 = tpu.memref_slice %arg2[%add3A, %dma_wait3A_187, %dma_wait3A_188] : memref<32x4x128xi32, #tpu.memory_space<hbm>> -> memref<1x4x128xi32, #tpu.memory_space<hbm>>
      %dma_wait3A_190 = tpu.memref_squeeze %dma_wait3A_189 : memref<1x4x128xi32, #tpu.memory_space<hbm>> -> memref<4x128xi32, #tpu.memory_space<hbm>>
      %dma_wait3A_191 = arith.constant 0 : i32
      %dma_wait3A_192 = arith.constant 0 : i32
      %dma_wait3A_193 = tpu.memref_slice %arg2[%add3A, %dma_wait3A_191, %dma_wait3A_192] : memref<32x4x128xi32, #tpu.memory_space<hbm>> -> memref<1x4x128xi32, #tpu.memory_space<hbm>>
      %dma_wait3A_194 = tpu.memref_squeeze %dma_wait3A_193 : memref<1x4x128xi32, #tpu.memory_space<hbm>> -> memref<4x128xi32, #tpu.memory_space<hbm>>
      tpu.wait_dma2 semaphore(%run_scoped3A : memref<!tpu.dma_semaphore, #tpu.memory_space<semaphore_mem>>) src(%dma_wait3A_194 : memref<4x128xi32, #tpu.memory_space<hbm>>) dst(%arg10 : memref<4x128xi32, #tpu.memory_space<vmem>>)
      tpu.yield
    }) : () -> ()
    "tpu.region"() ({
      %run_scoped3A = tpu.sem_alloc : memref<!tpu.dma_semaphore, #tpu.memory_space<semaphore_mem>>
      %dma_start3A_179 = arith.constant 0 : i32
      %dma_start3A_180 = arith.constant 0 : i32
      %dma_start3A_181 = tpu.memref_slice %arg4[%add3A, %dma_start3A_179, %dma_start3A_180] : memref<32x4x128xi32, #tpu.memory_space<hbm>> -> memref<1x4x128xi32, #tpu.memory_space<hbm>>
      %dma_start3A_182 = tpu.memref_squeeze %dma_start3A_181 : memref<1x4x128xi32, #tpu.memory_space<hbm>> -> memref<4x128xi32, #tpu.memory_space<hbm>>
      %dma_start3A_183 = arith.constant 0 : i32
      %dma_start3A_184 = arith.constant 0 : i32
      %dma_start3A_185 = tpu.memref_slice %arg4[%add3A, %dma_start3A_183, %dma_start3A_184] : memref<32x4x128xi32, #tpu.memory_space<hbm>> -> memref<1x4x128xi32, #tpu.memory_space<hbm>>
      %dma_start3A_186 = tpu.memref_squeeze %dma_start3A_185 : memref<1x4x128xi32, #tpu.memory_space<hbm>> -> memref<4x128xi32, #tpu.memory_space<hbm>>
      tpu.enqueue_dma source(%dma_start3A_186 : memref<4x128xi32, #tpu.memory_space<hbm>>) target(%arg11 : memref<4x128xi32, #tpu.memory_space<vmem>>) target_semaphore(%run_scoped3A : memref<!tpu.dma_semaphore, #tpu.memory_space<semaphore_mem>>)
      %dma_wait3A_187 = arith.constant 0 : i32
      %dma_wait3A_188 = arith.constant 0 : i32
      %dma_wait3A_189 = tpu.memref_slice %arg4[%add3A, %dma_wait3A_187, %dma_wait3A_188] : memref<32x4x128xi32, #tpu.memory_space<hbm>> -> memref<1x4x128xi32, #tpu.memory_space<hbm>>
      %dma_wait3A_190 = tpu.memref_squeeze %dma_wait3A_189 : memref<1x4x128xi32, #tpu.memory_space<hbm>> -> memref<4x128xi32, #tpu.memory_space<hbm>>
      %dma_wait3A_191 = arith.constant 0 : i32
      %dma_wait3A_192 = arith.constant 0 : i32
      %dma_wait3A_193 = tpu.memref_slice %arg4[%add3A, %dma_wait3A_191, %dma_wait3A_192] : memref<32x4x128xi32, #tpu.memory_space<hbm>> -> memref<1x4x128xi32, #tpu.memory_space<hbm>>
      %dma_wait3A_194 = tpu.memref_squeeze %dma_wait3A_193 : memref<1x4x128xi32, #tpu.memory_space<hbm>> -> memref<4x128xi32, #tpu.memory_space<hbm>>
      tpu.wait_dma2 semaphore(%run_scoped3A : memref<!tpu.dma_semaphore, #tpu.memory_space<semaphore_mem>>) src(%dma_wait3A_194 : memref<4x128xi32, #tpu.memory_space<hbm>>) dst(%arg11 : memref<4x128xi32, #tpu.memory_space<vmem>>)
      tpu.yield
    }) : () -> ()
    "tpu.region"() ({
      %run_scoped3A = tpu.sem_alloc : memref<!tpu.dma_semaphore, #tpu.memory_space<semaphore_mem>>
      %dma_start3A_179 = tpu.memref_slice %arg3[%mul3A_2] : memref<16384xi32, #tpu.memory_space<hbm>> -> memref<512xi32, #tpu.memory_space<hbm>>
      %dma_start3A_180 = tpu.memref_slice %arg3[%mul3A_2] : memref<16384xi32, #tpu.memory_space<hbm>> -> memref<512xi32, #tpu.memory_space<hbm>>
      tpu.enqueue_dma source(%dma_start3A_180 : memref<512xi32, #tpu.memory_space<hbm>>) target(%arg12 : memref<512xi32, #tpu.memory_space<vmem>>) target_semaphore(%run_scoped3A : memref<!tpu.dma_semaphore, #tpu.memory_space<semaphore_mem>>)
      %dma_wait3A_181 = tpu.memref_slice %arg3[%mul3A_2] : memref<16384xi32, #tpu.memory_space<hbm>> -> memref<512xi32, #tpu.memory_space<hbm>>
      %dma_wait3A_182 = tpu.memref_slice %arg3[%mul3A_2] : memref<16384xi32, #tpu.memory_space<hbm>> -> memref<512xi32, #tpu.memory_space<hbm>>
      tpu.wait_dma2 semaphore(%run_scoped3A : memref<!tpu.dma_semaphore, #tpu.memory_space<semaphore_mem>>) src(%dma_wait3A_182 : memref<512xi32, #tpu.memory_space<hbm>>) dst(%arg12 : memref<512xi32, #tpu.memory_space<vmem>>)
      tpu.yield
    }) : () -> ()
    "tpu.region"() ({
      %run_scoped3A = tpu.sem_alloc : memref<!tpu.dma_semaphore, #tpu.memory_space<semaphore_mem>>
      %dma_start3A_179 = tpu.memref_slice %arg5[%mul3A_2] : memref<16384xi32, #tpu.memory_space<hbm>> -> memref<512xi32, #tpu.memory_space<hbm>>
      %dma_start3A_180 = tpu.memref_slice %arg5[%mul3A_2] : memref<16384xi32, #tpu.memory_space<hbm>> -> memref<512xi32, #tpu.memory_space<hbm>>
      tpu.enqueue_dma source(%dma_start3A_180 : memref<512xi32, #tpu.memory_space<hbm>>) target(%arg13 : memref<512xi32, #tpu.memory_space<vmem>>) target_semaphore(%run_scoped3A : memref<!tpu.dma_semaphore, #tpu.memory_space<semaphore_mem>>)
      %dma_wait3A_181 = tpu.memref_slice %arg5[%mul3A_2] : memref<16384xi32, #tpu.memory_space<hbm>> -> memref<512xi32, #tpu.memory_space<hbm>>
      %dma_wait3A_182 = tpu.memref_slice %arg5[%mul3A_2] : memref<16384xi32, #tpu.memory_space<hbm>> -> memref<512xi32, #tpu.memory_space<hbm>>
      tpu.wait_dma2 semaphore(%run_scoped3A : memref<!tpu.dma_semaphore, #tpu.memory_space<semaphore_mem>>) src(%dma_wait3A_182 : memref<512xi32, #tpu.memory_space<hbm>>) dst(%arg13 : memref<512xi32, #tpu.memory_space<vmem>>)
      tpu.yield
    }) : () -> ()
    "tpu.region"() ({
      %run_scoped3A = tpu.sem_alloc : memref<!tpu.dma_semaphore, #tpu.memory_space<semaphore_mem>>
      tpu.enqueue_dma source(%arg8 : memref<2x16xf32, #tpu.memory_space<hbm>>) target(%arg16 : memref<2x16xf32, #tpu.memory_space<vmem>>) target_semaphore(%run_scoped3A : memref<!tpu.dma_semaphore, #tpu.memory_space<semaphore_mem>>)
      tpu.wait_dma2 semaphore(%run_scoped3A : memref<!tpu.dma_semaphore, #tpu.memory_space<semaphore_mem>>) src(%arg8 : memref<2x16xf32, #tpu.memory_space<hbm>>) dst(%arg16 : memref<2x16xf32, #tpu.memory_space<vmem>>)
      tpu.yield
    }) : () -> ()
    %get3A = arith.constant 0 : i32
    %get3A_3 = arith.index_cast %get3A : i32 to index
    %get3A_4 = arith.constant 0 : index
    %get3A_5 = tpu.vector_load %arg16[%get3A_3, %get3A_4] {strides = array<i32>} : memref<2x16xf32, #tpu.memory_space<vmem>>, vector<16xf32>,
    %get3A_6 = arith.constant 1 : i32
    %get3A_7 = arith.index_cast %get3A_6 : i32 to index
    %get3A_8 = arith.constant 0 : index
    %get3A_9 = tpu.vector_load %arg16[%get3A_7, %get3A_8] {strides = array<i32>} : memref<2x16xf32, #tpu.memory_space<vmem>>, vector<16xf32>,
    %iota3A = tpu.iota {dimensions = array<i32: 0>} : vector<16xi32>
    %dma_start3A = arith.constant 0 : i32
    %dma_start3A_10 = arith.constant 0 : i32
    %dma_start3A_11 = arith.constant 0 : i32
    %dma_start3A_12 = tpu.memref_slice %arg14[%dma_start3A_10, %dma_start3A_11] : memref<256x128xf32, #tpu.memory_space<vmem>> -> memref<128x128xf32, #tpu.memory_space<vmem>>
    %dma_start3A_13 = arith.constant 0 : i32
    %dma_start3A_14 = tpu.memref_slice %arg10[%dma_start3A, %dma_start3A_13] : memref<4x128xi32, #tpu.memory_space<vmem>> -> memref<1x128xi32, #tpu.memory_space<vmem>>
    %dma_start3A_15 = tpu.memref_squeeze %dma_start3A_14 : memref<1x128xi32, #tpu.memory_space<vmem>> -> memref<128xi32, #tpu.memory_space<vmem>>
    %dma_start3A_16 = arith.constant 0 : i32
    %dma_start3A_17 = arith.constant 0 : i32
    %dma_start3A_18 = tpu.memref_slice %arg6[%dma_start3A_16, %dma_start3A_17] : memref<250000x128xf32, #tpu.memory_space<hbm>> -> memref<250000x128xf32, #tpu.memory_space<hbm>>
    tpu.enqueue_indirect_dma source(%dma_start3A_18 : memref<250000x128xf32, #tpu.memory_space<hbm>>) target(%dma_start3A_12 : memref<128x128xf32, #tpu.memory_space<vmem>>) offsets(%dma_start3A_15 : memref<128xi32, #tpu.memory_space<vmem>>) semaphore(%arg18 : memref<!tpu.dma_semaphore, #tpu.memory_space<semaphore_mem>>)
    %dma_start3A_19 = arith.constant 0 : i32
    %dma_start3A_20 = arith.constant 0 : i32
    %dma_start3A_21 = arith.constant 0 : i32
    %dma_start3A_22 = tpu.memref_slice %arg15[%dma_start3A_20, %dma_start3A_21] : memref<256x128xf32, #tpu.memory_space<vmem>> -> memref<128x128xf32, #tpu.memory_space<vmem>>
    %dma_start3A_23 = arith.constant 0 : i32
    %dma_start3A_24 = tpu.memref_slice %arg11[%dma_start3A_19, %dma_start3A_23] : memref<4x128xi32, #tpu.memory_space<vmem>> -> memref<1x128xi32, #tpu.memory_space<vmem>>
    %dma_start3A_25 = tpu.memref_squeeze %dma_start3A_24 : memref<1x128xi32, #tpu.memory_space<vmem>> -> memref<128xi32, #tpu.memory_space<vmem>>
    %dma_start3A_26 = arith.constant 0 : i32
    %dma_start3A_27 = arith.constant 0 : i32
    %dma_start3A_28 = tpu.memref_slice %arg7[%dma_start3A_26, %dma_start3A_27] : memref<250000x128xf32, #tpu.memory_space<hbm>> -> memref<250000x128xf32, #tpu.memory_space<hbm>>
    tpu.enqueue_indirect_dma source(%dma_start3A_28 : memref<250000x128xf32, #tpu.memory_space<hbm>>) target(%dma_start3A_22 : memref<128x128xf32, #tpu.memory_space<vmem>>) offsets(%dma_start3A_25 : memref<128xi32, #tpu.memory_space<vmem>>) semaphore(%arg19 : memref<!tpu.dma_semaphore, #tpu.memory_space<semaphore_mem>>)
    %dma_start3A_29 = arith.constant 1 : i32
    %dma_start3A_30 = arith.constant 128 : i32
    %dma_start3A_31 = arith.constant 0 : i32
    %dma_start3A_32 = tpu.memref_slice %arg14[%dma_start3A_30, %dma_start3A_31] : memref<256x128xf32, #tpu.memory_space<vmem>> -> memref<128x128xf32, #tpu.memory_space<vmem>>
    %dma_start3A_33 = arith.constant 0 : i32
    %dma_start3A_34 = tpu.memref_slice %arg10[%dma_start3A_29, %dma_start3A_33] : memref<4x128xi32, #tpu.memory_space<vmem>> -> memref<1x128xi32, #tpu.memory_space<vmem>>
    %dma_start3A_35 = tpu.memref_squeeze %dma_start3A_34 : memref<1x128xi32, #tpu.memory_space<vmem>> -> memref<128xi32, #tpu.memory_space<vmem>>
    %dma_start3A_36 = arith.constant 0 : i32
    %dma_start3A_37 = arith.constant 0 : i32
    %dma_start3A_38 = tpu.memref_slice %arg6[%dma_start3A_36, %dma_start3A_37] : memref<250000x128xf32, #tpu.memory_space<hbm>> -> memref<250000x128xf32, #tpu.memory_space<hbm>>
    tpu.enqueue_indirect_dma source(%dma_start3A_38 : memref<250000x128xf32, #tpu.memory_space<hbm>>) target(%dma_start3A_32 : memref<128x128xf32, #tpu.memory_space<vmem>>) offsets(%dma_start3A_35 : memref<128xi32, #tpu.memory_space<vmem>>) semaphore(%arg18 : memref<!tpu.dma_semaphore, #tpu.memory_space<semaphore_mem>>)
    %dma_start3A_39 = arith.constant 1 : i32
    %dma_start3A_40 = arith.constant 128 : i32
    %dma_start3A_41 = arith.constant 0 : i32
    %dma_start3A_42 = tpu.memref_slice %arg15[%dma_start3A_40, %dma_start3A_41] : memref<256x128xf32, #tpu.memory_space<vmem>> -> memref<128x128xf32, #tpu.memory_space<vmem>>
    %dma_start3A_43 = arith.constant 0 : i32
    %dma_start3A_44 = tpu.memref_slice %arg11[%dma_start3A_39, %dma_start3A_43] : memref<4x128xi32, #tpu.memory_space<vmem>> -> memref<1x128xi32, #tpu.memory_space<vmem>>
    %dma_start3A_45 = tpu.memref_squeeze %dma_start3A_44 : memref<1x128xi32, #tpu.memory_space<vmem>> -> memref<128xi32, #tpu.memory_space<vmem>>
    %dma_start3A_46 = arith.constant 0 : i32
    %dma_start3A_47 = arith.constant 0 : i32
    %dma_start3A_48 = tpu.memref_slice %arg7[%dma_start3A_46, %dma_start3A_47] : memref<250000x128xf32, #tpu.memory_space<hbm>> -> memref<250000x128xf32, #tpu.memory_space<hbm>>
    tpu.enqueue_indirect_dma source(%dma_start3A_48 : memref<250000x128xf32, #tpu.memory_space<hbm>>) target(%dma_start3A_42 : memref<128x128xf32, #tpu.memory_space<vmem>>) offsets(%dma_start3A_45 : memref<128xi32, #tpu.memory_space<vmem>>) semaphore(%arg19 : memref<!tpu.dma_semaphore, #tpu.memory_space<semaphore_mem>>)
    %dma_wait3A = arith.constant 0 : i32
    %dma_wait3A_49 = arith.constant 0 : i32
    %dma_wait3A_50 = arith.constant 0 : i32
    %dma_wait3A_51 = tpu.memref_slice %arg14[%dma_wait3A_49, %dma_wait3A_50] : memref<256x128xf32, #tpu.memory_space<vmem>> -> memref<128x128xf32, #tpu.memory_space<vmem>>
    %dma_wait3A_52 = arith.constant 0 : i32
    %dma_wait3A_53 = tpu.memref_slice %arg10[%dma_wait3A, %dma_wait3A_52] : memref<4x128xi32, #tpu.memory_space<vmem>> -> memref<1x128xi32, #tpu.memory_space<vmem>>
    %dma_wait3A_54 = tpu.memref_squeeze %dma_wait3A_53 : memref<1x128xi32, #tpu.memory_space<vmem>> -> memref<128xi32, #tpu.memory_space<vmem>>
    %dma_wait3A_55 = arith.constant 0 : i32
    %dma_wait3A_56 = arith.constant 0 : i32
    %dma_wait3A_57 = tpu.memref_slice %arg6[%dma_wait3A_55, %dma_wait3A_56] : memref<250000x128xf32, #tpu.memory_space<hbm>> -> memref<250000x128xf32, #tpu.memory_space<hbm>>
    tpu.wait_indirect_dma semaphore(%arg18 : memref<!tpu.dma_semaphore, #tpu.memory_space<semaphore_mem>>) src(%dma_wait3A_57 : memref<250000x128xf32, #tpu.memory_space<hbm>>) dst(%dma_wait3A_51 : memref<128x128xf32, #tpu.memory_space<vmem>>)
    %dma_wait3A_58 = arith.constant 0 : i32
    %dma_wait3A_59 = arith.constant 0 : i32
    %dma_wait3A_60 = arith.constant 0 : i32
    %dma_wait3A_61 = tpu.memref_slice %arg15[%dma_wait3A_59, %dma_wait3A_60] : memref<256x128xf32, #tpu.memory_space<vmem>> -> memref<128x128xf32, #tpu.memory_space<vmem>>
    %dma_wait3A_62 = arith.constant 0 : i32
    %dma_wait3A_63 = tpu.memref_slice %arg11[%dma_wait3A_58, %dma_wait3A_62] : memref<4x128xi32, #tpu.memory_space<vmem>> -> memref<1x128xi32, #tpu.memory_space<vmem>>
    %dma_wait3A_64 = tpu.memref_squeeze %dma_wait3A_63 : memref<1x128xi32, #tpu.memory_space<vmem>> -> memref<128xi32, #tpu.memory_space<vmem>>
    %dma_wait3A_65 = arith.constant 0 : i32
    %dma_wait3A_66 = arith.constant 0 : i32
    %dma_wait3A_67 = tpu.memref_slice %arg7[%dma_wait3A_65, %dma_wait3A_66] : memref<250000x128xf32, #tpu.memory_space<hbm>> -> memref<250000x128xf32, #tpu.memory_space<hbm>>
    tpu.wait_indirect_dma semaphore(%arg19 : memref<!tpu.dma_semaphore, #tpu.memory_space<semaphore_mem>>) src(%dma_wait3A_67 : memref<250000x128xf32, #tpu.memory_space<hbm>>) dst(%dma_wait3A_61 : memref<128x128xf32, #tpu.memory_space<vmem>>)
    %dma_wait3A_68 = arith.constant 1 : i32
    %dma_wait3A_69 = arith.constant 128 : i32
    %dma_wait3A_70 = arith.constant 0 : i32
    %dma_wait3A_71 = tpu.memref_slice %arg14[%dma_wait3A_69, %dma_wait3A_70] : memref<256x128xf32, #tpu.memory_space<vmem>> -> memref<128x128xf32, #tpu.memory_space<vmem>>
    %dma_wait3A_72 = arith.constant 0 : i32
    %dma_wait3A_73 = tpu.memref_slice %arg10[%dma_wait3A_68, %dma_wait3A_72] : memref<4x128xi32, #tpu.memory_space<vmem>> -> memref<1x128xi32, #tpu.memory_space<vmem>>
    %dma_wait3A_74 = tpu.memref_squeeze %dma_wait3A_73 : memref<1x128xi32, #tpu.memory_space<vmem>> -> memref<128xi32, #tpu.memory_space<vmem>>
    %dma_wait3A_75 = arith.constant 0 : i32
    %dma_wait3A_76 = arith.constant 0 : i32
    %dma_wait3A_77 = tpu.memref_slice %arg6[%dma_wait3A_75, %dma_wait3A_76] : memref<250000x128xf32, #tpu.memory_space<hbm>> -> memref<250000x128xf32, #tpu.memory_space<hbm>>
    tpu.wait_indirect_dma semaphore(%arg18 : memref<!tpu.dma_semaphore, #tpu.memory_space<semaphore_mem>>) src(%dma_wait3A_77 : memref<250000x128xf32, #tpu.memory_space<hbm>>) dst(%dma_wait3A_71 : memref<128x128xf32, #tpu.memory_space<vmem>>)
    %dma_wait3A_78 = arith.constant 1 : i32
    %dma_wait3A_79 = arith.constant 128 : i32
    %dma_wait3A_80 = arith.constant 0 : i32
    %dma_wait3A_81 = tpu.memref_slice %arg15[%dma_wait3A_79, %dma_wait3A_80] : memref<256x128xf32, #tpu.memory_space<vmem>> -> memref<128x128xf32, #tpu.memory_space<vmem>>
    %dma_wait3A_82 = arith.constant 0 : i32
    %dma_wait3A_83 = tpu.memref_slice %arg11[%dma_wait3A_78, %dma_wait3A_82] : memref<4x128xi32, #tpu.memory_space<vmem>> -> memref<1x128xi32, #tpu.memory_space<vmem>>
    %dma_wait3A_84 = tpu.memref_squeeze %dma_wait3A_83 : memref<1x128xi32, #tpu.memory_space<vmem>> -> memref<128xi32, #tpu.memory_space<vmem>>
    %dma_wait3A_85 = arith.constant 0 : i32
    %dma_wait3A_86 = arith.constant 0 : i32
    %dma_wait3A_87 = tpu.memref_slice %arg7[%dma_wait3A_85, %dma_wait3A_86] : memref<250000x128xf32, #tpu.memory_space<hbm>> -> memref<250000x128xf32, #tpu.memory_space<hbm>>
    tpu.wait_indirect_dma semaphore(%arg19 : memref<!tpu.dma_semaphore, #tpu.memory_space<semaphore_mem>>) src(%dma_wait3A_87 : memref<250000x128xf32, #tpu.memory_space<hbm>>) dst(%dma_wait3A_81 : memref<128x128xf32, #tpu.memory_space<vmem>>)
    %scan3A = arith.constant 0 : i32
    %scan3A_88 = arith.constant 0 : i32
    %scan3A_89 = arith.constant 16 : i32
    %scan3A_90 = arith.addi %scan3A_88, %scan3A_89 : i32
    %scan3A_91 = arith.constant 1 : i32
    scf.for %scan3A_179 = %scan3A_88 to %scan3A_90 step %scan3A_91  : i32 {
      %mul3A_180 = arith.constant 16 : i32
      %mul3A_181 = arith.muli %scan3A_179, %mul3A_180 : i32
      %multiple_of3A = tpu.assume_multiple %mul3A_181, 16 : i32
      %add3A_182 = vector.broadcast %multiple_of3A : i32 to vector<16xi32>
      %add3A_183 = arith.addi %add3A_182, %iota3A : vector<16xi32>
      %add3A_184 = arith.constant 0 : i32
      %add3A_185 = arith.addi %add3A_184, %multiple_of3A : i32
      %get3A_186 = arith.index_cast %add3A_185 : i32 to index
      %get3A_187 = tpu.vector_load %arg12[%get3A_186] {strides = array<i32>} : memref<512xi32, #tpu.memory_space<vmem>>, vector<16xi32>,
      %add3A_188 = arith.constant 0 : i32
      %add3A_189 = arith.addi %add3A_188, %multiple_of3A : i32
      %get3A_190 = arith.index_cast %add3A_189 : i32 to index
      %get3A_191 = tpu.vector_load %arg13[%get3A_190] {strides = array<i32>} : memref<512xi32, #tpu.memory_space<vmem>>, vector<16xi32>,
      %broadcast_in_dim3A = arith.constant 0.000000e+00 : f32
      %broadcast_in_dim3A_192 = vector.broadcast %broadcast_in_dim3A : f32 to vector<16xf32>
      %add3A_193 = arith.constant 0 : i32
      %add3A_194 = vector.broadcast %add3A_193 : i32 to vector<16xi32>
      %add3A_195 = arith.addi %get3A_187, %add3A_194 : vector<16xi32>
      %gather3A = tpu.vector_load_idx %arg14[%add3A_183, %add3A_195] : memref<256x128xf32, #tpu.memory_space<vmem>>[vector<16xi32>, vector<16xi32>], vector<16xf32>,
      %add3A_196 = arith.constant 0 : i32
      %add3A_197 = vector.broadcast %add3A_196 : i32 to vector<16xi32>
      %add3A_198 = arith.addi %get3A_191, %add3A_197 : vector<16xi32>
      %gather3A_199 = tpu.vector_load_idx %arg15[%add3A_183, %add3A_198] : memref<256x128xf32, #tpu.memory_space<vmem>>[vector<16xi32>, vector<16xi32>], vector<16xf32>,
      %mul3A_200 = arith.mulf %gather3A, %gather3A_199 : vector<16xf32>
      %add3A_201 = arith.addf %broadcast_in_dim3A_192, %mul3A_200 : vector<16xf32>
      %add3A_202 = arith.constant 1 : i32
      %add3A_203 = vector.broadcast %add3A_202 : i32 to vector<16xi32>
      %add3A_204 = arith.addi %get3A_187, %add3A_203 : vector<16xi32>
      %gather3A_205 = tpu.vector_load_idx %arg14[%add3A_183, %add3A_204] : memref<256x128xf32, #tpu.memory_space<vmem>>[vector<16xi32>, vector<16xi32>], vector<16xf32>,
      %add3A_206 = arith.constant 1 : i32
      %add3A_207 = vector.broadcast %add3A_206 : i32 to vector<16xi32>
      %add3A_208 = arith.addi %get3A_191, %add3A_207 : vector<16xi32>
      %gather3A_209 = tpu.vector_load_idx %arg15[%add3A_183, %add3A_208] : memref<256x128xf32, #tpu.memory_space<vmem>>[vector<16xi32>, vector<16xi32>], vector<16xf32>,
      %mul3A_210 = arith.mulf %gather3A_205, %gather3A_209 : vector<16xf32>
      %add3A_211 = arith.addf %add3A_201, %mul3A_210 : vector<16xf32>
      %add3A_212 = arith.constant 2 : i32
      %add3A_213 = vector.broadcast %add3A_212 : i32 to vector<16xi32>
      %add3A_214 = arith.addi %get3A_187, %add3A_213 : vector<16xi32>
      %gather3A_215 = tpu.vector_load_idx %arg14[%add3A_183, %add3A_214] : memref<256x128xf32, #tpu.memory_space<vmem>>[vector<16xi32>, vector<16xi32>], vector<16xf32>,
      %add3A_216 = arith.constant 2 : i32
      %add3A_217 = vector.broadcast %add3A_216 : i32 to vector<16xi32>
      %add3A_218 = arith.addi %get3A_191, %add3A_217 : vector<16xi32>
      %gather3A_219 = tpu.vector_load_idx %arg15[%add3A_183, %add3A_218] : memref<256x128xf32, #tpu.memory_space<vmem>>[vector<16xi32>, vector<16xi32>], vector<16xf32>,
      %mul3A_220 = arith.mulf %gather3A_215, %gather3A_219 : vector<16xf32>
      %add3A_221 = arith.addf %add3A_211, %mul3A_220 : vector<16xf32>
      %add3A_222 = arith.constant 3 : i32
      %add3A_223 = vector.broadcast %add3A_222 : i32 to vector<16xi32>
      %add3A_224 = arith.addi %get3A_187, %add3A_223 : vector<16xi32>
      %gather3A_225 = tpu.vector_load_idx %arg14[%add3A_183, %add3A_224] : memref<256x128xf32, #tpu.memory_space<vmem>>[vector<16xi32>, vector<16xi32>], vector<16xf32>,
      %add3A_226 = arith.constant 3 : i32
      %add3A_227 = vector.broadcast %add3A_226 : i32 to vector<16xi32>
      %add3A_228 = arith.addi %get3A_191, %add3A_227 : vector<16xi32>
      %gather3A_229 = tpu.vector_load_idx %arg15[%add3A_183, %add3A_228] : memref<256x128xf32, #tpu.memory_space<vmem>>[vector<16xi32>, vector<16xi32>], vector<16xf32>,
      %mul3A_230 = arith.mulf %gather3A_225, %gather3A_229 : vector<16xf32>
      %add3A_231 = arith.addf %add3A_221, %mul3A_230 : vector<16xf32>
      %add3A_232 = arith.constant 4 : i32
      %add3A_233 = vector.broadcast %add3A_232 : i32 to vector<16xi32>
      %add3A_234 = arith.addi %get3A_187, %add3A_233 : vector<16xi32>
      %gather3A_235 = tpu.vector_load_idx %arg14[%add3A_183, %add3A_234] : memref<256x128xf32, #tpu.memory_space<vmem>>[vector<16xi32>, vector<16xi32>], vector<16xf32>,
      %add3A_236 = arith.constant 4 : i32
      %add3A_237 = vector.broadcast %add3A_236 : i32 to vector<16xi32>
      %add3A_238 = arith.addi %get3A_191, %add3A_237 : vector<16xi32>
      %gather3A_239 = tpu.vector_load_idx %arg15[%add3A_183, %add3A_238] : memref<256x128xf32, #tpu.memory_space<vmem>>[vector<16xi32>, vector<16xi32>], vector<16xf32>,
      %mul3A_240 = arith.mulf %gather3A_235, %gather3A_239 : vector<16xf32>
      %add3A_241 = arith.addf %add3A_231, %mul3A_240 : vector<16xf32>
      %add3A_242 = arith.constant 5 : i32
      %add3A_243 = vector.broadcast %add3A_242 : i32 to vector<16xi32>
      %add3A_244 = arith.addi %get3A_187, %add3A_243 : vector<16xi32>
      %gather3A_245 = tpu.vector_load_idx %arg14[%add3A_183, %add3A_244] : memref<256x128xf32, #tpu.memory_space<vmem>>[vector<16xi32>, vector<16xi32>], vector<16xf32>,
      %add3A_246 = arith.constant 5 : i32
      %add3A_247 = vector.broadcast %add3A_246 : i32 to vector<16xi32>
      %add3A_248 = arith.addi %get3A_191, %add3A_247 : vector<16xi32>
      %gather3A_249 = tpu.vector_load_idx %arg15[%add3A_183, %add3A_248] : memref<256x128xf32, #tpu.memory_space<vmem>>[vector<16xi32>, vector<16xi32>], vector<16xf32>,
      %mul3A_250 = arith.mulf %gather3A_245, %gather3A_249 : vector<16xf32>
      %add3A_251 = arith.addf %add3A_241, %mul3A_250 : vector<16xf32>
      %add3A_252 = arith.constant 6 : i32
      %add3A_253 = vector.broadcast %add3A_252 : i32 to vector<16xi32>
      %add3A_254 = arith.addi %get3A_187, %add3A_253 : vector<16xi32>
      %gather3A_255 = tpu.vector_load_idx %arg14[%add3A_183, %add3A_254] : memref<256x128xf32, #tpu.memory_space<vmem>>[vector<16xi32>, vector<16xi32>], vector<16xf32>,
      %add3A_256 = arith.constant 6 : i32
      %add3A_257 = vector.broadcast %add3A_256 : i32 to vector<16xi32>
      %add3A_258 = arith.addi %get3A_191, %add3A_257 : vector<16xi32>
      %gather3A_259 = tpu.vector_load_idx %arg15[%add3A_183, %add3A_258] : memref<256x128xf32, #tpu.memory_space<vmem>>[vector<16xi32>, vector<16xi32>], vector<16xf32>,
      %mul3A_260 = arith.mulf %gather3A_255, %gather3A_259 : vector<16xf32>
      %add3A_261 = arith.addf %add3A_251, %mul3A_260 : vector<16xf32>
      %add3A_262 = arith.constant 7 : i32
      %add3A_263 = vector.broadcast %add3A_262 : i32 to vector<16xi32>
      %add3A_264 = arith.addi %get3A_187, %add3A_263 : vector<16xi32>
      %gather3A_265 = tpu.vector_load_idx %arg14[%add3A_183, %add3A_264] : memref<256x128xf32, #tpu.memory_space<vmem>>[vector<16xi32>, vector<16xi32>], vector<16xf32>,
      %add3A_266 = arith.constant 7 : i32
      %add3A_267 = vector.broadcast %add3A_266 : i32 to vector<16xi32>
      %add3A_268 = arith.addi %get3A_191, %add3A_267 : vector<16xi32>
      %gather3A_269 = tpu.vector_load_idx %arg15[%add3A_183, %add3A_268] : memref<256x128xf32, #tpu.memory_space<vmem>>[vector<16xi32>, vector<16xi32>], vector<16xf32>,
      %mul3A_270 = arith.mulf %gather3A_265, %gather3A_269 : vector<16xf32>
      %add3A_271 = arith.addf %add3A_261, %mul3A_270 : vector<16xf32>
      %add3A_272 = arith.constant 8 : i32
      %add3A_273 = vector.broadcast %add3A_272 : i32 to vector<16xi32>
      %add3A_274 = arith.addi %get3A_187, %add3A_273 : vector<16xi32>
      %gather3A_275 = tpu.vector_load_idx %arg14[%add3A_183, %add3A_274] : memref<256x128xf32, #tpu.memory_space<vmem>>[vector<16xi32>, vector<16xi32>], vector<16xf32>,
      %add3A_276 = arith.constant 8 : i32
      %add3A_277 = vector.broadcast %add3A_276 : i32 to vector<16xi32>
      %add3A_278 = arith.addi %get3A_191, %add3A_277 : vector<16xi32>
      %gather3A_279 = tpu.vector_load_idx %arg15[%add3A_183, %add3A_278] : memref<256x128xf32, #tpu.memory_space<vmem>>[vector<16xi32>, vector<16xi32>], vector<16xf32>,
      %mul3A_280 = arith.mulf %gather3A_275, %gather3A_279 : vector<16xf32>
      %add3A_281 = arith.addf %add3A_271, %mul3A_280 : vector<16xf32>
      %add3A_282 = arith.constant 9 : i32
      %add3A_283 = vector.broadcast %add3A_282 : i32 to vector<16xi32>
      %add3A_284 = arith.addi %get3A_187, %add3A_283 : vector<16xi32>
      %gather3A_285 = tpu.vector_load_idx %arg14[%add3A_183, %add3A_284] : memref<256x128xf32, #tpu.memory_space<vmem>>[vector<16xi32>, vector<16xi32>], vector<16xf32>,
      %add3A_286 = arith.constant 9 : i32
      %add3A_287 = vector.broadcast %add3A_286 : i32 to vector<16xi32>
      %add3A_288 = arith.addi %get3A_191, %add3A_287 : vector<16xi32>
      %gather3A_289 = tpu.vector_load_idx %arg15[%add3A_183, %add3A_288] : memref<256x128xf32, #tpu.memory_space<vmem>>[vector<16xi32>, vector<16xi32>], vector<16xf32>,
      %mul3A_290 = arith.mulf %gather3A_285, %gather3A_289 : vector<16xf32>
      %add3A_291 = arith.addf %add3A_281, %mul3A_290 : vector<16xf32>
      %add3A_292 = arith.constant 10 : i32
      %add3A_293 = vector.broadcast %add3A_292 : i32 to vector<16xi32>
      %add3A_294 = arith.addi %get3A_187, %add3A_293 : vector<16xi32>
      %gather3A_295 = tpu.vector_load_idx %arg14[%add3A_183, %add3A_294] : memref<256x128xf32, #tpu.memory_space<vmem>>[vector<16xi32>, vector<16xi32>], vector<16xf32>,
      %add3A_296 = arith.constant 10 : i32
      %add3A_297 = vector.broadcast %add3A_296 : i32 to vector<16xi32>
      %add3A_298 = arith.addi %get3A_191, %add3A_297 : vector<16xi32>
      %gather3A_299 = tpu.vector_load_idx %arg15[%add3A_183, %add3A_298] : memref<256x128xf32, #tpu.memory_space<vmem>>[vector<16xi32>, vector<16xi32>], vector<16xf32>,
      %mul3A_300 = arith.mulf %gather3A_295, %gather3A_299 : vector<16xf32>
      %add3A_301 = arith.addf %add3A_291, %mul3A_300 : vector<16xf32>
      %add3A_302 = arith.constant 11 : i32
      %add3A_303 = vector.broadcast %add3A_302 : i32 to vector<16xi32>
      %add3A_304 = arith.addi %get3A_187, %add3A_303 : vector<16xi32>
      %gather3A_305 = tpu.vector_load_idx %arg14[%add3A_183, %add3A_304] : memref<256x128xf32, #tpu.memory_space<vmem>>[vector<16xi32>, vector<16xi32>], vector<16xf32>,
      %add3A_306 = arith.constant 11 : i32
      %add3A_307 = vector.broadcast %add3A_306 : i32 to vector<16xi32>
      %add3A_308 = arith.addi %get3A_191, %add3A_307 : vector<16xi32>
      %gather3A_309 = tpu.vector_load_idx %arg15[%add3A_183, %add3A_308] : memref<256x128xf32, #tpu.memory_space<vmem>>[vector<16xi32>, vector<16xi32>], vector<16xf32>,
      %mul3A_310 = arith.mulf %gather3A_305, %gather3A_309 : vector<16xf32>
      %add3A_311 = arith.addf %add3A_301, %mul3A_310 : vector<16xf32>
      %add3A_312 = arith.constant 12 : i32
      %add3A_313 = vector.broadcast %add3A_312 : i32 to vector<16xi32>
      %add3A_314 = arith.addi %get3A_187, %add3A_313 : vector<16xi32>
      %gather3A_315 = tpu.vector_load_idx %arg14[%add3A_183, %add3A_314] : memref<256x128xf32, #tpu.memory_space<vmem>>[vector<16xi32>, vector<16xi32>], vector<16xf32>,
      %add3A_316 = arith.constant 12 : i32
      %add3A_317 = vector.broadcast %add3A_316 : i32 to vector<16xi32>
      %add3A_318 = arith.addi %get3A_191, %add3A_317 : vector<16xi32>
      %gather3A_319 = tpu.vector_load_idx %arg15[%add3A_183, %add3A_318] : memref<256x128xf32, #tpu.memory_space<vmem>>[vector<16xi32>, vector<16xi32>], vector<16xf32>,
      %mul3A_320 = arith.mulf %gather3A_315, %gather3A_319 : vector<16xf32>
      %add3A_321 = arith.addf %add3A_311, %mul3A_320 : vector<16xf32>
      %add3A_322 = arith.constant 13 : i32
      %add3A_323 = vector.broadcast %add3A_322 : i32 to vector<16xi32>
      %add3A_324 = arith.addi %get3A_187, %add3A_323 : vector<16xi32>
      %gather3A_325 = tpu.vector_load_idx %arg14[%add3A_183, %add3A_324] : memref<256x128xf32, #tpu.memory_space<vmem>>[vector<16xi32>, vector<16xi32>], vector<16xf32>,
      %add3A_326 = arith.constant 13 : i32
      %add3A_327 = vector.broadcast %add3A_326 : i32 to vector<16xi32>
      %add3A_328 = arith.addi %get3A_191, %add3A_327 : vector<16xi32>
      %gather3A_329 = tpu.vector_load_idx %arg15[%add3A_183, %add3A_328] : memref<256x128xf32, #tpu.memory_space<vmem>>[vector<16xi32>, vector<16xi32>], vector<16xf32>,
      %mul3A_330 = arith.mulf %gather3A_325, %gather3A_329 : vector<16xf32>
      %add3A_331 = arith.addf %add3A_321, %mul3A_330 : vector<16xf32>
      %add3A_332 = arith.constant 14 : i32
      %add3A_333 = vector.broadcast %add3A_332 : i32 to vector<16xi32>
      %add3A_334 = arith.addi %get3A_187, %add3A_333 : vector<16xi32>
      %gather3A_335 = tpu.vector_load_idx %arg14[%add3A_183, %add3A_334] : memref<256x128xf32, #tpu.memory_space<vmem>>[vector<16xi32>, vector<16xi32>], vector<16xf32>,
      %add3A_336 = arith.constant 14 : i32
      %add3A_337 = vector.broadcast %add3A_336 : i32 to vector<16xi32>
      %add3A_338 = arith.addi %get3A_191, %add3A_337 : vector<16xi32>
      %gather3A_339 = tpu.vector_load_idx %arg15[%add3A_183, %add3A_338] : memref<256x128xf32, #tpu.memory_space<vmem>>[vector<16xi32>, vector<16xi32>], vector<16xf32>,
      %mul3A_340 = arith.mulf %gather3A_335, %gather3A_339 : vector<16xf32>
      %add3A_341 = arith.addf %add3A_331, %mul3A_340 : vector<16xf32>
      %add3A_342 = arith.constant 15 : i32
      %add3A_343 = vector.broadcast %add3A_342 : i32 to vector<16xi32>
      %add3A_344 = arith.addi %get3A_187, %add3A_343 : vector<16xi32>
      %gather3A_345 = tpu.vector_load_idx %arg14[%add3A_183, %add3A_344] : memref<256x128xf32, #tpu.memory_space<vmem>>[vector<16xi32>, vector<16xi32>], vector<16xf32>,
      %add3A_346 = arith.constant 15 : i32
      %add3A_347 = vector.broadcast %add3A_346 : i32 to vector<16xi32>
      %add3A_348 = arith.addi %get3A_191, %add3A_347 : vector<16xi32>
      %gather3A_349 = tpu.vector_load_idx %arg15[%add3A_183, %add3A_348] : memref<256x128xf32, #tpu.memory_space<vmem>>[vector<16xi32>, vector<16xi32>], vector<16xf32>,
      %mul3A_350 = arith.mulf %gather3A_345, %gather3A_349 : vector<16xf32>
      %add3A_351 = arith.addf %add3A_341, %mul3A_350 : vector<16xf32>
      %add3A_352 = arith.constant 16 : i32
      %add3A_353 = vector.broadcast %add3A_352 : i32 to vector<16xi32>
      %add3A_354 = arith.addi %get3A_187, %add3A_353 : vector<16xi32>
      %gather3A_355 = tpu.vector_load_idx %arg14[%add3A_183, %add3A_354] : memref<256x128xf32, #tpu.memory_space<vmem>>[vector<16xi32>, vector<16xi32>], vector<16xf32>,
      %add3A_356 = arith.constant 16 : i32
      %add3A_357 = vector.broadcast %add3A_356 : i32 to vector<16xi32>
      %add3A_358 = arith.addi %get3A_191, %add3A_357 : vector<16xi32>
      %gather3A_359 = tpu.vector_load_idx %arg15[%add3A_183, %add3A_358] : memref<256x128xf32, #tpu.memory_space<vmem>>[vector<16xi32>, vector<16xi32>], vector<16xf32>,
      %mul3A_360 = arith.mulf %gather3A_355, %gather3A_359 : vector<16xf32>
      %add3A_361 = arith.addf %add3A_351, %mul3A_360 : vector<16xf32>
      %add3A_362 = arith.constant 17 : i32
      %add3A_363 = vector.broadcast %add3A_362 : i32 to vector<16xi32>
      %add3A_364 = arith.addi %get3A_187, %add3A_363 : vector<16xi32>
      %gather3A_365 = tpu.vector_load_idx %arg14[%add3A_183, %add3A_364] : memref<256x128xf32, #tpu.memory_space<vmem>>[vector<16xi32>, vector<16xi32>], vector<16xf32>,
      %add3A_366 = arith.constant 17 : i32
      %add3A_367 = vector.broadcast %add3A_366 : i32 to vector<16xi32>
      %add3A_368 = arith.addi %get3A_191, %add3A_367 : vector<16xi32>
      %gather3A_369 = tpu.vector_load_idx %arg15[%add3A_183, %add3A_368] : memref<256x128xf32, #tpu.memory_space<vmem>>[vector<16xi32>, vector<16xi32>], vector<16xf32>,
      %mul3A_370 = arith.mulf %gather3A_365, %gather3A_369 : vector<16xf32>
      %add3A_371 = arith.addf %add3A_361, %mul3A_370 : vector<16xf32>
      %add3A_372 = arith.constant 18 : i32
      %add3A_373 = vector.broadcast %add3A_372 : i32 to vector<16xi32>
      %add3A_374 = arith.addi %get3A_187, %add3A_373 : vector<16xi32>
      %gather3A_375 = tpu.vector_load_idx %arg14[%add3A_183, %add3A_374] : memref<256x128xf32, #tpu.memory_space<vmem>>[vector<16xi32>, vector<16xi32>], vector<16xf32>,
      %add3A_376 = arith.constant 18 : i32
      %add3A_377 = vector.broadcast %add3A_376 : i32 to vector<16xi32>
      %add3A_378 = arith.addi %get3A_191, %add3A_377 : vector<16xi32>
      %gather3A_379 = tpu.vector_load_idx %arg15[%add3A_183, %add3A_378] : memref<256x128xf32, #tpu.memory_space<vmem>>[vector<16xi32>, vector<16xi32>], vector<16xf32>,
      %mul3A_380 = arith.mulf %gather3A_375, %gather3A_379 : vector<16xf32>
      %add3A_381 = arith.addf %add3A_371, %mul3A_380 : vector<16xf32>
      %add3A_382 = arith.constant 19 : i32
      %add3A_383 = vector.broadcast %add3A_382 : i32 to vector<16xi32>
      %add3A_384 = arith.addi %get3A_187, %add3A_383 : vector<16xi32>
      %gather3A_385 = tpu.vector_load_idx %arg14[%add3A_183, %add3A_384] : memref<256x128xf32, #tpu.memory_space<vmem>>[vector<16xi32>, vector<16xi32>], vector<16xf32>,
      %add3A_386 = arith.constant 19 : i32
      %add3A_387 = vector.broadcast %add3A_386 : i32 to vector<16xi32>
      %add3A_388 = arith.addi %get3A_191, %add3A_387 : vector<16xi32>
      %gather3A_389 = tpu.vector_load_idx %arg15[%add3A_183, %add3A_388] : memref<256x128xf32, #tpu.memory_space<vmem>>[vector<16xi32>, vector<16xi32>], vector<16xf32>,
      %mul3A_390 = arith.mulf %gather3A_385, %gather3A_389 : vector<16xf32>
      %add3A_391 = arith.addf %add3A_381, %mul3A_390 : vector<16xf32>
      %add3A_392 = arith.constant 20 : i32
      %add3A_393 = vector.broadcast %add3A_392 : i32 to vector<16xi32>
      %add3A_394 = arith.addi %get3A_187, %add3A_393 : vector<16xi32>
      %gather3A_395 = tpu.vector_load_idx %arg14[%add3A_183, %add3A_394] : memref<256x128xf32, #tpu.memory_space<vmem>>[vector<16xi32>, vector<16xi32>], vector<16xf32>,
      %add3A_396 = arith.constant 20 : i32
      %add3A_397 = vector.broadcast %add3A_396 : i32 to vector<16xi32>
      %add3A_398 = arith.addi %get3A_191, %add3A_397 : vector<16xi32>
      %gather3A_399 = tpu.vector_load_idx %arg15[%add3A_183, %add3A_398] : memref<256x128xf32, #tpu.memory_space<vmem>>[vector<16xi32>, vector<16xi32>], vector<16xf32>,
      %mul3A_400 = arith.mulf %gather3A_395, %gather3A_399 : vector<16xf32>
      %add3A_401 = arith.addf %add3A_391, %mul3A_400 : vector<16xf32>
      %add3A_402 = arith.constant 21 : i32
      %add3A_403 = vector.broadcast %add3A_402 : i32 to vector<16xi32>
      %add3A_404 = arith.addi %get3A_187, %add3A_403 : vector<16xi32>
      %gather3A_405 = tpu.vector_load_idx %arg14[%add3A_183, %add3A_404] : memref<256x128xf32, #tpu.memory_space<vmem>>[vector<16xi32>, vector<16xi32>], vector<16xf32>,
      %add3A_406 = arith.constant 21 : i32
      %add3A_407 = vector.broadcast %add3A_406 : i32 to vector<16xi32>
      %add3A_408 = arith.addi %get3A_191, %add3A_407 : vector<16xi32>
      %gather3A_409 = tpu.vector_load_idx %arg15[%add3A_183, %add3A_408] : memref<256x128xf32, #tpu.memory_space<vmem>>[vector<16xi32>, vector<16xi32>], vector<16xf32>,
      %mul3A_410 = arith.mulf %gather3A_405, %gather3A_409 : vector<16xf32>
      %add3A_411 = arith.addf %add3A_401, %mul3A_410 : vector<16xf32>
      %add3A_412 = arith.constant 22 : i32
      %add3A_413 = vector.broadcast %add3A_412 : i32 to vector<16xi32>
      %add3A_414 = arith.addi %get3A_187, %add3A_413 : vector<16xi32>
      %gather3A_415 = tpu.vector_load_idx %arg14[%add3A_183, %add3A_414] : memref<256x128xf32, #tpu.memory_space<vmem>>[vector<16xi32>, vector<16xi32>], vector<16xf32>,
      %add3A_416 = arith.constant 22 : i32
      %add3A_417 = vector.broadcast %add3A_416 : i32 to vector<16xi32>
      %add3A_418 = arith.addi %get3A_191, %add3A_417 : vector<16xi32>
      %gather3A_419 = tpu.vector_load_idx %arg15[%add3A_183, %add3A_418] : memref<256x128xf32, #tpu.memory_space<vmem>>[vector<16xi32>, vector<16xi32>], vector<16xf32>,
      %mul3A_420 = arith.mulf %gather3A_415, %gather3A_419 : vector<16xf32>
      %add3A_421 = arith.addf %add3A_411, %mul3A_420 : vector<16xf32>
      %add3A_422 = arith.constant 23 : i32
      %add3A_423 = vector.broadcast %add3A_422 : i32 to vector<16xi32>
      %add3A_424 = arith.addi %get3A_187, %add3A_423 : vector<16xi32>
      %gather3A_425 = tpu.vector_load_idx %arg14[%add3A_183, %add3A_424] : memref<256x128xf32, #tpu.memory_space<vmem>>[vector<16xi32>, vector<16xi32>], vector<16xf32>,
      %add3A_426 = arith.constant 23 : i32
      %add3A_427 = vector.broadcast %add3A_426 : i32 to vector<16xi32>
      %add3A_428 = arith.addi %get3A_191, %add3A_427 : vector<16xi32>
      %gather3A_429 = tpu.vector_load_idx %arg15[%add3A_183, %add3A_428] : memref<256x128xf32, #tpu.memory_space<vmem>>[vector<16xi32>, vector<16xi32>], vector<16xf32>,
      %mul3A_430 = arith.mulf %gather3A_425, %gather3A_429 : vector<16xf32>
      %add3A_431 = arith.addf %add3A_421, %mul3A_430 : vector<16xf32>
      %add3A_432 = arith.constant 24 : i32
      %add3A_433 = vector.broadcast %add3A_432 : i32 to vector<16xi32>
      %add3A_434 = arith.addi %get3A_187, %add3A_433 : vector<16xi32>
      %gather3A_435 = tpu.vector_load_idx %arg14[%add3A_183, %add3A_434] : memref<256x128xf32, #tpu.memory_space<vmem>>[vector<16xi32>, vector<16xi32>], vector<16xf32>,
      %add3A_436 = arith.constant 24 : i32
      %add3A_437 = vector.broadcast %add3A_436 : i32 to vector<16xi32>
      %add3A_438 = arith.addi %get3A_191, %add3A_437 : vector<16xi32>
      %gather3A_439 = tpu.vector_load_idx %arg15[%add3A_183, %add3A_438] : memref<256x128xf32, #tpu.memory_space<vmem>>[vector<16xi32>, vector<16xi32>], vector<16xf32>,
      %mul3A_440 = arith.mulf %gather3A_435, %gather3A_439 : vector<16xf32>
      %add3A_441 = arith.addf %add3A_431, %mul3A_440 : vector<16xf32>
      %add3A_442 = arith.constant 25 : i32
      %add3A_443 = vector.broadcast %add3A_442 : i32 to vector<16xi32>
      %add3A_444 = arith.addi %get3A_187, %add3A_443 : vector<16xi32>
      %gather3A_445 = tpu.vector_load_idx %arg14[%add3A_183, %add3A_444] : memref<256x128xf32, #tpu.memory_space<vmem>>[vector<16xi32>, vector<16xi32>], vector<16xf32>,
      %add3A_446 = arith.constant 25 : i32
      %add3A_447 = vector.broadcast %add3A_446 : i32 to vector<16xi32>
      %add3A_448 = arith.addi %get3A_191, %add3A_447 : vector<16xi32>
      %gather3A_449 = tpu.vector_load_idx %arg15[%add3A_183, %add3A_448] : memref<256x128xf32, #tpu.memory_space<vmem>>[vector<16xi32>, vector<16xi32>], vector<16xf32>,
      %mul3A_450 = arith.mulf %gather3A_445, %gather3A_449 : vector<16xf32>
      %add3A_451 = arith.addf %add3A_441, %mul3A_450 : vector<16xf32>
      %add3A_452 = arith.constant 26 : i32
      %add3A_453 = vector.broadcast %add3A_452 : i32 to vector<16xi32>
      %add3A_454 = arith.addi %get3A_187, %add3A_453 : vector<16xi32>
      %gather3A_455 = tpu.vector_load_idx %arg14[%add3A_183, %add3A_454] : memref<256x128xf32, #tpu.memory_space<vmem>>[vector<16xi32>, vector<16xi32>], vector<16xf32>,
      %add3A_456 = arith.constant 26 : i32
      %add3A_457 = vector.broadcast %add3A_456 : i32 to vector<16xi32>
      %add3A_458 = arith.addi %get3A_191, %add3A_457 : vector<16xi32>
      %gather3A_459 = tpu.vector_load_idx %arg15[%add3A_183, %add3A_458] : memref<256x128xf32, #tpu.memory_space<vmem>>[vector<16xi32>, vector<16xi32>], vector<16xf32>,
      %mul3A_460 = arith.mulf %gather3A_455, %gather3A_459 : vector<16xf32>
      %add3A_461 = arith.addf %add3A_451, %mul3A_460 : vector<16xf32>
      %add3A_462 = arith.constant 27 : i32
      %add3A_463 = vector.broadcast %add3A_462 : i32 to vector<16xi32>
      %add3A_464 = arith.addi %get3A_187, %add3A_463 : vector<16xi32>
      %gather3A_465 = tpu.vector_load_idx %arg14[%add3A_183, %add3A_464] : memref<256x128xf32, #tpu.memory_space<vmem>>[vector<16xi32>, vector<16xi32>], vector<16xf32>,
      %add3A_466 = arith.constant 27 : i32
      %add3A_467 = vector.broadcast %add3A_466 : i32 to vector<16xi32>
      %add3A_468 = arith.addi %get3A_191, %add3A_467 : vector<16xi32>
      %gather3A_469 = tpu.vector_load_idx %arg15[%add3A_183, %add3A_468] : memref<256x128xf32, #tpu.memory_space<vmem>>[vector<16xi32>, vector<16xi32>], vector<16xf32>,
      %mul3A_470 = arith.mulf %gather3A_465, %gather3A_469 : vector<16xf32>
      %add3A_471 = arith.addf %add3A_461, %mul3A_470 : vector<16xf32>
      %add3A_472 = arith.constant 28 : i32
      %add3A_473 = vector.broadcast %add3A_472 : i32 to vector<16xi32>
      %add3A_474 = arith.addi %get3A_187, %add3A_473 : vector<16xi32>
      %gather3A_475 = tpu.vector_load_idx %arg14[%add3A_183, %add3A_474] : memref<256x128xf32, #tpu.memory_space<vmem>>[vector<16xi32>, vector<16xi32>], vector<16xf32>,
      %add3A_476 = arith.constant 28 : i32
      %add3A_477 = vector.broadcast %add3A_476 : i32 to vector<16xi32>
      %add3A_478 = arith.addi %get3A_191, %add3A_477 : vector<16xi32>
      %gather3A_479 = tpu.vector_load_idx %arg15[%add3A_183, %add3A_478] : memref<256x128xf32, #tpu.memory_space<vmem>>[vector<16xi32>, vector<16xi32>], vector<16xf32>,
      %mul3A_480 = arith.mulf %gather3A_475, %gather3A_479 : vector<16xf32>
      %add3A_481 = arith.addf %add3A_471, %mul3A_480 : vector<16xf32>
      %add3A_482 = arith.constant 29 : i32
      %add3A_483 = vector.broadcast %add3A_482 : i32 to vector<16xi32>
      %add3A_484 = arith.addi %get3A_187, %add3A_483 : vector<16xi32>
      %gather3A_485 = tpu.vector_load_idx %arg14[%add3A_183, %add3A_484] : memref<256x128xf32, #tpu.memory_space<vmem>>[vector<16xi32>, vector<16xi32>], vector<16xf32>,
      %add3A_486 = arith.constant 29 : i32
      %add3A_487 = vector.broadcast %add3A_486 : i32 to vector<16xi32>
      %add3A_488 = arith.addi %get3A_191, %add3A_487 : vector<16xi32>
      %gather3A_489 = tpu.vector_load_idx %arg15[%add3A_183, %add3A_488] : memref<256x128xf32, #tpu.memory_space<vmem>>[vector<16xi32>, vector<16xi32>], vector<16xf32>,
      %mul3A_490 = arith.mulf %gather3A_485, %gather3A_489 : vector<16xf32>
      %add3A_491 = arith.addf %add3A_481, %mul3A_490 : vector<16xf32>
      %add3A_492 = arith.constant 30 : i32
      %add3A_493 = vector.broadcast %add3A_492 : i32 to vector<16xi32>
      %add3A_494 = arith.addi %get3A_187, %add3A_493 : vector<16xi32>
      %gather3A_495 = tpu.vector_load_idx %arg14[%add3A_183, %add3A_494] : memref<256x128xf32, #tpu.memory_space<vmem>>[vector<16xi32>, vector<16xi32>], vector<16xf32>,
      %add3A_496 = arith.constant 30 : i32
      %add3A_497 = vector.broadcast %add3A_496 : i32 to vector<16xi32>
      %add3A_498 = arith.addi %get3A_191, %add3A_497 : vector<16xi32>
      %gather3A_499 = tpu.vector_load_idx %arg15[%add3A_183, %add3A_498] : memref<256x128xf32, #tpu.memory_space<vmem>>[vector<16xi32>, vector<16xi32>], vector<16xf32>,
      %mul3A_500 = arith.mulf %gather3A_495, %gather3A_499 : vector<16xf32>
      %add3A_501 = arith.addf %add3A_491, %mul3A_500 : vector<16xf32>
      %add3A_502 = arith.constant 31 : i32
      %add3A_503 = vector.broadcast %add3A_502 : i32 to vector<16xi32>
      %add3A_504 = arith.addi %get3A_187, %add3A_503 : vector<16xi32>
      %gather3A_505 = tpu.vector_load_idx %arg14[%add3A_183, %add3A_504] : memref<256x128xf32, #tpu.memory_space<vmem>>[vector<16xi32>, vector<16xi32>], vector<16xf32>,
      %add3A_506 = arith.constant 31 : i32
      %add3A_507 = vector.broadcast %add3A_506 : i32 to vector<16xi32>
      %add3A_508 = arith.addi %get3A_191, %add3A_507 : vector<16xi32>
      %gather3A_509 = tpu.vector_load_idx %arg15[%add3A_183, %add3A_508] : memref<256x128xf32, #tpu.memory_space<vmem>>[vector<16xi32>, vector<16xi32>], vector<16xf32>,
      %mul3A_510 = arith.mulf %gather3A_505, %gather3A_509 : vector<16xf32>
      %add3A_511 = arith.addf %add3A_501, %mul3A_510 : vector<16xf32>
      %mul3A_512 = arith.mulf %add3A_511, %get3A_5 : vector<16xf32>
      %add3A_513 = arith.addf %mul3A_512, %get3A_9 : vector<16xf32>
      %neg3A = arith.constant 0.000000e+00 : f32
      %neg3A_514 = vector.broadcast %neg3A : f32 to vector<16xf32>
      %neg3A_515 = arith.subf %neg3A_514, %add3A_513 : vector<16xf32>
      %exp3A = math.exp %neg3A_515 : vector<16xf32>
      %add3A_516 = arith.constant 1.000000e+00 : f32
      %add3A_517 = vector.broadcast %add3A_516 : f32 to vector<16xf32>
      %add3A_518 = arith.addf %add3A_517, %exp3A : vector<16xf32>
      %div3A = arith.constant 1.000000e+00 : f32
      %div3A_519 = vector.broadcast %div3A : f32 to vector<16xf32>
      %div3A_520 = arith.divf %div3A_519, %add3A_518 : vector<16xf32>
      %add3A_521 = arith.constant 0 : i32
      %add3A_522 = arith.addi %add3A_521, %multiple_of3A : i32
      %swap3A = arith.index_cast %add3A_522 : i32 to index
      %swap3A_523 = tpu.vector_load %arg17[%swap3A] {strides = array<i32>} : memref<512xf32, #tpu.memory_space<vmem>>, vector<16xf32>,
      tpu.vector_store %arg17[%swap3A], %div3A_520 {strides = array<i32>} : memref<512xf32, #tpu.memory_space<vmem>>, vector<16xf32>,
    }
    %scan3A_92 = arith.constant 16 : i32
    %dma_start3A_93 = arith.constant 2 : i32
    %dma_start3A_94 = arith.constant 0 : i32
    %dma_start3A_95 = arith.constant 0 : i32
    %dma_start3A_96 = tpu.memref_slice %arg14[%dma_start3A_94, %dma_start3A_95] : memref<256x128xf32, #tpu.memory_space<vmem>> -> memref<128x128xf32, #tpu.memory_space<vmem>>
    %dma_start3A_97 = arith.constant 0 : i32
    %dma_start3A_98 = tpu.memref_slice %arg10[%dma_start3A_93, %dma_start3A_97] : memref<4x128xi32, #tpu.memory_space<vmem>> -> memref<1x128xi32, #tpu.memory_space<vmem>>
    %dma_start3A_99 = tpu.memref_squeeze %dma_start3A_98 : memref<1x128xi32, #tpu.memory_space<vmem>> -> memref<128xi32, #tpu.memory_space<vmem>>
    %dma_start3A_100 = arith.constant 0 : i32
    %dma_start3A_101 = arith.constant 0 : i32
    %dma_start3A_102 = tpu.memref_slice %arg6[%dma_start3A_100, %dma_start3A_101] : memref<250000x128xf32, #tpu.memory_space<hbm>> -> memref<250000x128xf32, #tpu.memory_space<hbm>>
    tpu.enqueue_indirect_dma source(%dma_start3A_102 : memref<250000x128xf32, #tpu.memory_space<hbm>>) target(%dma_start3A_96 : memref<128x128xf32, #tpu.memory_space<vmem>>) offsets(%dma_start3A_99 : memref<128xi32, #tpu.memory_space<vmem>>) semaphore(%arg18 : memref<!tpu.dma_semaphore, #tpu.memory_space<semaphore_mem>>)
    %dma_start3A_103 = arith.constant 2 : i32
    %dma_start3A_104 = arith.constant 0 : i32
    %dma_start3A_105 = arith.constant 0 : i32
    %dma_start3A_106 = tpu.memref_slice %arg15[%dma_start3A_104, %dma_start3A_105] : memref<256x128xf32, #tpu.memory_space<vmem>> -> memref<128x128xf32, #tpu.memory_space<vmem>>
    %dma_start3A_107 = arith.constant 0 : i32
    %dma_start3A_108 = tpu.memref_slice %arg11[%dma_start3A_103, %dma_start3A_107] : memref<4x128xi32, #tpu.memory_space<vmem>> -> memref<1x128xi32, #tpu.memory_space<vmem>>
    %dma_start3A_109 = tpu.memref_squeeze %dma_start3A_108 : memref<1x128xi32, #tpu.memory_space<vmem>> -> memref<128xi32, #tpu.memory_space<vmem>>
    %dma_start3A_110 = arith.constant 0 : i32
    %dma_start3A_111 = arith.constant 0 : i32
    %dma_start3A_112 = tpu.memref_slice %arg7[%dma_start3A_110, %dma_start3A_111] : memref<250000x128xf32, #tpu.memory_space<hbm>> -> memref<250000x128xf32, #tpu.memory_space<hbm>>
    tpu.enqueue_indirect_dma source(%dma_start3A_112 : memref<250000x128xf32, #tpu.memory_space<hbm>>) target(%dma_start3A_106 : memref<128x128xf32, #tpu.memory_space<vmem>>) offsets(%dma_start3A_109 : memref<128xi32, #tpu.memory_space<vmem>>) semaphore(%arg19 : memref<!tpu.dma_semaphore, #tpu.memory_space<semaphore_mem>>)
    %dma_start3A_113 = arith.constant 3 : i32
    %dma_start3A_114 = arith.constant 128 : i32
    %dma_start3A_115 = arith.constant 0 : i32
    %dma_start3A_116 = tpu.memref_slice %arg14[%dma_start3A_114, %dma_start3A_115] : memref<256x128xf32, #tpu.memory_space<vmem>> -> memref<128x128xf32, #tpu.memory_space<vmem>>
    %dma_start3A_117 = arith.constant 0 : i32
    %dma_start3A_118 = tpu.memref_slice %arg10[%dma_start3A_113, %dma_start3A_117] : memref<4x128xi32, #tpu.memory_space<vmem>> -> memref<1x128xi32, #tpu.memory_space<vmem>>
    %dma_start3A_119 = tpu.memref_squeeze %dma_start3A_118 : memref<1x128xi32, #tpu.memory_space<vmem>> -> memref<128xi32, #tpu.memory_space<vmem>>
    %dma_start3A_120 = arith.constant 0 : i32
    %dma_start3A_121 = arith.constant 0 : i32
    %dma_start3A_122 = tpu.memref_slice %arg6[%dma_start3A_120, %dma_start3A_121] : memref<250000x128xf32, #tpu.memory_space<hbm>> -> memref<250000x128xf32, #tpu.memory_space<hbm>>
    tpu.enqueue_indirect_dma source(%dma_start3A_122 : memref<250000x128xf32, #tpu.memory_space<hbm>>) target(%dma_start3A_116 : memref<128x128xf32, #tpu.memory_space<vmem>>) offsets(%dma_start3A_119 : memref<128xi32, #tpu.memory_space<vmem>>) semaphore(%arg18 : memref<!tpu.dma_semaphore, #tpu.memory_space<semaphore_mem>>)
    %dma_start3A_123 = arith.constant 3 : i32
    %dma_start3A_124 = arith.constant 128 : i32
    %dma_start3A_125 = arith.constant 0 : i32
    %dma_start3A_126 = tpu.memref_slice %arg15[%dma_start3A_124, %dma_start3A_125] : memref<256x128xf32, #tpu.memory_space<vmem>> -> memref<128x128xf32, #tpu.memory_space<vmem>>
    %dma_start3A_127 = arith.constant 0 : i32
    %dma_start3A_128 = tpu.memref_slice %arg11[%dma_start3A_123, %dma_start3A_127] : memref<4x128xi32, #tpu.memory_space<vmem>> -> memref<1x128xi32, #tpu.memory_space<vmem>>
    %dma_start3A_129 = tpu.memref_squeeze %dma_start3A_128 : memref<1x128xi32, #tpu.memory_space<vmem>> -> memref<128xi32, #tpu.memory_space<vmem>>
    %dma_start3A_130 = arith.constant 0 : i32
    %dma_start3A_131 = arith.constant 0 : i32
    %dma_start3A_132 = tpu.memref_slice %arg7[%dma_start3A_130, %dma_start3A_131] : memref<250000x128xf32, #tpu.memory_space<hbm>> -> memref<250000x128xf32, #tpu.memory_space<hbm>>
    tpu.enqueue_indirect_dma source(%dma_start3A_132 : memref<250000x128xf32, #tpu.memory_space<hbm>>) target(%dma_start3A_126 : memref<128x128xf32, #tpu.memory_space<vmem>>) offsets(%dma_start3A_129 : memref<128xi32, #tpu.memory_space<vmem>>) semaphore(%arg19 : memref<!tpu.dma_semaphore, #tpu.memory_space<semaphore_mem>>)
    %dma_wait3A_133 = arith.constant 2 : i32
    %dma_wait3A_134 = arith.constant 0 : i32
    %dma_wait3A_135 = arith.constant 0 : i32
    %dma_wait3A_136 = tpu.memref_slice %arg14[%dma_wait3A_134, %dma_wait3A_135] : memref<256x128xf32, #tpu.memory_space<vmem>> -> memref<128x128xf32, #tpu.memory_space<vmem>>
    %dma_wait3A_137 = arith.constant 0 : i32
    %dma_wait3A_138 = tpu.memref_slice %arg10[%dma_wait3A_133, %dma_wait3A_137] : memref<4x128xi32, #tpu.memory_space<vmem>> -> memref<1x128xi32, #tpu.memory_space<vmem>>
    %dma_wait3A_139 = tpu.memref_squeeze %dma_wait3A_138 : memref<1x128xi32, #tpu.memory_space<vmem>> -> memref<128xi32, #tpu.memory_space<vmem>>
    %dma_wait3A_140 = arith.constant 0 : i32
    %dma_wait3A_141 = arith.constant 0 : i32
    %dma_wait3A_142 = tpu.memref_slice %arg6[%dma_wait3A_140, %dma_wait3A_141] : memref<250000x128xf32, #tpu.memory_space<hbm>> -> memref<250000x128xf32, #tpu.memory_space<hbm>>
    tpu.wait_indirect_dma semaphore(%arg18 : memref<!tpu.dma_semaphore, #tpu.memory_space<semaphore_mem>>) src(%dma_wait3A_142 : memref<250000x128xf32, #tpu.memory_space<hbm>>) dst(%dma_wait3A_136 : memref<128x128xf32, #tpu.memory_space<vmem>>)
    %dma_wait3A_143 = arith.constant 2 : i32
    %dma_wait3A_144 = arith.constant 0 : i32
    %dma_wait3A_145 = arith.constant 0 : i32
    %dma_wait3A_146 = tpu.memref_slice %arg15[%dma_wait3A_144, %dma_wait3A_145] : memref<256x128xf32, #tpu.memory_space<vmem>> -> memref<128x128xf32, #tpu.memory_space<vmem>>
    %dma_wait3A_147 = arith.constant 0 : i32
    %dma_wait3A_148 = tpu.memref_slice %arg11[%dma_wait3A_143, %dma_wait3A_147] : memref<4x128xi32, #tpu.memory_space<vmem>> -> memref<1x128xi32, #tpu.memory_space<vmem>>
    %dma_wait3A_149 = tpu.memref_squeeze %dma_wait3A_148 : memref<1x128xi32, #tpu.memory_space<vmem>> -> memref<128xi32, #tpu.memory_space<vmem>>
    %dma_wait3A_150 = arith.constant 0 : i32
    %dma_wait3A_151 = arith.constant 0 : i32
    %dma_wait3A_152 = tpu.memref_slice %arg7[%dma_wait3A_150, %dma_wait3A_151] : memref<250000x128xf32, #tpu.memory_space<hbm>> -> memref<250000x128xf32, #tpu.memory_space<hbm>>
    tpu.wait_indirect_dma semaphore(%arg19 : memref<!tpu.dma_semaphore, #tpu.memory_space<semaphore_mem>>) src(%dma_wait3A_152 : memref<250000x128xf32, #tpu.memory_space<hbm>>) dst(%dma_wait3A_146 : memref<128x128xf32, #tpu.memory_space<vmem>>)
    %dma_wait3A_153 = arith.constant 3 : i32
    %dma_wait3A_154 = arith.constant 128 : i32
    %dma_wait3A_155 = arith.constant 0 : i32
    %dma_wait3A_156 = tpu.memref_slice %arg14[%dma_wait3A_154, %dma_wait3A_155] : memref<256x128xf32, #tpu.memory_space<vmem>> -> memref<128x128xf32, #tpu.memory_space<vmem>>
    %dma_wait3A_157 = arith.constant 0 : i32
    %dma_wait3A_158 = tpu.memref_slice %arg10[%dma_wait3A_153, %dma_wait3A_157] : memref<4x128xi32, #tpu.memory_space<vmem>> -> memref<1x128xi32, #tpu.memory_space<vmem>>
    %dma_wait3A_159 = tpu.memref_squeeze %dma_wait3A_158 : memref<1x128xi32, #tpu.memory_space<vmem>> -> memref<128xi32, #tpu.memory_space<vmem>>
    %dma_wait3A_160 = arith.constant 0 : i32
    %dma_wait3A_161 = arith.constant 0 : i32
    %dma_wait3A_162 = tpu.memref_slice %arg6[%dma_wait3A_160, %dma_wait3A_161] : memref<250000x128xf32, #tpu.memory_space<hbm>> -> memref<250000x128xf32, #tpu.memory_space<hbm>>
    tpu.wait_indirect_dma semaphore(%arg18 : memref<!tpu.dma_semaphore, #tpu.memory_space<semaphore_mem>>) src(%dma_wait3A_162 : memref<250000x128xf32, #tpu.memory_space<hbm>>) dst(%dma_wait3A_156 : memref<128x128xf32, #tpu.memory_space<vmem>>)
    %dma_wait3A_163 = arith.constant 3 : i32
    %dma_wait3A_164 = arith.constant 128 : i32
    %dma_wait3A_165 = arith.constant 0 : i32
    %dma_wait3A_166 = tpu.memref_slice %arg15[%dma_wait3A_164, %dma_wait3A_165] : memref<256x128xf32, #tpu.memory_space<vmem>> -> memref<128x128xf32, #tpu.memory_space<vmem>>
    %dma_wait3A_167 = arith.constant 0 : i32
    %dma_wait3A_168 = tpu.memref_slice %arg11[%dma_wait3A_163, %dma_wait3A_167] : memref<4x128xi32, #tpu.memory_space<vmem>> -> memref<1x128xi32, #tpu.memory_space<vmem>>
    %dma_wait3A_169 = tpu.memref_squeeze %dma_wait3A_168 : memref<1x128xi32, #tpu.memory_space<vmem>> -> memref<128xi32, #tpu.memory_space<vmem>>
    %dma_wait3A_170 = arith.constant 0 : i32
    %dma_wait3A_171 = arith.constant 0 : i32
    %dma_wait3A_172 = tpu.memref_slice %arg7[%dma_wait3A_170, %dma_wait3A_171] : memref<250000x128xf32, #tpu.memory_space<hbm>> -> memref<250000x128xf32, #tpu.memory_space<hbm>>
    tpu.wait_indirect_dma semaphore(%arg19 : memref<!tpu.dma_semaphore, #tpu.memory_space<semaphore_mem>>) src(%dma_wait3A_172 : memref<250000x128xf32, #tpu.memory_space<hbm>>) dst(%dma_wait3A_166 : memref<128x128xf32, #tpu.memory_space<vmem>>)
    %scan3A_173 = arith.constant 0 : i32
    %scan3A_174 = arith.constant 0 : i32
    %scan3A_175 = arith.constant 16 : i32
    %scan3A_176 = arith.addi %scan3A_174, %scan3A_175 : i32
    %scan3A_177 = arith.constant 1 : i32
    scf.for %scan3A_179 = %scan3A_174 to %scan3A_176 step %scan3A_177  : i32 {
      %mul3A_180 = arith.constant 16 : i32
      %mul3A_181 = arith.muli %scan3A_179, %mul3A_180 : i32
      %multiple_of3A = tpu.assume_multiple %mul3A_181, 16 : i32
      %add3A_182 = vector.broadcast %multiple_of3A : i32 to vector<16xi32>
      %add3A_183 = arith.addi %add3A_182, %iota3A : vector<16xi32>
      %add3A_184 = arith.constant 256 : i32
      %add3A_185 = arith.addi %add3A_184, %multiple_of3A : i32
      %get3A_186 = arith.index_cast %add3A_185 : i32 to index
      %get3A_187 = tpu.vector_load %arg12[%get3A_186] {strides = array<i32>} : memref<512xi32, #tpu.memory_space<vmem>>, vector<16xi32>,
      %add3A_188 = arith.constant 256 : i32
      %add3A_189 = arith.addi %add3A_188, %multiple_of3A : i32
      %get3A_190 = arith.index_cast %add3A_189 : i32 to index
      %get3A_191 = tpu.vector_load %arg13[%get3A_190] {strides = array<i32>} : memref<512xi32, #tpu.memory_space<vmem>>, vector<16xi32>,
      %broadcast_in_dim3A = arith.constant 0.000000e+00 : f32
      %broadcast_in_dim3A_192 = vector.broadcast %broadcast_in_dim3A : f32 to vector<16xf32>
      %add3A_193 = arith.constant 0 : i32
      %add3A_194 = vector.broadcast %add3A_193 : i32 to vector<16xi32>
      %add3A_195 = arith.addi %get3A_187, %add3A_194 : vector<16xi32>
      %gather3A = tpu.vector_load_idx %arg14[%add3A_183, %add3A_195] : memref<256x128xf32, #tpu.memory_space<vmem>>[vector<16xi32>, vector<16xi32>], vector<16xf32>,
      %add3A_196 = arith.constant 0 : i32
      %add3A_197 = vector.broadcast %add3A_196 : i32 to vector<16xi32>
      %add3A_198 = arith.addi %get3A_191, %add3A_197 : vector<16xi32>
      %gather3A_199 = tpu.vector_load_idx %arg15[%add3A_183, %add3A_198] : memref<256x128xf32, #tpu.memory_space<vmem>>[vector<16xi32>, vector<16xi32>], vector<16xf32>,
      %mul3A_200 = arith.mulf %gather3A, %gather3A_199 : vector<16xf32>
      %add3A_201 = arith.addf %broadcast_in_dim3A_192, %mul3A_200 : vector<16xf32>
      %add3A_202 = arith.constant 1 : i32
      %add3A_203 = vector.broadcast %add3A_202 : i32 to vector<16xi32>
      %add3A_204 = arith.addi %get3A_187, %add3A_203 : vector<16xi32>
      %gather3A_205 = tpu.vector_load_idx %arg14[%add3A_183, %add3A_204] : memref<256x128xf32, #tpu.memory_space<vmem>>[vector<16xi32>, vector<16xi32>], vector<16xf32>,
      %add3A_206 = arith.constant 1 : i32
      %add3A_207 = vector.broadcast %add3A_206 : i32 to vector<16xi32>
      %add3A_208 = arith.addi %get3A_191, %add3A_207 : vector<16xi32>
      %gather3A_209 = tpu.vector_load_idx %arg15[%add3A_183, %add3A_208] : memref<256x128xf32, #tpu.memory_space<vmem>>[vector<16xi32>, vector<16xi32>], vector<16xf32>,
      %mul3A_210 = arith.mulf %gather3A_205, %gather3A_209 : vector<16xf32>
      %add3A_211 = arith.addf %add3A_201, %mul3A_210 : vector<16xf32>
      %add3A_212 = arith.constant 2 : i32
      %add3A_213 = vector.broadcast %add3A_212 : i32 to vector<16xi32>
      %add3A_214 = arith.addi %get3A_187, %add3A_213 : vector<16xi32>
      %gather3A_215 = tpu.vector_load_idx %arg14[%add3A_183, %add3A_214] : memref<256x128xf32, #tpu.memory_space<vmem>>[vector<16xi32>, vector<16xi32>], vector<16xf32>,
      %add3A_216 = arith.constant 2 : i32
      %add3A_217 = vector.broadcast %add3A_216 : i32 to vector<16xi32>
      %add3A_218 = arith.addi %get3A_191, %add3A_217 : vector<16xi32>
      %gather3A_219 = tpu.vector_load_idx %arg15[%add3A_183, %add3A_218] : memref<256x128xf32, #tpu.memory_space<vmem>>[vector<16xi32>, vector<16xi32>], vector<16xf32>,
      %mul3A_220 = arith.mulf %gather3A_215, %gather3A_219 : vector<16xf32>
      %add3A_221 = arith.addf %add3A_211, %mul3A_220 : vector<16xf32>
      %add3A_222 = arith.constant 3 : i32
      %add3A_223 = vector.broadcast %add3A_222 : i32 to vector<16xi32>
      %add3A_224 = arith.addi %get3A_187, %add3A_223 : vector<16xi32>
      %gather3A_225 = tpu.vector_load_idx %arg14[%add3A_183, %add3A_224] : memref<256x128xf32, #tpu.memory_space<vmem>>[vector<16xi32>, vector<16xi32>], vector<16xf32>,
      %add3A_226 = arith.constant 3 : i32
      %add3A_227 = vector.broadcast %add3A_226 : i32 to vector<16xi32>
      %add3A_228 = arith.addi %get3A_191, %add3A_227 : vector<16xi32>
      %gather3A_229 = tpu.vector_load_idx %arg15[%add3A_183, %add3A_228] : memref<256x128xf32, #tpu.memory_space<vmem>>[vector<16xi32>, vector<16xi32>], vector<16xf32>,
      %mul3A_230 = arith.mulf %gather3A_225, %gather3A_229 : vector<16xf32>
      %add3A_231 = arith.addf %add3A_221, %mul3A_230 : vector<16xf32>
      %add3A_232 = arith.constant 4 : i32
      %add3A_233 = vector.broadcast %add3A_232 : i32 to vector<16xi32>
      %add3A_234 = arith.addi %get3A_187, %add3A_233 : vector<16xi32>
      %gather3A_235 = tpu.vector_load_idx %arg14[%add3A_183, %add3A_234] : memref<256x128xf32, #tpu.memory_space<vmem>>[vector<16xi32>, vector<16xi32>], vector<16xf32>,
      %add3A_236 = arith.constant 4 : i32
      %add3A_237 = vector.broadcast %add3A_236 : i32 to vector<16xi32>
      %add3A_238 = arith.addi %get3A_191, %add3A_237 : vector<16xi32>
      %gather3A_239 = tpu.vector_load_idx %arg15[%add3A_183, %add3A_238] : memref<256x128xf32, #tpu.memory_space<vmem>>[vector<16xi32>, vector<16xi32>], vector<16xf32>,
      %mul3A_240 = arith.mulf %gather3A_235, %gather3A_239 : vector<16xf32>
      %add3A_241 = arith.addf %add3A_231, %mul3A_240 : vector<16xf32>
      %add3A_242 = arith.constant 5 : i32
      %add3A_243 = vector.broadcast %add3A_242 : i32 to vector<16xi32>
      %add3A_244 = arith.addi %get3A_187, %add3A_243 : vector<16xi32>
      %gather3A_245 = tpu.vector_load_idx %arg14[%add3A_183, %add3A_244] : memref<256x128xf32, #tpu.memory_space<vmem>>[vector<16xi32>, vector<16xi32>], vector<16xf32>,
      %add3A_246 = arith.constant 5 : i32
      %add3A_247 = vector.broadcast %add3A_246 : i32 to vector<16xi32>
      %add3A_248 = arith.addi %get3A_191, %add3A_247 : vector<16xi32>
      %gather3A_249 = tpu.vector_load_idx %arg15[%add3A_183, %add3A_248] : memref<256x128xf32, #tpu.memory_space<vmem>>[vector<16xi32>, vector<16xi32>], vector<16xf32>,
      %mul3A_250 = arith.mulf %gather3A_245, %gather3A_249 : vector<16xf32>
      %add3A_251 = arith.addf %add3A_241, %mul3A_250 : vector<16xf32>
      %add3A_252 = arith.constant 6 : i32
      %add3A_253 = vector.broadcast %add3A_252 : i32 to vector<16xi32>
      %add3A_254 = arith.addi %get3A_187, %add3A_253 : vector<16xi32>
      %gather3A_255 = tpu.vector_load_idx %arg14[%add3A_183, %add3A_254] : memref<256x128xf32, #tpu.memory_space<vmem>>[vector<16xi32>, vector<16xi32>], vector<16xf32>,
      %add3A_256 = arith.constant 6 : i32
      %add3A_257 = vector.broadcast %add3A_256 : i32 to vector<16xi32>
      %add3A_258 = arith.addi %get3A_191, %add3A_257 : vector<16xi32>
      %gather3A_259 = tpu.vector_load_idx %arg15[%add3A_183, %add3A_258] : memref<256x128xf32, #tpu.memory_space<vmem>>[vector<16xi32>, vector<16xi32>], vector<16xf32>,
      %mul3A_260 = arith.mulf %gather3A_255, %gather3A_259 : vector<16xf32>
      %add3A_261 = arith.addf %add3A_251, %mul3A_260 : vector<16xf32>
      %add3A_262 = arith.constant 7 : i32
      %add3A_263 = vector.broadcast %add3A_262 : i32 to vector<16xi32>
      %add3A_264 = arith.addi %get3A_187, %add3A_263 : vector<16xi32>
      %gather3A_265 = tpu.vector_load_idx %arg14[%add3A_183, %add3A_264] : memref<256x128xf32, #tpu.memory_space<vmem>>[vector<16xi32>, vector<16xi32>], vector<16xf32>,
      %add3A_266 = arith.constant 7 : i32
      %add3A_267 = vector.broadcast %add3A_266 : i32 to vector<16xi32>
      %add3A_268 = arith.addi %get3A_191, %add3A_267 : vector<16xi32>
      %gather3A_269 = tpu.vector_load_idx %arg15[%add3A_183, %add3A_268] : memref<256x128xf32, #tpu.memory_space<vmem>>[vector<16xi32>, vector<16xi32>], vector<16xf32>,
      %mul3A_270 = arith.mulf %gather3A_265, %gather3A_269 : vector<16xf32>
      %add3A_271 = arith.addf %add3A_261, %mul3A_270 : vector<16xf32>
      %add3A_272 = arith.constant 8 : i32
      %add3A_273 = vector.broadcast %add3A_272 : i32 to vector<16xi32>
      %add3A_274 = arith.addi %get3A_187, %add3A_273 : vector<16xi32>
      %gather3A_275 = tpu.vector_load_idx %arg14[%add3A_183, %add3A_274] : memref<256x128xf32, #tpu.memory_space<vmem>>[vector<16xi32>, vector<16xi32>], vector<16xf32>,
      %add3A_276 = arith.constant 8 : i32
      %add3A_277 = vector.broadcast %add3A_276 : i32 to vector<16xi32>
      %add3A_278 = arith.addi %get3A_191, %add3A_277 : vector<16xi32>
      %gather3A_279 = tpu.vector_load_idx %arg15[%add3A_183, %add3A_278] : memref<256x128xf32, #tpu.memory_space<vmem>>[vector<16xi32>, vector<16xi32>], vector<16xf32>,
      %mul3A_280 = arith.mulf %gather3A_275, %gather3A_279 : vector<16xf32>
      %add3A_281 = arith.addf %add3A_271, %mul3A_280 : vector<16xf32>
      %add3A_282 = arith.constant 9 : i32
      %add3A_283 = vector.broadcast %add3A_282 : i32 to vector<16xi32>
      %add3A_284 = arith.addi %get3A_187, %add3A_283 : vector<16xi32>
      %gather3A_285 = tpu.vector_load_idx %arg14[%add3A_183, %add3A_284] : memref<256x128xf32, #tpu.memory_space<vmem>>[vector<16xi32>, vector<16xi32>], vector<16xf32>,
      %add3A_286 = arith.constant 9 : i32
      %add3A_287 = vector.broadcast %add3A_286 : i32 to vector<16xi32>
      %add3A_288 = arith.addi %get3A_191, %add3A_287 : vector<16xi32>
      %gather3A_289 = tpu.vector_load_idx %arg15[%add3A_183, %add3A_288] : memref<256x128xf32, #tpu.memory_space<vmem>>[vector<16xi32>, vector<16xi32>], vector<16xf32>,
      %mul3A_290 = arith.mulf %gather3A_285, %gather3A_289 : vector<16xf32>
      %add3A_291 = arith.addf %add3A_281, %mul3A_290 : vector<16xf32>
      %add3A_292 = arith.constant 10 : i32
      %add3A_293 = vector.broadcast %add3A_292 : i32 to vector<16xi32>
      %add3A_294 = arith.addi %get3A_187, %add3A_293 : vector<16xi32>
      %gather3A_295 = tpu.vector_load_idx %arg14[%add3A_183, %add3A_294] : memref<256x128xf32, #tpu.memory_space<vmem>>[vector<16xi32>, vector<16xi32>], vector<16xf32>,
      %add3A_296 = arith.constant 10 : i32
      %add3A_297 = vector.broadcast %add3A_296 : i32 to vector<16xi32>
      %add3A_298 = arith.addi %get3A_191, %add3A_297 : vector<16xi32>
      %gather3A_299 = tpu.vector_load_idx %arg15[%add3A_183, %add3A_298] : memref<256x128xf32, #tpu.memory_space<vmem>>[vector<16xi32>, vector<16xi32>], vector<16xf32>,
      %mul3A_300 = arith.mulf %gather3A_295, %gather3A_299 : vector<16xf32>
      %add3A_301 = arith.addf %add3A_291, %mul3A_300 : vector<16xf32>
      %add3A_302 = arith.constant 11 : i32
      %add3A_303 = vector.broadcast %add3A_302 : i32 to vector<16xi32>
      %add3A_304 = arith.addi %get3A_187, %add3A_303 : vector<16xi32>
      %gather3A_305 = tpu.vector_load_idx %arg14[%add3A_183, %add3A_304] : memref<256x128xf32, #tpu.memory_space<vmem>>[vector<16xi32>, vector<16xi32>], vector<16xf32>,
      %add3A_306 = arith.constant 11 : i32
      %add3A_307 = vector.broadcast %add3A_306 : i32 to vector<16xi32>
      %add3A_308 = arith.addi %get3A_191, %add3A_307 : vector<16xi32>
      %gather3A_309 = tpu.vector_load_idx %arg15[%add3A_183, %add3A_308] : memref<256x128xf32, #tpu.memory_space<vmem>>[vector<16xi32>, vector<16xi32>], vector<16xf32>,
      %mul3A_310 = arith.mulf %gather3A_305, %gather3A_309 : vector<16xf32>
      %add3A_311 = arith.addf %add3A_301, %mul3A_310 : vector<16xf32>
      %add3A_312 = arith.constant 12 : i32
      %add3A_313 = vector.broadcast %add3A_312 : i32 to vector<16xi32>
      %add3A_314 = arith.addi %get3A_187, %add3A_313 : vector<16xi32>
      %gather3A_315 = tpu.vector_load_idx %arg14[%add3A_183, %add3A_314] : memref<256x128xf32, #tpu.memory_space<vmem>>[vector<16xi32>, vector<16xi32>], vector<16xf32>,
      %add3A_316 = arith.constant 12 : i32
      %add3A_317 = vector.broadcast %add3A_316 : i32 to vector<16xi32>
      %add3A_318 = arith.addi %get3A_191, %add3A_317 : vector<16xi32>
      %gather3A_319 = tpu.vector_load_idx %arg15[%add3A_183, %add3A_318] : memref<256x128xf32, #tpu.memory_space<vmem>>[vector<16xi32>, vector<16xi32>], vector<16xf32>,
      %mul3A_320 = arith.mulf %gather3A_315, %gather3A_319 : vector<16xf32>
      %add3A_321 = arith.addf %add3A_311, %mul3A_320 : vector<16xf32>
      %add3A_322 = arith.constant 13 : i32
      %add3A_323 = vector.broadcast %add3A_322 : i32 to vector<16xi32>
      %add3A_324 = arith.addi %get3A_187, %add3A_323 : vector<16xi32>
      %gather3A_325 = tpu.vector_load_idx %arg14[%add3A_183, %add3A_324] : memref<256x128xf32, #tpu.memory_space<vmem>>[vector<16xi32>, vector<16xi32>], vector<16xf32>,
      %add3A_326 = arith.constant 13 : i32
      %add3A_327 = vector.broadcast %add3A_326 : i32 to vector<16xi32>
      %add3A_328 = arith.addi %get3A_191, %add3A_327 : vector<16xi32>
      %gather3A_329 = tpu.vector_load_idx %arg15[%add3A_183, %add3A_328] : memref<256x128xf32, #tpu.memory_space<vmem>>[vector<16xi32>, vector<16xi32>], vector<16xf32>,
      %mul3A_330 = arith.mulf %gather3A_325, %gather3A_329 : vector<16xf32>
      %add3A_331 = arith.addf %add3A_321, %mul3A_330 : vector<16xf32>
      %add3A_332 = arith.constant 14 : i32
      %add3A_333 = vector.broadcast %add3A_332 : i32 to vector<16xi32>
      %add3A_334 = arith.addi %get3A_187, %add3A_333 : vector<16xi32>
      %gather3A_335 = tpu.vector_load_idx %arg14[%add3A_183, %add3A_334] : memref<256x128xf32, #tpu.memory_space<vmem>>[vector<16xi32>, vector<16xi32>], vector<16xf32>,
      %add3A_336 = arith.constant 14 : i32
      %add3A_337 = vector.broadcast %add3A_336 : i32 to vector<16xi32>
      %add3A_338 = arith.addi %get3A_191, %add3A_337 : vector<16xi32>
      %gather3A_339 = tpu.vector_load_idx %arg15[%add3A_183, %add3A_338] : memref<256x128xf32, #tpu.memory_space<vmem>>[vector<16xi32>, vector<16xi32>], vector<16xf32>,
      %mul3A_340 = arith.mulf %gather3A_335, %gather3A_339 : vector<16xf32>
      %add3A_341 = arith.addf %add3A_331, %mul3A_340 : vector<16xf32>
      %add3A_342 = arith.constant 15 : i32
      %add3A_343 = vector.broadcast %add3A_342 : i32 to vector<16xi32>
      %add3A_344 = arith.addi %get3A_187, %add3A_343 : vector<16xi32>
      %gather3A_345 = tpu.vector_load_idx %arg14[%add3A_183, %add3A_344] : memref<256x128xf32, #tpu.memory_space<vmem>>[vector<16xi32>, vector<16xi32>], vector<16xf32>,
      %add3A_346 = arith.constant 15 : i32
      %add3A_347 = vector.broadcast %add3A_346 : i32 to vector<16xi32>
      %add3A_348 = arith.addi %get3A_191, %add3A_347 : vector<16xi32>
      %gather3A_349 = tpu.vector_load_idx %arg15[%add3A_183, %add3A_348] : memref<256x128xf32, #tpu.memory_space<vmem>>[vector<16xi32>, vector<16xi32>], vector<16xf32>,
      %mul3A_350 = arith.mulf %gather3A_345, %gather3A_349 : vector<16xf32>
      %add3A_351 = arith.addf %add3A_341, %mul3A_350 : vector<16xf32>
      %add3A_352 = arith.constant 16 : i32
      %add3A_353 = vector.broadcast %add3A_352 : i32 to vector<16xi32>
      %add3A_354 = arith.addi %get3A_187, %add3A_353 : vector<16xi32>
      %gather3A_355 = tpu.vector_load_idx %arg14[%add3A_183, %add3A_354] : memref<256x128xf32, #tpu.memory_space<vmem>>[vector<16xi32>, vector<16xi32>], vector<16xf32>,
      %add3A_356 = arith.constant 16 : i32
      %add3A_357 = vector.broadcast %add3A_356 : i32 to vector<16xi32>
      %add3A_358 = arith.addi %get3A_191, %add3A_357 : vector<16xi32>
      %gather3A_359 = tpu.vector_load_idx %arg15[%add3A_183, %add3A_358] : memref<256x128xf32, #tpu.memory_space<vmem>>[vector<16xi32>, vector<16xi32>], vector<16xf32>,
      %mul3A_360 = arith.mulf %gather3A_355, %gather3A_359 : vector<16xf32>
      %add3A_361 = arith.addf %add3A_351, %mul3A_360 : vector<16xf32>
      %add3A_362 = arith.constant 17 : i32
      %add3A_363 = vector.broadcast %add3A_362 : i32 to vector<16xi32>
      %add3A_364 = arith.addi %get3A_187, %add3A_363 : vector<16xi32>
      %gather3A_365 = tpu.vector_load_idx %arg14[%add3A_183, %add3A_364] : memref<256x128xf32, #tpu.memory_space<vmem>>[vector<16xi32>, vector<16xi32>], vector<16xf32>,
      %add3A_366 = arith.constant 17 : i32
      %add3A_367 = vector.broadcast %add3A_366 : i32 to vector<16xi32>
      %add3A_368 = arith.addi %get3A_191, %add3A_367 : vector<16xi32>
      %gather3A_369 = tpu.vector_load_idx %arg15[%add3A_183, %add3A_368] : memref<256x128xf32, #tpu.memory_space<vmem>>[vector<16xi32>, vector<16xi32>], vector<16xf32>,
      %mul3A_370 = arith.mulf %gather3A_365, %gather3A_369 : vector<16xf32>
      %add3A_371 = arith.addf %add3A_361, %mul3A_370 : vector<16xf32>
      %add3A_372 = arith.constant 18 : i32
      %add3A_373 = vector.broadcast %add3A_372 : i32 to vector<16xi32>
      %add3A_374 = arith.addi %get3A_187, %add3A_373 : vector<16xi32>
      %gather3A_375 = tpu.vector_load_idx %arg14[%add3A_183, %add3A_374] : memref<256x128xf32, #tpu.memory_space<vmem>>[vector<16xi32>, vector<16xi32>], vector<16xf32>,
      %add3A_376 = arith.constant 18 : i32
      %add3A_377 = vector.broadcast %add3A_376 : i32 to vector<16xi32>
      %add3A_378 = arith.addi %get3A_191, %add3A_377 : vector<16xi32>
      %gather3A_379 = tpu.vector_load_idx %arg15[%add3A_183, %add3A_378] : memref<256x128xf32, #tpu.memory_space<vmem>>[vector<16xi32>, vector<16xi32>], vector<16xf32>,
      %mul3A_380 = arith.mulf %gather3A_375, %gather3A_379 : vector<16xf32>
      %add3A_381 = arith.addf %add3A_371, %mul3A_380 : vector<16xf32>
      %add3A_382 = arith.constant 19 : i32
      %add3A_383 = vector.broadcast %add3A_382 : i32 to vector<16xi32>
      %add3A_384 = arith.addi %get3A_187, %add3A_383 : vector<16xi32>
      %gather3A_385 = tpu.vector_load_idx %arg14[%add3A_183, %add3A_384] : memref<256x128xf32, #tpu.memory_space<vmem>>[vector<16xi32>, vector<16xi32>], vector<16xf32>,
      %add3A_386 = arith.constant 19 : i32
      %add3A_387 = vector.broadcast %add3A_386 : i32 to vector<16xi32>
      %add3A_388 = arith.addi %get3A_191, %add3A_387 : vector<16xi32>
      %gather3A_389 = tpu.vector_load_idx %arg15[%add3A_183, %add3A_388] : memref<256x128xf32, #tpu.memory_space<vmem>>[vector<16xi32>, vector<16xi32>], vector<16xf32>,
      %mul3A_390 = arith.mulf %gather3A_385, %gather3A_389 : vector<16xf32>
      %add3A_391 = arith.addf %add3A_381, %mul3A_390 : vector<16xf32>
      %add3A_392 = arith.constant 20 : i32
      %add3A_393 = vector.broadcast %add3A_392 : i32 to vector<16xi32>
      %add3A_394 = arith.addi %get3A_187, %add3A_393 : vector<16xi32>
      %gather3A_395 = tpu.vector_load_idx %arg14[%add3A_183, %add3A_394] : memref<256x128xf32, #tpu.memory_space<vmem>>[vector<16xi32>, vector<16xi32>], vector<16xf32>,
      %add3A_396 = arith.constant 20 : i32
      %add3A_397 = vector.broadcast %add3A_396 : i32 to vector<16xi32>
      %add3A_398 = arith.addi %get3A_191, %add3A_397 : vector<16xi32>
      %gather3A_399 = tpu.vector_load_idx %arg15[%add3A_183, %add3A_398] : memref<256x128xf32, #tpu.memory_space<vmem>>[vector<16xi32>, vector<16xi32>], vector<16xf32>,
      %mul3A_400 = arith.mulf %gather3A_395, %gather3A_399 : vector<16xf32>
      %add3A_401 = arith.addf %add3A_391, %mul3A_400 : vector<16xf32>
      %add3A_402 = arith.constant 21 : i32
      %add3A_403 = vector.broadcast %add3A_402 : i32 to vector<16xi32>
      %add3A_404 = arith.addi %get3A_187, %add3A_403 : vector<16xi32>
      %gather3A_405 = tpu.vector_load_idx %arg14[%add3A_183, %add3A_404] : memref<256x128xf32, #tpu.memory_space<vmem>>[vector<16xi32>, vector<16xi32>], vector<16xf32>,
      %add3A_406 = arith.constant 21 : i32
      %add3A_407 = vector.broadcast %add3A_406 : i32 to vector<16xi32>
      %add3A_408 = arith.addi %get3A_191, %add3A_407 : vector<16xi32>
      %gather3A_409 = tpu.vector_load_idx %arg15[%add3A_183, %add3A_408] : memref<256x128xf32, #tpu.memory_space<vmem>>[vector<16xi32>, vector<16xi32>], vector<16xf32>,
      %mul3A_410 = arith.mulf %gather3A_405, %gather3A_409 : vector<16xf32>
      %add3A_411 = arith.addf %add3A_401, %mul3A_410 : vector<16xf32>
      %add3A_412 = arith.constant 22 : i32
      %add3A_413 = vector.broadcast %add3A_412 : i32 to vector<16xi32>
      %add3A_414 = arith.addi %get3A_187, %add3A_413 : vector<16xi32>
      %gather3A_415 = tpu.vector_load_idx %arg14[%add3A_183, %add3A_414] : memref<256x128xf32, #tpu.memory_space<vmem>>[vector<16xi32>, vector<16xi32>], vector<16xf32>,
      %add3A_416 = arith.constant 22 : i32
      %add3A_417 = vector.broadcast %add3A_416 : i32 to vector<16xi32>
      %add3A_418 = arith.addi %get3A_191, %add3A_417 : vector<16xi32>
      %gather3A_419 = tpu.vector_load_idx %arg15[%add3A_183, %add3A_418] : memref<256x128xf32, #tpu.memory_space<vmem>>[vector<16xi32>, vector<16xi32>], vector<16xf32>,
      %mul3A_420 = arith.mulf %gather3A_415, %gather3A_419 : vector<16xf32>
      %add3A_421 = arith.addf %add3A_411, %mul3A_420 : vector<16xf32>
      %add3A_422 = arith.constant 23 : i32
      %add3A_423 = vector.broadcast %add3A_422 : i32 to vector<16xi32>
      %add3A_424 = arith.addi %get3A_187, %add3A_423 : vector<16xi32>
      %gather3A_425 = tpu.vector_load_idx %arg14[%add3A_183, %add3A_424] : memref<256x128xf32, #tpu.memory_space<vmem>>[vector<16xi32>, vector<16xi32>], vector<16xf32>,
      %add3A_426 = arith.constant 23 : i32
      %add3A_427 = vector.broadcast %add3A_426 : i32 to vector<16xi32>
      %add3A_428 = arith.addi %get3A_191, %add3A_427 : vector<16xi32>
      %gather3A_429 = tpu.vector_load_idx %arg15[%add3A_183, %add3A_428] : memref<256x128xf32, #tpu.memory_space<vmem>>[vector<16xi32>, vector<16xi32>], vector<16xf32>,
      %mul3A_430 = arith.mulf %gather3A_425, %gather3A_429 : vector<16xf32>
      %add3A_431 = arith.addf %add3A_421, %mul3A_430 : vector<16xf32>
      %add3A_432 = arith.constant 24 : i32
      %add3A_433 = vector.broadcast %add3A_432 : i32 to vector<16xi32>
      %add3A_434 = arith.addi %get3A_187, %add3A_433 : vector<16xi32>
      %gather3A_435 = tpu.vector_load_idx %arg14[%add3A_183, %add3A_434] : memref<256x128xf32, #tpu.memory_space<vmem>>[vector<16xi32>, vector<16xi32>], vector<16xf32>,
      %add3A_436 = arith.constant 24 : i32
      %add3A_437 = vector.broadcast %add3A_436 : i32 to vector<16xi32>
      %add3A_438 = arith.addi %get3A_191, %add3A_437 : vector<16xi32>
      %gather3A_439 = tpu.vector_load_idx %arg15[%add3A_183, %add3A_438] : memref<256x128xf32, #tpu.memory_space<vmem>>[vector<16xi32>, vector<16xi32>], vector<16xf32>,
      %mul3A_440 = arith.mulf %gather3A_435, %gather3A_439 : vector<16xf32>
      %add3A_441 = arith.addf %add3A_431, %mul3A_440 : vector<16xf32>
      %add3A_442 = arith.constant 25 : i32
      %add3A_443 = vector.broadcast %add3A_442 : i32 to vector<16xi32>
      %add3A_444 = arith.addi %get3A_187, %add3A_443 : vector<16xi32>
      %gather3A_445 = tpu.vector_load_idx %arg14[%add3A_183, %add3A_444] : memref<256x128xf32, #tpu.memory_space<vmem>>[vector<16xi32>, vector<16xi32>], vector<16xf32>,
      %add3A_446 = arith.constant 25 : i32
      %add3A_447 = vector.broadcast %add3A_446 : i32 to vector<16xi32>
      %add3A_448 = arith.addi %get3A_191, %add3A_447 : vector<16xi32>
      %gather3A_449 = tpu.vector_load_idx %arg15[%add3A_183, %add3A_448] : memref<256x128xf32, #tpu.memory_space<vmem>>[vector<16xi32>, vector<16xi32>], vector<16xf32>,
      %mul3A_450 = arith.mulf %gather3A_445, %gather3A_449 : vector<16xf32>
      %add3A_451 = arith.addf %add3A_441, %mul3A_450 : vector<16xf32>
      %add3A_452 = arith.constant 26 : i32
      %add3A_453 = vector.broadcast %add3A_452 : i32 to vector<16xi32>
      %add3A_454 = arith.addi %get3A_187, %add3A_453 : vector<16xi32>
      %gather3A_455 = tpu.vector_load_idx %arg14[%add3A_183, %add3A_454] : memref<256x128xf32, #tpu.memory_space<vmem>>[vector<16xi32>, vector<16xi32>], vector<16xf32>,
      %add3A_456 = arith.constant 26 : i32
      %add3A_457 = vector.broadcast %add3A_456 : i32 to vector<16xi32>
      %add3A_458 = arith.addi %get3A_191, %add3A_457 : vector<16xi32>
      %gather3A_459 = tpu.vector_load_idx %arg15[%add3A_183, %add3A_458] : memref<256x128xf32, #tpu.memory_space<vmem>>[vector<16xi32>, vector<16xi32>], vector<16xf32>,
      %mul3A_460 = arith.mulf %gather3A_455, %gather3A_459 : vector<16xf32>
      %add3A_461 = arith.addf %add3A_451, %mul3A_460 : vector<16xf32>
      %add3A_462 = arith.constant 27 : i32
      %add3A_463 = vector.broadcast %add3A_462 : i32 to vector<16xi32>
      %add3A_464 = arith.addi %get3A_187, %add3A_463 : vector<16xi32>
      %gather3A_465 = tpu.vector_load_idx %arg14[%add3A_183, %add3A_464] : memref<256x128xf32, #tpu.memory_space<vmem>>[vector<16xi32>, vector<16xi32>], vector<16xf32>,
      %add3A_466 = arith.constant 27 : i32
      %add3A_467 = vector.broadcast %add3A_466 : i32 to vector<16xi32>
      %add3A_468 = arith.addi %get3A_191, %add3A_467 : vector<16xi32>
      %gather3A_469 = tpu.vector_load_idx %arg15[%add3A_183, %add3A_468] : memref<256x128xf32, #tpu.memory_space<vmem>>[vector<16xi32>, vector<16xi32>], vector<16xf32>,
      %mul3A_470 = arith.mulf %gather3A_465, %gather3A_469 : vector<16xf32>
      %add3A_471 = arith.addf %add3A_461, %mul3A_470 : vector<16xf32>
      %add3A_472 = arith.constant 28 : i32
      %add3A_473 = vector.broadcast %add3A_472 : i32 to vector<16xi32>
      %add3A_474 = arith.addi %get3A_187, %add3A_473 : vector<16xi32>
      %gather3A_475 = tpu.vector_load_idx %arg14[%add3A_183, %add3A_474] : memref<256x128xf32, #tpu.memory_space<vmem>>[vector<16xi32>, vector<16xi32>], vector<16xf32>,
      %add3A_476 = arith.constant 28 : i32
      %add3A_477 = vector.broadcast %add3A_476 : i32 to vector<16xi32>
      %add3A_478 = arith.addi %get3A_191, %add3A_477 : vector<16xi32>
      %gather3A_479 = tpu.vector_load_idx %arg15[%add3A_183, %add3A_478] : memref<256x128xf32, #tpu.memory_space<vmem>>[vector<16xi32>, vector<16xi32>], vector<16xf32>,
      %mul3A_480 = arith.mulf %gather3A_475, %gather3A_479 : vector<16xf32>
      %add3A_481 = arith.addf %add3A_471, %mul3A_480 : vector<16xf32>
      %add3A_482 = arith.constant 29 : i32
      %add3A_483 = vector.broadcast %add3A_482 : i32 to vector<16xi32>
      %add3A_484 = arith.addi %get3A_187, %add3A_483 : vector<16xi32>
      %gather3A_485 = tpu.vector_load_idx %arg14[%add3A_183, %add3A_484] : memref<256x128xf32, #tpu.memory_space<vmem>>[vector<16xi32>, vector<16xi32>], vector<16xf32>,
      %add3A_486 = arith.constant 29 : i32
      %add3A_487 = vector.broadcast %add3A_486 : i32 to vector<16xi32>
      %add3A_488 = arith.addi %get3A_191, %add3A_487 : vector<16xi32>
      %gather3A_489 = tpu.vector_load_idx %arg15[%add3A_183, %add3A_488] : memref<256x128xf32, #tpu.memory_space<vmem>>[vector<16xi32>, vector<16xi32>], vector<16xf32>,
      %mul3A_490 = arith.mulf %gather3A_485, %gather3A_489 : vector<16xf32>
      %add3A_491 = arith.addf %add3A_481, %mul3A_490 : vector<16xf32>
      %add3A_492 = arith.constant 30 : i32
      %add3A_493 = vector.broadcast %add3A_492 : i32 to vector<16xi32>
      %add3A_494 = arith.addi %get3A_187, %add3A_493 : vector<16xi32>
      %gather3A_495 = tpu.vector_load_idx %arg14[%add3A_183, %add3A_494] : memref<256x128xf32, #tpu.memory_space<vmem>>[vector<16xi32>, vector<16xi32>], vector<16xf32>,
      %add3A_496 = arith.constant 30 : i32
      %add3A_497 = vector.broadcast %add3A_496 : i32 to vector<16xi32>
      %add3A_498 = arith.addi %get3A_191, %add3A_497 : vector<16xi32>
      %gather3A_499 = tpu.vector_load_idx %arg15[%add3A_183, %add3A_498] : memref<256x128xf32, #tpu.memory_space<vmem>>[vector<16xi32>, vector<16xi32>], vector<16xf32>,
      %mul3A_500 = arith.mulf %gather3A_495, %gather3A_499 : vector<16xf32>
      %add3A_501 = arith.addf %add3A_491, %mul3A_500 : vector<16xf32>
      %add3A_502 = arith.constant 31 : i32
      %add3A_503 = vector.broadcast %add3A_502 : i32 to vector<16xi32>
      %add3A_504 = arith.addi %get3A_187, %add3A_503 : vector<16xi32>
      %gather3A_505 = tpu.vector_load_idx %arg14[%add3A_183, %add3A_504] : memref<256x128xf32, #tpu.memory_space<vmem>>[vector<16xi32>, vector<16xi32>], vector<16xf32>,
      %add3A_506 = arith.constant 31 : i32
      %add3A_507 = vector.broadcast %add3A_506 : i32 to vector<16xi32>
      %add3A_508 = arith.addi %get3A_191, %add3A_507 : vector<16xi32>
      %gather3A_509 = tpu.vector_load_idx %arg15[%add3A_183, %add3A_508] : memref<256x128xf32, #tpu.memory_space<vmem>>[vector<16xi32>, vector<16xi32>], vector<16xf32>,
      %mul3A_510 = arith.mulf %gather3A_505, %gather3A_509 : vector<16xf32>
      %add3A_511 = arith.addf %add3A_501, %mul3A_510 : vector<16xf32>
      %mul3A_512 = arith.mulf %add3A_511, %get3A_5 : vector<16xf32>
      %add3A_513 = arith.addf %mul3A_512, %get3A_9 : vector<16xf32>
      %neg3A = arith.constant 0.000000e+00 : f32
      %neg3A_514 = vector.broadcast %neg3A : f32 to vector<16xf32>
      %neg3A_515 = arith.subf %neg3A_514, %add3A_513 : vector<16xf32>
      %exp3A = math.exp %neg3A_515 : vector<16xf32>
      %add3A_516 = arith.constant 1.000000e+00 : f32
      %add3A_517 = vector.broadcast %add3A_516 : f32 to vector<16xf32>
      %add3A_518 = arith.addf %add3A_517, %exp3A : vector<16xf32>
      %div3A = arith.constant 1.000000e+00 : f32
      %div3A_519 = vector.broadcast %div3A : f32 to vector<16xf32>
      %div3A_520 = arith.divf %div3A_519, %add3A_518 : vector<16xf32>
      %add3A_521 = arith.constant 256 : i32
      %add3A_522 = arith.addi %add3A_521, %multiple_of3A : i32
      %swap3A = arith.index_cast %add3A_522 : i32 to index
      %swap3A_523 = tpu.vector_load %arg17[%swap3A] {strides = array<i32>} : memref<512xf32, #tpu.memory_space<vmem>>, vector<16xf32>,
      tpu.vector_store %arg17[%swap3A], %div3A_520 {strides = array<i32>} : memref<512xf32, #tpu.memory_space<vmem>>, vector<16xf32>,
    }
    %scan3A_178 = arith.constant 16 : i32
    "tpu.region"() ({
      %run_scoped3A = tpu.sem_alloc : memref<!tpu.dma_semaphore, #tpu.memory_space<semaphore_mem>>
      %dma_start3A_179 = tpu.memref_slice %arg9[%mul3A_2] : memref<16384xf32, #tpu.memory_space<hbm>> -> memref<512xf32, #tpu.memory_space<hbm>>
      %dma_start3A_180 = tpu.memref_slice %arg9[%mul3A_2] : memref<16384xf32, #tpu.memory_space<hbm>> -> memref<512xf32, #tpu.memory_space<hbm>>
      tpu.enqueue_dma source(%arg17 : memref<512xf32, #tpu.memory_space<vmem>>) target(%dma_start3A_180 : memref<512xf32, #tpu.memory_space<hbm>>) target_semaphore(%run_scoped3A : memref<!tpu.dma_semaphore, #tpu.memory_space<semaphore_mem>>)
      %dma_wait3A_181 = tpu.memref_slice %arg9[%mul3A_2] : memref<16384xf32, #tpu.memory_space<hbm>> -> memref<512xf32, #tpu.memory_space<hbm>>
      %dma_wait3A_182 = tpu.memref_slice %arg9[%mul3A_2] : memref<16384xf32, #tpu.memory_space<hbm>> -> memref<512xf32, #tpu.memory_space<hbm>>
      tpu.wait_dma2 semaphore(%run_scoped3A : memref<!tpu.dma_semaphore, #tpu.memory_space<semaphore_mem>>) src(%arg17 : memref<512xf32, #tpu.memory_space<vmem>>) dst(%dma_wait3A_182 : memref<512xf32, #tpu.memory_space<hbm>>)
      tpu.yield
    }) : () -> ()
    return
  }
}

</mosaic_0001>

<sc_bundles>
// kernel: _mf_call.3.cloned.1.call-start
scs
__scs_entry_jumppad:
0x0: {  	(pc) =	sbr.rel $0x88, $3  }
0x1: {  	(tag) =	ssettag $0x0;
	lr =	simm.s32 $0x1  }
0x2: {  	[smem:$0x3F9A] =	sst lr;
	_ =	strace $0xD0000000  }
0x3: {  	_ = 	snop  }
0x4: {  	_ = 	snop  }
0x5: {  	_ = 	snop  }
0x6: {  	_ = 	snop  }
0x7: {  	_ = 	snop  }
__scs_overlays_trampoline_lowered:
0x8: {  	[smem:$0x3FA9] =	sst s0  }
0x9: {  	[smem:$0x3FAA] =	sst s1  }
0xa: {  	[smem:$0x3FAB] =	sst s2  }
0xb: {  	[smem:$0x3FAC] =	sst s3  }
0xc: {  	[smem:$0x3FAD] =	sst s4  }
0xd: {  	[smem:$0x3FAE] =	sst s5  }
0xe: {  	[smem:$0x3FAF] =	sst s6  }
0xf: {  	[smem:$0x3FB0] =	sst s7  }
0x10: {  	[smem:$0x3FB1] =	sst s8  }
0x11: {  	[smem:$0x3FB2] =	sst s9;
	s0 =	simm.s32 @!p0 $0x0  }
0x12: {  	s1 =	sld [smem:$0x3F98];
	s0 =	simm.s32 @p0 $0x1  }
0x13: {  	[smem:$0x3FB3] =	sst s0;
	s0 =	simm.s32 @!p1 $0x0  }
0x14: {  	s2 =	sld [smem:$0x3F97];
	s0 =	simm.s32 @p1 $0x1  }
0x15: {  	[smem:$0x3FB4] =	sst s0;
	s0 =	simm.s32 @!p2 $0x0  }
0x16: {  	s3 =	sld [smem:$0x3FDB];
	s0 =	simm.s32 @p2 $0x1  }
0x17: {  	s4 =	simm.s32 $0x1BF5;
	[smem:$0x3FB6] =	sst s0  }
0x18: {  	s0 =	sld [smem:$0x3F99];
	_ =	swait.ge [sflag:s4], $0x0  }
0x19: {  	s7 =	sld [smem:$0x3F9A]  }
0x1a: {  	s8 =	sadd.s32 $0xFFFFE003, lr  }
0x1b: {  	s9 =	sadd.s32 $0xFFFFFEF7, lr;
	s5 =	simm.s32 $0xFFFFFFFF;
	p2 =	slt.u32 s8, $0xFFFFF086  }
0x1c: {  	p1 =	slt.u32 s9, $0xF7A;
	s5 =	simm.s32 @!p2 $0x0  }
0x1d: {  	s5 =	simm.s32 @p1 $0x1;
	p0 =	seq.s32 s7, s2  }
0x1e: {  	s7 =	smul.u32 @!p0 $0xF7A, s2;
	p2 =	seq.s32 @!p0 s5, $0x0  }
0x1f: {  	s9 =	smul.u32 $0xF7A, s1;
	s8 =	simm.s32 @!p0 $0x1BF5;
	p2 =	por !p2, p0  }
0x20: {  	[sflag:s8] =	ssyncset.s32 @!p0 $0xFFFFF086;
	s6 =	sadd.s32 @!p0 s3, s7;
	s7 =	simm.s32 @!p0 $0x108  }
0x21: {  	s3 =	sadd.s32 s3, s9;
	s6 =	sadd.s32 @!p0 $0x88, s6;
	s7 =	simm.s32 @p2 $0x1082  }
0x22: {  	[simem:s7], [sflag:s8] =	dma.local @!p0 [hbm:s6], $0xF7A  }
0x23: {  	s9 =	sor.u32 $0xD0000000, s2;
	s6 =	simm.s32 $0x108;
	_ =	swait.ge @!p0 [sflag:s8], $0x0  }
0x24: {  	s3 =	sadd.s32 $0x88, s3;
	s6 =	simm.s32 @!p1 $0x1082;
	[sflag:s4] =	ssyncset.s32 $0xFFFFF086  }
0x25: {  	[simem:s6], [sflag:s4] =	dma.local [hbm:s3], $0xF7A  }
0x26: {  	[smem:$0x3F9A] =	sst s1;
	(tag) =	ssettag s2;
	_ =	strace s9  }
0x27: {  	s1 =	sld [smem:$0x3FAA]  }
0x28: {  	s2 =	sld [smem:$0x3FAB]  }
0x29: {  	s4 =	sld [smem:$0x3FAD]  }
0x2a: {  	p0 =	seq.s32 s5, $0x0;
	s5 =	sld [smem:$0x3FAE]  }
0x2b: {  	s6 =	sld [smem:$0x3FAF]  }
0x2c: {  	s7 =	sld [smem:$0x3FB0]  }
0x2d: {  	s3 =	simm.s32 $0x108;
	s8 =	sld [smem:$0x3FB1]  }
0x2e: {  	s3 =	simm.s32 @!p0 $0x1082;
	s9 =	sld [smem:$0x3FB2]  }
0x2f: {  	lr =	sadd.s32 s0, s3;
	s0 =	sld [smem:$0x3FA9]  }
0x30: {  	s3 =	sld [smem:$0x3FAC]  }
0x31: {  	[smem:$0x3FB5] =	sst s10  }
0x32: {  	s10 =	sld [smem:$0x3FB3];
	_ =	sdelay $0x3  }
0x33: {  	p0 =	seq.s32 s10, $0x1;
	s10 =	sld [smem:$0x3FB5];
	_ =	sdelay $0x3  }
0x34: {  	[smem:$0x3FB5] =	sst s10  }
0x35: {  	s10 =	sld [smem:$0x3FB4];
	_ =	sdelay $0x3  }
0x36: {  	p1 =	seq.s32 s10, $0x1;
	s10 =	sld [smem:$0x3FB5];
	_ =	sdelay $0x3  }
0x37: {  	[smem:$0x3FB5] =	sst s10  }
0x38: {  	s10 =	sld [smem:$0x3FB6]  }
0x39: {  	_ = 	snop;
	(pc) =	sbr.ind lr, $3  }
0x3a: {  	_ = 	snop  }
0x3b: {  	_ = 	snop  }
0x3c: {  	p2 =	seq.s32 s10, $0x1;
	s10 =	sld [smem:$0x3FB5]  }
0x3d: {  	_ =	shalt  }
0x3e: {  	_ =	shalt  }
0x3f: {  	_ =	shalt  }
0x40: {  	_ =	shalt  }
0x41: {  	_ =	shalt  }
0x42: {  	_ =	shalt  }
0x43: {  	_ =	shalt  }
0x44: {  	_ =	shalt  }
0x45: {  	_ =	shalt  }
0x46: {  	_ =	shalt  }
0x47: {  	_ =	shalt  }
0x48: {  	_ =	shalt  }
0x49: {  	_ =	shalt  }
0x4a: {  	_ =	shalt  }
0x4b: {  	_ =	shalt  }
0x4c: {  	_ =	shalt  }
0x4d: {  	_ =	shalt  }
0x4e: {  	_ =	shalt  }
0x4f: {  	_ =	shalt  }
0x50: {  	_ =	shalt  }
0x51: {  	_ =	shalt  }
0x52: {  	_ =	shalt  }
0x53: {  	_ =	shalt  }
0x54: {  	_ =	shalt  }
0x55: {  	_ =	shalt  }
0x56: {  	_ =	shalt  }
0x57: {  	_ =	shalt  }
0x58: {  	_ =	shalt  }
0x59: {  	_ =	shalt  }
0x5a: {  	_ =	shalt  }
0x5b: {  	_ =	shalt  }
0x5c: {  	_ =	shalt  }
0x5d: {  	_ =	shalt  }
0x5e: {  	_ =	shalt  }
0x5f: {  	_ =	shalt  }
0x60: {  	_ =	shalt  }
0x61: {  	_ =	shalt  }
0x62: {  	_ =	shalt  }
0x63: {  	_ =	shalt  }
0x64: {  	_ =	shalt  }
0x65: {  	_ =	shalt  }
0x66: {  	_ =	shalt  }
0x67: {  	_ =	shalt  }
0x68: {  	_ =	shalt  }
0x69: {  	_ =	shalt  }
0x6a: {  	_ =	shalt  }
0x6b: {  	_ =	shalt  }
0x6c: {  	_ =	shalt  }
0x6d: {  	_ =	shalt  }
0x6e: {  	_ =	shalt  }
0x6f: {  	_ =	shalt  }
0x70: {  	_ =	shalt  }
0x71: {  	_ =	shalt  }
0x72: {  	_ =	shalt  }
0x73: {  	_ =	shalt  }
0x74: {  	_ =	shalt  }
0x75: {  	_ =	shalt  }
0x76: {  	_ =	shalt  }
0x77: {  	_ =	shalt  }
0x78: {  	_ =	shalt  }
0x79: {  	_ =	shalt  }
0x7a: {  	_ =	shalt  }
0x7b: {  	_ =	shalt  }
0x7c: {  	_ =	shalt  }
0x7d: {  	_ =	shalt  }
0x7e: {  	_ =	shalt  }
0x7f: {  	_ =	shalt  }
0x80: {  	_ =	shalt  }
0x81: {  	_ =	shalt  }
0x82: {  	_ =	shalt  }
0x83: {  	_ =	shalt  }
0x84: {  	_ =	shalt  }
0x85: {  	_ =	shalt  }
0x86: {  	_ =	shalt  }
0x87: {  	_ =	shalt  }
.Lfunc_end0:
.L_simem_size_0:
called_computation_lowered:
.L_overlay_start_0:
0x88: {  	s2 =	sld [smem:$0x3FD9]  }
0x89: {  	s3 =	sld [smem:$0x3FFE];
	_ =	sdelay $0x1  }
0x8a: {  	s1 =	srdreg.scid  }
0x8b: {  	s0 =	sand.u32 $0x1, s1  }
0x8c: {  	s18 =	sshll.u32 s0, $0xA;
	s2 =	sadd.s32 s3, s2  }
0x8d: {  	s2 =	sadd.s32 s2, s18  }
0x8e: {  	[smem:$0x3FC1] =	sst s2  }
0x8f: {  	_ = 	snop  }
0x90: {  	s2 =	sld [smem:$0x3FC9]  }
0x91: {  	s19 =	sld [smem:$0x3FC8]  }
0x92: {  	s4 =	sld [smem:$0x3FC7]  }
0x93: {  	s5 =	sld [smem:$0x3FC6]  }
0x94: {  	s6 =	sld [smem:$0x3FC5]  }
0x95: {  	s7 =	sld [smem:$0x3FC4]  }
0x96: {  	s8 =	sld [smem:$0x3FC3]  }
0x97: {  	s9 =	sld [smem:$0x3FD0];
	(tm) =	ssettm $0x1  }
0x98: {  	s10 =	sld [smem:$0x3FFB];
	_ =	sdelay $0x3  }
0x99: {  	_ =	strace s10  }
0x9a: {  	s10 =	sld [smem:$0x3FFC];
	_ =	sdelay $0x3  }
0x9b: {  	_ =	strace s10  }
0x9c: {  	s10 =	sld [smem:$0x3FFD];
	_ =	sdelay $0x3  }
0x9d: {  	_ =	strace s10  }
0x9e: {  	_ =	strace $0x8FFFFFFF  }
0x9f: {  	s20 =	sld [smem:$0x3FDB];
	_ =	sdelay $0x1  }
0xa0: {  	s11 =	simm.s32 $_scs_section_size  }
0xa1: {  	s12 =	simm.s32 $_size__tile_overlayer_lowered;
	s13 =	simm.s32 $_tile_overlayer_lowered  }
0xa2: {  	s23 =	simm.s32 $0x1BFF;
	s22 =	sshll.u32 s13, $0x1;
	s10 =	sadd.s32 s11, s20  }
0xa3: {  	s14 =	simm.s32 $0x0;
	s21 =	sshll.u32 s12, $0x1;
	s12 =	sadd.s32 s22, s10  }
0xa4: {  	[timem:s14], [sflag:s23] =	dma.local [hbm:s12], s21  }
0xa5: {  	_ =	swait.ge [sflag:s23], s21  }
0xa6: {  	s11 =	ssub.s32 $0x0, s21;
	[sflag:s23] =	ssyncset.done $0x0  }
0xa7: {  	[sflag:s23] =	ssyncadd.s32 s11;
	_ =	sdelay $0x1  }
0xa8: {  	s24 =	simm.s32 $0x1B8B  }
0xa9: {  	_ =	swait.ge [sflag:s24], $0x1  }
0xaa: {  	[sflag:s24] =	ssyncset.done $0x0  }
0xab: {  	s25 =	simm.s32 $0x1B8E;
	[sflag:s24] =	ssyncadd.s32 $0xFFFFFFFF  }
0xac: {  	s26 =	simm.s32 $execute0_lowered;
	[smem:$0x3FD2] =	sst s25  }
0xad: {  	s11 =	sshll.u32 s26, $0x1;
	_ =	strace $0x80000046;
	[dreg:$0x1] =	wrdreg $0xFFFFFFFF  }
0xae: {  	s28 =	simm.s32 $_size_execute0_lowered;
	s10 =	sadd.s32 s10, s11;
	[dreg:$0x0] =	wrdreg $0x0  }
0xaf: {  	s11 =	sshll.u32 s28, $0x1;
	[dreg:$0x2] =	wrdreg s10  }
0xb0: {  	[dreg:$0x3] =	wrdreg s11  }
0xb1: {  	[dreg:$0x4] =	wrdreg $0xC0  }
0xb2: {  	_ =	task [dreg:s14], $0x5FFFF  }
0xb3: {  	[dreg:$0x1] =	wrdreg $0xFFFFFFFF  }
0xb4: {  	[dreg:$0x0] =	wrdreg $0x60  }
0xb5: {  	[dreg:$0x2] =	wrdreg s2  }
0xb6: {  	[dreg:$0x3] =	wrdreg s19  }
0xb7: {  	[dreg:$0x4] =	wrdreg s4  }
0xb8: {  	[dreg:$0x5] =	wrdreg s5  }
0xb9: {  	[dreg:$0x6] =	wrdreg s6  }
0xba: {  	[dreg:$0x7] =	wrdreg s7  }
0xbb: {  	[dreg:$0x8] =	wrdreg s8  }
0xbc: {  	[dreg:$0x9] =	wrdreg s9  }
0xbd: {  	[dreg:$0xa] =	wrdreg $0x9  }
0xbe: {  	_ =	task.clear_ibuf [dreg:s14], $0xBFFFF;
	_ =	strace $0x90000046  }
0xbf: {  	s29 =	simm.s32 $0x9;
	_ =	strace $0x80000048  }
0xc0: {  	_ =	swait.ge [sflag:s29], $0x1  }
0xc1: {  	[sflag:s29] =	ssyncadd.s32 $0xFFFFFFFF  }
0xc2: {  	_ =	strace $0x90000048  }
0xc3: {  	_ =	sfence  }
0xc4: {  	s30 =	sld [smem:$0x0];
	_ =	sdelay $0x2  }
0xc5: {  	s31 =	sshll.u32 s1, $0xD;
	s1 =	sshrl.u32 s1, $0x2  }
0xc6: {  	s3 =	sand.u32 $0x4000, s31;
	s1 =	sadd.s32 s1, s30  }
0xc7: {  	s0 =	sor.u32 s3, s0;
	s1 =	sshll.u32 s1, $0x11  }
0xc8: {  	s0 =	sor.u32 s1, s0  }
0xc9: {  	s0 =	sadd.s32 $0x8F2B, s0  }
0xca: {  	[sflag:s0] =	ssyncadd.remote.s32 $0x1  }
0xcb: {  	_ =	sfence.sel $0xFFFF  }
0xcc: {  	[dreg:$0x0] =	wrdreg $0xFFFFFFFF;
	(pc) =	sbr.abs _section_cstart, $3  }
0xcd: {  	[dreg:$0x1] =	wrdreg $0xFFFFFFFF  }
0xce: {  	_ =	task.clear_ibuf [dreg:s14], $0x2FFFF;
	_ =	strace $0x9FFFFFFF  }
0xcf: {  	(tm) =	ssettm $0x7FFFFFFF  }
tec
execute0_lowered:
.L_overlay_start_1:
0x0: {  	(tag) =	ssettag $0x1  }
0x1: {  	s0 =	rddreg [dreg:$0x0]  }
0x2: {  	s4 =	rddreg [dreg:$0x1]  }
0x3: {  	s7 =	rddreg [dreg:$0x2]  }
0x4: {  	s9 =	rddreg [dreg:$0x3]  }
0x5: {  	s1 =	rddreg [dreg:$0x4]  }
0x6: {  	s2 =	rddreg [dreg:$0x5]  }
0x7: {  	s3 =	rddreg [dreg:$0x6]  }
0x8: {  	s10 =	rddreg [dreg:$0x7];
	s5 =	simm.s32 $0x0;
	s6 =	srdreg.scid  }
0x9: {  	s11 =	stileid.u32;
	s13 =	simm.s32 $0x200;
	s14 =	simm.s32 $0x10800  }
0xa: {  	s15 =	simm.s32 $0x80;
	s16 =	simm.s32 $0x800;
	s17 =	simm.s32 $0x8800  }
0xb: {  	s18 =	simm.s32 $0x4800;
	s19 =	simm.s32 $0x280;
	s20 =	simm.s32 $0xC800  }
0xc: {  	s21 =	simm.s32 $0x1;
	s22 =	simm.s32 $0x2;
	s23 =	simm.s32 $0x100  }
0xd: {  	s24 =	simm.s32 $0x300;
	s25 =	simm.s32 $0x180;
	s26 =	simm.s32 $0x380  }
0xe: {  	s28 =	simm.s32 $0x10900;
	s29 =	simm.s32 $0x0;
	s6 =	sand.u32 $0x1, s6  }
0xf: {  	s11 =	sshll.u32 s11, $0x7;
	s8 =	ssub.s32 $0x2, s6;
	s6 =	sshll.u32 s6, $0x6  }
0x10: {  	v0 =	vlaneseq.u32;
	[smem:$0x7FF] =	sst s5;
	s12 =	sshrl.u32 s8, $0x1;
	s11 =	sor.u32 s6, s11  }
0x11: {  	v0 =	vmul.u32 $0x80, v0;
	_ =	strace $0x80000047;
	s12 =	ssub.s32 s8, s12;
	s6 =	sadd.s32 s0, s11  }
0x12: {  	s7 =	sadd.s32 s7, s11;
	s8 =	sadd.s32 s4, s11;
	s9 =	sadd.s32 s9, s11  }
0x13: {  	[tilespmem:$0x1FFF0] =	vst v0;
	s10 =	sadd.s32 s10, s11;
	s11 =	smax.u32 s12, $0x1;
	s12 =	simm.s32 $0x3  }
.LBB2_1:
0x14: {  	[tilespmem:s5], [sflag:$0x3] =	stream.linear.gather [hbm4b:s6+s5], $0x200, $0x38;
	[tilespmem:$0x10B00] =	vst v63  }
0x15: {  	_ =	swait.ge [sflag:s12], $0x200  }
0x16: {  	[sflag:s12] =	ssyncset.done $0x0  }
0x17: {  	[sflag:s12] =	ssyncadd.s32 $0xFFFFFE00  }
0x18: {  	[tilespmem:s13], [sflag:$0x3] =	stream.linear.gather [hbm4b:s7+s5], $0x200, $0x38;
	[tilespmem:$0x10B00] =	vst v63  }
0x19: {  	_ =	swait.ge [sflag:s12], $0x200  }
0x1a: {  	[sflag:s12] =	ssyncset.done $0x0  }
0x1b: {  	s4 =	simm.s32 $0x400;
	[sflag:s12] =	ssyncadd.s32 $0xFFFFFE00  }
0x1c: {  	[tilespmem:s4], [sflag:$0x3] =	stream.linear.gather [hbm4b:s8+s5], $0x200, $0x38;
	[tilespmem:$0x10B00] =	vst v63  }
0x1d: {  	_ =	swait.ge [sflag:s12], $0x200  }
0x1e: {  	[sflag:s12] =	ssyncset.done $0x0  }
0x1f: {  	s0 =	simm.s32 $0x600;
	[sflag:s12] =	ssyncadd.s32 $0xFFFFFE00  }
0x20: {  	[tilespmem:s0], [sflag:$0x3] =	stream.linear.gather [hbm4b:s9+s5], $0x200, $0x38;
	[tilespmem:$0x10B00] =	vst v63  }
0x21: {  	_ =	swait.ge [sflag:s12], $0x200  }
0x22: {  	[sflag:s12] =	ssyncset.done $0x0  }
0x23: {  	[sflag:s12] =	ssyncadd.s32 $0xFFFFFE00  }
0x24: {  	[tilespmem:s14], [sflag:$0x3] =	stream.linear.gather [hbm4b:s3+s5], $0x100, $0x38;
	[tilespmem:$0x10B00] =	vst v63  }
0x25: {  	_ =	swait.ge [sflag:s12], $0x100  }
0x26: {  	[sflag:s12] =	ssyncset.done $0x0  }
0x27: {  	[sflag:s12] =	ssyncadd.s32 $0xFFFFFF00  }
0x28: {  	v1 =	vld [tilespmem:$0x10800]  }
0x29: {  	v2 =	vld [tilespmem:$0x10880];
	[tilespmem:s16], [sflag:$0x1] =	stream.indirect.gather [hbm4b:s1+s15], $0x80, s5, s15, $0xb8  }
0x2a: {  	_ = 	snop  }
0x2b: {  	[tilespmem:s17], [sflag:$0x2] =	stream.indirect.gather [hbm4b:s2+s15], $0x80, s13, s15, $0xb8;
	[tilespmem:$0x10B00] =	vst v63  }
0x2c: {  	_ = 	snop  }
0x2d: {  	[tilespmem:s18], [sflag:$0x1] =	stream.indirect.gather [hbm4b:s1+s15], $0x80, s15, s15, $0xb8;
	[tilespmem:$0x10B00] =	vst v63  }
0x2e: {  	_ = 	snop  }
0x2f: {  	[tilespmem:s20], [sflag:$0x2] =	stream.indirect.gather [hbm4b:s2+s15], $0x80, s19, s15, $0xb8;
	[tilespmem:$0x10B00] =	vst v63  }
0x30: {  	_ =	swait.ge [sflag:s21], $0x4000  }
0x31: {  	[sflag:s21] =	ssyncset.done $0x0  }
0x32: {  	[sflag:s21] =	ssyncadd.s32 $0xFFFFC000  }
0x33: {  	_ =	swait.ge [sflag:s22], $0x4000  }
0x34: {  	[sflag:s22] =	ssyncset.done $0x0  }
0x35: {  	[sflag:s22] =	ssyncadd.s32 $0xFFFFC000  }
0x36: {  	_ =	swait.ge [sflag:s21], $0x4000  }
0x37: {  	[sflag:s21] =	ssyncset.done $0x0  }
0x38: {  	[sflag:s21] =	ssyncadd.s32 $0xFFFFC000  }
0x39: {  	_ =	swait.ge [sflag:s22], $0x4000  }
0x3a: {  	[sflag:s22] =	ssyncset.done $0x0  }
0x3b: {  	[sflag:s22] =	ssyncadd.s32 $0xFFFFC000  }
0x3c: {  	v18 =	vld [tilespmem:s4+$0x0];
	_ =	sdelay $0x2  }
0x3d: {  	v3 =	vmov s5  }
0x3e: {  	v3 =	vshll.u32 v3, $0x7  }
0x3f: {  	v3 =	vor.u32 v0, v3;
	v4 =	vadd.s32 $0x1B, v18;
	v5 =	vadd.s32 $0x1C, v18  }
0x40: {  	v6 =	vadd.s32 $0x1D, v18;
	v7 =	vadd.s32 $0x18, v18;
	v8 =	vadd.s32 $0x19, v18  }
0x41: {  	v9 =	vadd.s32 $0x1A, v18;
	v10 =	vadd.s32 $0x15, v18;
	v11 =	vadd.s32 $0x16, v18  }
0x42: {  	v12 =	vadd.s32 $0x17, v18;
	v13 =	vadd.s32 $0x12, v18;
	v14 =	vadd.s32 $0x13, v18  }
0x43: {  	v15 =	vadd.s32 $0x14, v18;
	v16 =	vadd.s32 $0xF, v18;
	v17 =	vadd.s32 $0x10, v18  }
0x44: {  	v19 =	vadd.s32 $0x11, v18;
	v20 =	vadd.s32 $0xC, v18;
	v21 =	vadd.s32 $0xD, v18  }
0x45: {  	v22 =	vadd.s32 $0xE, v18;
	v23 =	vadd.s32 $0x9, v18;
	v24 =	vadd.s32 $0xA, v18  }
0x46: {  	v25 =	vadd.s32 $0xB, v18;
	v26 =	vadd.s32 $0x6, v18;
	v27 =	vadd.s32 $0x7, v18  }
0x47: {  	v28 =	vadd.s32 $0x8, v18;
	v29 =	vadd.s32 $0x3, v18;
	v30 =	vadd.s32 $0x4, v18  }
0x48: {  	v31 =	vadd.s32 $0x5, v18;
	v32 =	vand.u32 $0x7F, v18;
	v33 =	vadd.s32 $0x1, v18  }
0x49: {  	v34 =	vadd.s32 $0x2, v18;
	v35 =	vand.u32 $0xFFFFFF80, v18;
	v36 =	vand.u32 $0x7F, v6  }
0x4a: {  	v37 =	vand.u32 $0xFFFFFF80, v5;
	v5 =	vand.u32 $0x7F, v5;
	v6 =	vand.u32 $0xFFFFFF80, v6  }
0x4b: {  	v38 =	vand.u32 $0x7F, v9;
	v39 =	vand.u32 $0xFFFFFF80, v4;
	v40 =	vand.u32 $0x7F, v4  }
0x4c: {  	v41 =	vand.u32 $0xFFFFFF80, v8;
	v8 =	vand.u32 $0x7F, v8;
	v9 =	vand.u32 $0xFFFFFF80, v9  }
0x4d: {  	v42 =	vand.u32 $0x7F, v12;
	v43 =	vand.u32 $0xFFFFFF80, v7;
	v4 =	vadd.s32 v3, v35  }
0x4e: {  	v51 =	vand.u32 $0x7F, v7;
	v44 =	vand.u32 $0xFFFFFF80, v11;
	v11 =	vand.u32 $0x7F, v11  }
0x4f: {  	v12 =	vand.u32 $0xFFFFFF80, v12;
	v52 =	vand.u32 $0x7F, v15;
	v53 =	vand.u32 $0xFFFFFF80, v10  }
0x50: {  	v54 =	vand.u32 $0x7F, v10;
	v55 =	vand.u32 $0xFFFFFF80, v14;
	v45 =	vand.u32 $0x7F, v14  }
0x51: {  	v14 =	vand.u32 $0xFFFFFF80, v15;
	v15 =	vand.u32 $0x7F, v19;
	v56 =	vand.u32 $0xFFFFFF80, v13  }
0x52: {  	v57 =	vand.u32 $0x7F, v13;
	v58 =	vand.u32 $0xFFFFFF80, v17;
	v59 =	vand.u32 $0x7F, v17  }
0x53: {  	v17 =	vand.u32 $0xFFFFFF80, v19;
	v19 =	vand.u32 $0x7F, v22;
	v60 =	vand.u32 $0xFFFFFF80, v16  }
0x54: {  	v61 =	vand.u32 $0x7F, v16;
	v62 =	vand.u32 $0xFFFFFF80, v21;
	v63 =	vand.u32 $0x7F, v21  }
0x55: {  	v21 =	vand.u32 $0xFFFFFF80, v22;
	v22 =	vand.u32 $0xFFFFFF80, v20;
	v48 =	vand.u32 $0x7F, v20  }
0x56: {  	v49 =	vand.u32 $0xFFFFFF80, v24;
	v24 =	vand.u32 $0x7F, v24;
	v50 =	vand.u32 $0x7F, v28  }
0x57: {  	v32 =	vor.u32 v32, v4;
	v4 =	vadd.s32 v3, v6;
	v6 =	vadd.s32 v3, v9  }
0x58: {  	v9 =	vadd.s32 v3, v37;
	v16 =	vadd.s32 v3, v17;
	v20 =	vadd.s32 v3, v21  }
0x59: {  	v4 =	vor.u32 v36, v4;
	v7 =	vor.u32 v38, v6;
	v6 =	vadd.s32 v3, v39  }
0x5a: {  	v5 =	vor.u32 v5, v9;
	v9 =	vadd.s32 v3, v12;
	v12 =	vadd.s32 v3, v41  }
0x5b: {  	v17 =	vor.u32 v15, v16;
	v15 =	vadd.s32 v3, v56;
	v21 =	vor.u32 v19, v20  }
0x5c: {  	v19 =	vadd.s32 v3, v60;
	v56 =	vand.u32 $0xFFFFFF80, v26;
	v60 =	vand.u32 $0x7F, v34  }
0x5d: {  	v34 =	vand.u32 $0xFFFFFF80, v34;
	v6 =	vor.u32 v40, v6;
	v10 =	vor.u32 v42, v9  }
0x5e: {  	v9 =	vadd.s32 v3, v43;
	v8 =	vor.u32 v8, v12;
	v12 =	vadd.s32 v3, v14  }
0x5f: {  	v16 =	vor.u32 v57, v15;
	v15 =	vadd.s32 v3, v55;
	v20 =	vor.u32 v61, v19  }
0x60: {  	v19 =	vadd.s32 v3, v58;
	v55 =	vand.u32 $0x7F, v31;
	v57 =	vand.u32 $0xFFFFFF80, v30  }
0x61: {  	v30 =	vand.u32 $0x7F, v30;
	v31 =	vand.u32 $0xFFFFFF80, v31;
	v61 =	vadd.s32 v3, v49  }
0x62: {  	v34 =	vadd.s32 v3, v34;
	v9 =	vor.u32 v51, v9;
	v14 =	vor.u32 v52, v12  }
0x63: {  	v12 =	vadd.s32 v3, v53;
	v15 =	vor.u32 v45, v15;
	v51 =	vand.u32 $0xFFFFFF80, v23  }
0x64: {  	v23 =	vand.u32 $0x7F, v23;
	v52 =	vand.u32 $0xFFFFFF80, v27;
	v53 =	vand.u32 $0x7F, v27  }
0x65: {  	v19 =	vor.u32 v59, v19;
	v40 =	vor.u32 v24, v61;
	v31 =	vadd.s32 v3, v31  }
0x66: {  	v34 =	vor.u32 v60, v34;
	v13 =	vor.u32 v54, v12;
	v12 =	vadd.s32 v3, v44  }
0x67: {  	v54 =	vand.u32 $0xFFFFFF80, v28;
	v58 =	vadd.s32 v3, v51;
	v36 =	vadd.s32 v3, v52  }
0x68: {  	v12 =	vor.u32 v11, v12;
	v11 =	vand.u32 $0x7F, v25;
	v25 =	vand.u32 $0xFFFFFF80, v25  }
0x69: {  	v31 =	vor.u32 v55, v31;
	v59 =	vadd.s32 v3, v54;
	v25 =	vadd.s32 v3, v25  }
0x6a: {  	v37 =	vor.u32 v23, v58;
	v28 =	vor.u32 v11, v25;
	v11 =	vadd.s32 v3, v22  }
0x6b: {  	v23 =	vand.u32 $0xFFFFFF80, v29;
	v27 =	vor.u32 v48, v11;
	v11 =	vadd.s32 v3, v62  }
0x6c: {  	v29 =	vand.u32 $0x7F, v29;
	v36 =	vor.u32 v53, v36;
	v25 =	vor.u32 v63, v11;
	v11 =	vld [tilespmem:s0+$0x0]  }
0x6d: {  	v39 =	vor.u32 v50, v59;
	v23 =	vadd.s32 v3, v23;
	v22 =	vand.u32 $0x7F, v26  }
0x6e: {  	v26 =	vadd.s32 v3, v57;
	v23 =	vor.u32 v29, v23;
	v62 =	vand.u32 $0xFFFFFF80, v33  }
0x6f: {  	v33 =	vand.u32 $0x7F, v33;
	v63 =	vadd.s32 v3, v56;
	v24 =	vadd.s32 v3, v62  }
0x70: {  	v26 =	vor.u32 v30, v26;
	v22 =	vor.u32 v22, v63;
	v24 =	vor.u32 v33, v24  }
0x71: {  	v45 =	vand.u32 $0xFFFFFF80, v11;
	v46 =	vand.u32 $0x7F, v11;
	v47 =	vadd.s32 $0x1, v11  }
0x72: {  	v49 =	vadd.s32 $0x2, v11;
	v52 =	vadd.s32 $0x3, v11;
	v55 =	vadd.s32 $0x4, v11  }
0x73: {  	v33 =	vadd.s32 v3, v45;
	v48 =	vand.u32 $0xFFFFFF80, v47;
	v42 =	vand.u32 $0x7F, v47  }
0x74: {  	v50 =	vand.u32 $0xFFFFFF80, v49;
	v33 =	vor.u32 v46, v33;
	v35 =	vadd.s32 v3, v48  }
0x75: {  	v51 =	vand.u32 $0x7F, v49;
	v38 =	vadd.s32 v3, v50;
	v35 =	vor.u32 v42, v35  }
0x76: {  	v32 =	vld.idx.msk [tilespmem:v32+s16+$0x0], $0xffff;
	v58 =	vadd.s32 $0x5, v11;
	v60 =	vadd.s32 $0x6, v11;
	v29 =	vor.u32 v51, v38  }
0x77: {  	v34 =	vld.idx.msk [tilespmem:v34+s16+$0x0], $0xffff;
	v62 =	vadd.s32 $0x8, v11;
	v63 =	vadd.s32 $0x7, v11;
	v53 =	vand.u32 $0xFFFFFF80, v52  }
0x78: {  	v54 =	vand.u32 $0x7F, v52;
	v24 =	vld.idx.msk [tilespmem:v24+s16+$0x0], $0xffff;
	v56 =	vand.u32 $0xFFFFFF80, v55;
	v57 =	vand.u32 $0x7F, v55  }
0x79: {  	v59 =	vand.u32 $0xFFFFFF80, v58;
	v61 =	vand.u32 $0xFFFFFF80, v60;
	v38 =	vadd.s32 v3, v53;
	v33 =	vld.idx.msk [tilespmem:v33+s17+$0x0], $0xffff  }
0x7a: {  	v41 =	vadd.s32 v3, v59;
	v42 =	vand.u32 $0x7F, v58;
	v30 =	vor.u32 v54, v38;
	v35 =	vld.idx.msk [tilespmem:v35+s17+$0x0], $0xffff  }
0x7b: {  	v45 =	vand.u32 $0xFFFFFF80, v63;
	v38 =	vadd.s32 v3, v56;
	v41 =	vor.u32 v42, v41;
	v29 =	vld.idx.msk [tilespmem:v29+s17+$0x0], $0xffff  }
0x7c: {  	v31 =	vld.idx.msk [tilespmem:v31+s16+$0x0], $0xffff;
	v47 =	vadd.s32 $0x9, v11;
	v48 =	vadd.s32 $0xA, v11;
	v38 =	vor.u32 v57, v38  }
0x7d: {  	v23 =	vld.idx.msk [tilespmem:v23+s16+$0x0], $0xffff;
	v46 =	vand.u32 $0xFFFFFF80, v62;
	v51 =	vand.u32 $0xFFFFFF80, v48;
	v54 =	vadd.s32 $0xB, v11  }
0x7e: {  	v26 =	vld.idx.msk [tilespmem:v26+s16+$0x0], $0xffff;
	v53 =	vand.u32 $0x7F, v48;
	v42 =	vadd.s32 v3, v61;
	v57 =	vand.u32 $0xFFFFFF80, v54  }
0x7f: {  	v30 =	vld.idx.msk [tilespmem:v30+s17+$0x0], $0xffff;
	v32 =	vmul.f32 v33, v32;
	v33 =	vand.u32 $0x7F, v60;
	v24 =	vmul.f32 v35, v24  }
0x80: {  	v41 =	vld.idx.msk [tilespmem:v41+s17+$0x0], $0xffff;
	v33 =	vor.u32 v33, v42;
	v42 =	vand.u32 $0x7F, v63;
	v29 =	vmul.f32 v29, v34  }
0x81: {  	v38 =	vld.idx.msk [tilespmem:v38+s17+$0x0], $0xffff;
	v35 =	vand.u32 $0x7F, v62;
	v34 =	vadd.s32 v3, v46;
	v32 =	vadd.f32 $0.0e+00, v32  }
0x82: {  	v62 =	vadd.s32 $0xD, v11;
	v63 =	vld.idx.msk [tilespmem:v28+s16+$0x0], $0xffff;
	v28 =	vadd.s32 $0x1D, v11;
	v46 =	vadd.s32 $0x19, v11  }
0x83: {  	v34 =	vor.u32 v35, v34;
	v24 =	vadd.f32 v24, v32;
	v32 =	vadd.s32 v3, v45  }
0x84: {  	v23 =	vmul.f32 v30, v23;
	v30 =	vand.u32 $0xFFFFFF80, v47;
	v32 =	vor.u32 v42, v32  }
0x85: {  	v35 =	vand.u32 $0x7F, v47;
	v31 =	vmul.f32 v41, v31;
	v44 =	vand.u32 $0xFFFFFF80, v62  }
0x86: {  	v50 =	vld.idx.msk [tilespmem:v22+s16+$0x0], $0xffff;
	v47 =	vadd.s32 $0xE, v11;
	v30 =	vadd.s32 v3, v30;
	v24 =	vadd.f32 v29, v24  }
0x87: {  	v22 =	vmul.f32 v38, v26;
	v38 =	vadd.s32 v3, v57;
	v26 =	vadd.s32 $0x1E, v11;
	v52 =	vld.idx.msk [tilespmem:v33+s17+$0x0], $0xffff  }
0x88: {  	v55 =	vld.idx.msk [tilespmem:v36+s16+$0x0], $0xffff;
	v48 =	vand.u32 $0xFFFFFF80, v47;
	v30 =	vor.u32 v35, v30;
	v23 =	vadd.f32 v23, v24  }
0x89: {  	v57 =	vadd.s32 $0x14, v11;
	v35 =	vadd.s32 $0x1B, v11;
	v24 =	vadd.s32 v3, v51;
	v32 =	vld.idx.msk [tilespmem:v32+s17+$0x0], $0xffff  }
0x8a: {  	v39 =	vld.idx.msk [tilespmem:v39+s16+$0x0], $0xffff;
	v29 =	vadd.s32 $0x1E, v18;
	v33 =	vor.u32 v53, v24;
	v56 =	vadd.f32 v22, v23  }
0x8b: {  	v34 =	vld.idx.msk [tilespmem:v34+s17+$0x0], $0xffff;
	v22 =	vand.u32 $0xFFFFFF80, v29;
	v23 =	vand.u32 $0x7F, v29;
	v29 =	vand.u32 $0x7F, v54  }
0x8c: {  	v37 =	vld.idx.msk [tilespmem:v37+s16+$0x0], $0xffff;
	v38 =	vor.u32 v29, v38;
	v58 =	vmul.f32 v52, v50;
	v31 =	vadd.f32 v31, v56  }
0x8d: {  	v45 =	vand.u32 $0x7F, v62;
	v18 =	vadd.s32 $0x1F, v18;
	v30 =	vld.idx.msk [tilespmem:v30+s17+$0x0], $0xffff;
	v29 =	vadd.s32 $0xC, v11  }
0x8e: {  	v40 =	vld.idx.msk [tilespmem:v40+s16+$0x0], $0xffff;
	v59 =	vand.u32 $0xFFFFFF80, v29;
	v31 =	vadd.f32 v58, v31;
	v32 =	vmul.f32 v32, v55  }
0x8f: {  	v49 =	vand.u32 $0xFFFFFF80, v18;
	v60 =	vand.u32 $0x7F, v29;
	v41 =	vadd.s32 v3, v59;
	v33 =	vld.idx.msk [tilespmem:v33+s17+$0x0], $0xffff  }
0x90: {  	v43 =	vmul.f32 v34, v39;
	v61 =	vor.u32 v60, v41;
	v31 =	vadd.f32 v32, v31  }
0x91: {  	v18 =	vand.u32 $0x7F, v18;
	v51 =	vadd.s32 $0x10, v11;
	v53 =	vadd.s32 $0x11, v11;
	v38 =	vld.idx.msk [tilespmem:v38+s17+$0x0], $0xffff  }
0x92: {  	v34 =	vadd.s32 v3, v44;
	v30 =	vmul.f32 v30, v37;
	v31 =	vadd.f32 v43, v31  }
0x93: {  	v54 =	vadd.s32 $0x12, v11;
	v24 =	vadd.s32 v3, v22;
	v34 =	vor.u32 v45, v34  }
0x94: {  	v27 =	vld.idx.msk [tilespmem:v27+s16+$0x0], $0xffff;
	v22 =	vadd.s32 v3, v49;
	v30 =	vadd.f32 v30, v31;
	v31 =	vmul.f32 v33, v40  }
0x95: {  	v49 =	vadd.s32 $0x15, v11;
	v50 =	vadd.s32 $0xF, v11;
	v52 =	vand.u32 $0xFFFFFF80, v51;
	v36 =	vld.idx.msk [tilespmem:v61+s17+$0x0], $0xffff  }
0x96: {  	v29 =	vadd.s32 $0x1C, v11;
	v30 =	vadd.f32 v31, v30;
	v31 =	vmul.f32 v38, v63  }
0x97: {  	v25 =	vld.idx.msk [tilespmem:v25+s16+$0x0], $0xffff;
	v39 =	vand.u32 $0x7F, v47;
	v56 =	vadd.s32 $0x13, v11;
	v40 =	vadd.s32 v3, v48  }
0x98: {  	v34 =	vld.idx.msk [tilespmem:v34+s17+$0x0], $0xffff;
	v39 =	vor.u32 v39, v40;
	v30 =	vadd.f32 v31, v30;
	v31 =	vand.u32 $0xFFFFFF80, v50  }
0x99: {  	v62 =	vand.u32 $0xFFFFFF80, v49;
	v41 =	vand.u32 $0x7F, v50;
	v31 =	vadd.s32 v3, v31  }
0x9a: {  	v59 =	vand.u32 $0xFFFFFF80, v57;
	v27 =	vmul.f32 v36, v27;
	v31 =	vor.u32 v41, v31  }
0x9b: {  	v21 =	vld.idx.msk [tilespmem:v21+s16+$0x0], $0xffff;
	v55 =	vand.u32 $0xFFFFFF80, v54;
	v40 =	vand.u32 $0x7F, v51;
	v36 =	vadd.s32 v3, v52  }
0x9c: {  	v17 =	vld.idx.msk [tilespmem:v17+s16+$0x0], $0xffff;
	v36 =	vor.u32 v40, v36;
	v27 =	vadd.f32 v27, v30;
	v30 =	vand.u32 $0xFFFFFF80, v53  }
0x9d: {  	v25 =	vmul.f32 v34, v25;
	v39 =	vld.idx.msk [tilespmem:v39+s17+$0x0], $0xffff;
	v41 =	vand.u32 $0x7F, v53;
	v30 =	vadd.s32 v3, v30  }
0x9e: {  	v20 =	vld.idx.msk [tilespmem:v20+s16+$0x0], $0xffff;
	v34 =	vadd.s32 v3, v55;
	v40 =	vand.u32 $0x7F, v54;
	v30 =	vor.u32 v41, v30  }
0x9f: {  	v58 =	vand.u32 $0xFFFFFF80, v56;
	v60 =	vadd.s32 $0x16, v11;
	v34 =	vor.u32 v40, v34;
	v31 =	vld.idx.msk [tilespmem:v31+s17+$0x0], $0xffff  }
0xa0: {  	v19 =	vld.idx.msk [tilespmem:v19+s16+$0x0], $0xffff;
	v25 =	vadd.f32 v25, v27;
	v41 =	vand.u32 $0x7F, v56;
	v27 =	vadd.s32 v3, v58  }
0xa1: {  	v42 =	vand.u32 $0x7F, v60;
	v32 =	vadd.s32 $0x18, v11;
	v36 =	vld.idx.msk [tilespmem:v36+s17+$0x0], $0xffff;
	v27 =	vor.u32 v41, v27  }
0xa2: {  	v16 =	vld.idx.msk [tilespmem:v16+s16+$0x0], $0xffff;
	v45 =	vand.u32 $0xFFFFFF80, v32;
	v32 =	vand.u32 $0x7F, v32;
	v21 =	vmul.f32 v39, v21  }
0xa3: {  	v61 =	vadd.s32 $0x17, v11;
	v40 =	vand.u32 $0x7F, v57;
	v39 =	vadd.s32 v3, v59;
	v30 =	vld.idx.msk [tilespmem:v30+s17+$0x0], $0xffff  }
0xa4: {  	v15 =	vld.idx.msk [tilespmem:v15+s16+$0x0], $0xffff;
	v39 =	vor.u32 v40, v39;
	v21 =	vadd.f32 v21, v25;
	v20 =	vmul.f32 v31, v20  }
0xa5: {  	v38 =	vand.u32 $0x7F, v49;
	v63 =	vand.u32 $0xFFFFFF80, v60;
	v25 =	vadd.s32 v3, v62;
	v31 =	vld.idx.msk [tilespmem:v34+s17+$0x0], $0xffff  }
0xa6: {  	v25 =	vor.u32 v38, v25;
	v19 =	vmul.f32 v36, v19;
	v27 =	vld.idx.msk [tilespmem:v27+s17+$0x0], $0xffff;
	v20 =	vadd.f32 v20, v21  }
0xa7: {  	v43 =	vand.u32 $0xFFFFFF80, v61;
	v44 =	vand.u32 $0x7F, v61;
	v21 =	vadd.s32 v3, v63  }
0xa8: {  	v14 =	vld.idx.msk [tilespmem:v14+s16+$0x0], $0xffff;
	v17 =	vmul.f32 v30, v17;
	v21 =	vor.u32 v42, v21;
	v19 =	vadd.f32 v19, v20  }
0xa9: {  	v33 =	vadd.s32 $0x1A, v11;
	v48 =	vand.u32 $0xFFFFFF80, v35;
	v30 =	vld.idx.msk [tilespmem:v39+s17+$0x0], $0xffff;
	v20 =	vadd.s32 v3, v43  }
0xaa: {  	v13 =	vld.idx.msk [tilespmem:v13+s16+$0x0], $0xffff;
	v20 =	vor.u32 v44, v20;
	v16 =	vmul.f32 v31, v16;
	v17 =	vadd.f32 v17, v19  }
0xab: {  	v11 =	vadd.s32 $0x1F, v11;
	v25 =	vld.idx.msk [tilespmem:v25+s17+$0x0], $0xffff;
	v15 =	vmul.f32 v27, v15;
	v19 =	vadd.s32 v3, v45  }
0xac: {  	v12 =	vld.idx.msk [tilespmem:v12+s16+$0x0], $0xffff;
	v31 =	vand.u32 $0xFFFFFF80, v46;
	v19 =	vor.u32 v32, v19;
	v16 =	vadd.f32 v16, v17  }
0xad: {  	v47 =	vand.u32 $0xFFFFFF80, v33;
	v46 =	vand.u32 $0x7F, v46;
	v17 =	vadd.s32 v3, v31;
	v21 =	vld.idx.msk [tilespmem:v21+s17+$0x0], $0xffff  }
0xae: {  	v10 =	vld.idx.msk [tilespmem:v10+s16+$0x0], $0xffff;
	v14 =	vmul.f32 v30, v14;
	v17 =	vor.u32 v46, v17;
	v15 =	vadd.f32 v15, v16  }
0xaf: {  	v51 =	vand.u32 $0x7F, v28;
	v31 =	vand.u32 $0x7F, v33;
	v16 =	vadd.s32 v3, v47;
	v20 =	vld.idx.msk [tilespmem:v20+s17+$0x0], $0xffff  }
0xb0: {  	v9 =	vld.idx.msk [tilespmem:v9+s16+$0x0], $0xffff;
	v13 =	vmul.f32 v25, v13;
	v16 =	vor.u32 v31, v16;
	v14 =	vadd.f32 v14, v15  }
0xb1: {  	v49 =	vand.u32 $0xFFFFFF80, v29;
	v30 =	vand.u32 $0x7F, v35;
	v15 =	vadd.s32 v3, v48;
	v19 =	vld.idx.msk [tilespmem:v19+s17+$0x0], $0xffff  }
0xb2: {  	v8 =	vld.idx.msk [tilespmem:v8+s16+$0x0], $0xffff;
	v15 =	vor.u32 v30, v15;
	v12 =	vmul.f32 v21, v12;
	v13 =	vadd.f32 v13, v14  }
0xb3: {  	v50 =	vand.u32 $0x7F, v29;
	v21 =	vand.u32 $0xFFFFFF80, v28;
	v14 =	vadd.s32 v3, v49;
	v17 =	vld.idx.msk [tilespmem:v17+s17+$0x0], $0xffff  }
0xb4: {  	v7 =	vld.idx.msk [tilespmem:v7+s16+$0x0], $0xffff;
	v14 =	vor.u32 v50, v14;
	v10 =	vmul.f32 v20, v10;
	v12 =	vadd.f32 v12, v13  }
0xb5: {  	v20 =	vand.u32 $0xFFFFFF80, v26;
	v13 =	vadd.s32 v3, v21;
	v16 =	vld.idx.msk [tilespmem:v16+s17+$0x0], $0xffff;
	v21 =	vand.u32 $0x7F, v26  }
0xb6: {  	v6 =	vld.idx.msk [tilespmem:v6+s16+$0x0], $0xffff;
	v13 =	vor.u32 v51, v13;
	v9 =	vmul.f32 v19, v9;
	v10 =	vadd.f32 v10, v12  }
0xb7: {  	v19 =	vor.u32 v23, v24;
	v12 =	vadd.s32 v3, v20;
	v15 =	vld.idx.msk [tilespmem:v15+s17+$0x0], $0xffff;
	v20 =	vand.u32 $0xFFFFFF80, v11  }
0xb8: {  	v5 =	vld.idx.msk [tilespmem:v5+s16+$0x0], $0xffff;
	v12 =	vor.u32 v21, v12;
	v8 =	vmul.f32 v17, v8;
	v9 =	vadd.f32 v9, v10  }
0xb9: {  	v11 =	vand.u32 $0x7F, v11;
	v3 =	vadd.s32 v3, v20;
	v10 =	vor.u32 v18, v22;
	v14 =	vld.idx.msk [tilespmem:v14+s17+$0x0], $0xffff  }
0xba: {  	v4 =	vld.idx.msk [tilespmem:v4+s16+$0x0], $0xffff;
	v3 =	vor.u32 v11, v3;
	v7 =	vmul.f32 v16, v7;
	v8 =	vadd.f32 v8, v9  }
0xbb: {  	v9 =	vld.idx.msk [tilespmem:v13+s17+$0x0], $0xffff  }
0xbc: {  	v11 =	vld.idx.msk [tilespmem:v19+s16+$0x0], $0xffff;
	v6 =	vmul.f32 v15, v6;
	v7 =	vadd.f32 v7, v8  }
0xbd: {  	v8 =	vld.idx.msk [tilespmem:v12+s17+$0x0], $0xffff  }
0xbe: {  	v10 =	vld.idx.msk [tilespmem:v10+s16+$0x0], $0xffff;
	v5 =	vmul.f32 v14, v5;
	v6 =	vadd.f32 v6, v7  }
0xbf: {  	v3 =	vld.idx.msk [tilespmem:v3+s17+$0x0], $0xffff  }
0xc0: {  	v4 =	vmul.f32 v9, v4;
	v5 =	vadd.f32 v5, v6;
	_ =	sdelay $0x1  }
0xc1: {  	v4 =	vadd.f32 v4, v5;
	v5 =	vmul.f32 v8, v11;
	_ =	sdelay $0x1  }
0xc2: {  	v3 =	vmul.f32 v3, v10;
	v4 =	vadd.f32 v5, v4;
	_ =	sdelay $0x1  }
0xc3: {  	v3 =	vadd.f32 v3, v4;
	_ =	sdelay $0x1  }
0xc4: {  	v3 =	vmul.f32 v3, v1;
	_ =	sdelay $0x1  }
0xc5: {  	v3 =	vadd.f32 v3, v2;
	_ =	sdelay $0x1  }
0xc6: {  	v3 =	vsub.f32 $0.0e+00, v3;
	_ =	sdelay $0x1  }
0xc7: {  	v3 =	vmul.f32 $1.442695020e+00, v3;
	_ =	sdelay $0x1  }
0xc8: {  	(erf) = vpow2.f32 v3;
	_ =	sdelay $0x8  }
0xc9: {  	v3 =	vpop (erf)  }
0xca: {  	v3 =	vadd.f32 $1.000000000e+00, v3;
	_ =	sdelay $0x1  }
0xcb: {  	(erf) = vrcp.f32 v3;
	_ =	sdelay $0x8  }
0xcc: {  	v3 =	vpop (erf)  }
0xcd: {  	s31 =	simm.s32 $0x410;
	[tilespmem:s28+$0x0] =	vst v3  }
0xce: {  	v4 =	vld [tilespmem:s31+$0x0];
	_ =	sdelay $0x1  }
0xcf: {  	s4 =	simm.s32 $0x10  }
0xd0: {  	v3 =	vmov s4  }
0xd1: {  	v3 =	vshll.u32 v3, $0x7  }
0xd2: {  	v3 =	vor.u32 v0, v3;
	v5 =	vadd.s32 $0x1E, v4;
	v6 =	vadd.s32 $0x1F, v4  }
0xd3: {  	v7 =	vadd.s32 $0x1B, v4;
	v8 =	vadd.s32 $0x1C, v4;
	v9 =	vadd.s32 $0x1D, v4  }
0xd4: {  	v10 =	vadd.s32 $0x18, v4;
	v11 =	vadd.s32 $0x19, v4;
	v12 =	vadd.s32 $0x1A, v4  }
0xd5: {  	v13 =	vadd.s32 $0x15, v4;
	v14 =	vadd.s32 $0x16, v4;
	v15 =	vadd.s32 $0x17, v4  }
0xd6: {  	v16 =	vadd.s32 $0x12, v4;
	v17 =	vadd.s32 $0x13, v4;
	v18 =	vadd.s32 $0x14, v4  }
0xd7: {  	v19 =	vadd.s32 $0xF, v4;
	v20 =	vadd.s32 $0x10, v4;
	v21 =	vadd.s32 $0x11, v4  }
0xd8: {  	v24 =	vadd.s32 $0xC, v4;
	v22 =	vadd.s32 $0xD, v4;
	v25 =	vadd.s32 $0xE, v4  }
0xd9: {  	v27 =	vadd.s32 $0x9, v4;
	v28 =	vadd.s32 $0xA, v4;
	v29 =	vadd.s32 $0xB, v4  }
0xda: {  	v30 =	vadd.s32 $0x6, v4;
	v31 =	vadd.s32 $0x7, v4;
	v32 =	vadd.s32 $0x8, v4  }
0xdb: {  	v33 =	vadd.s32 $0x3, v4;
	v34 =	vadd.s32 $0x4, v4;
	v36 =	vadd.s32 $0x5, v4  }
0xdc: {  	v23 =	vand.u32 $0x7F, v4;
	v38 =	vadd.s32 $0x1, v4;
	v39 =	vadd.s32 $0x2, v4  }
0xdd: {  	v4 =	vand.u32 $0xFFFFFF80, v4;
	v52 =	vand.u32 $0xFFFFFF80, v6;
	v53 =	vand.u32 $0x7F, v6  }
0xde: {  	v6 =	vand.u32 $0x7F, v9;
	v54 =	vand.u32 $0xFFFFFF80, v5;
	v5 =	vand.u32 $0x7F, v5  }
0xdf: {  	v55 =	vand.u32 $0xFFFFFF80, v8;
	v56 =	vand.u32 $0x7F, v8;
	v4 =	vadd.s32 v3, v4  }
0xe0: {  	v8 =	vand.u32 $0xFFFFFF80, v9;
	v9 =	vand.u32 $0x7F, v12;
	v57 =	vand.u32 $0xFFFFFF80, v11  }
0xe1: {  	v58 =	vand.u32 $0x7F, v11;
	v59 =	vand.u32 $0xFFFFFF80, v14;
	v14 =	vand.u32 $0x7F, v14  }
0xe2: {  	v60 =	vand.u32 $0x7F, v18;
	v61 =	vand.u32 $0x7F, v17;
	v62 =	vand.u32 $0x7F, v21  }
0xe3: {  	v63 =	vand.u32 $0x7F, v16;
	v48 =	vand.u32 $0xFFFFFF80, v20;
	v20 =	vand.u32 $0x7F, v20  }
0xe4: {  	v21 =	vand.u32 $0xFFFFFF80, v21;
	v49 =	vand.u32 $0xFFFFFF80, v19;
	v19 =	vand.u32 $0x7F, v19  }
0xe5: {  	v50 =	vand.u32 $0xFFFFFF80, v22;
	v51 =	vand.u32 $0x7F, v22;
	v46 =	vand.u32 $0x7F, v31  }
0xe6: {  	v37 =	vor.u32 v23, v4;
	v23 =	vand.u32 $0xFFFFFF80, v7;
	v7 =	vand.u32 $0x7F, v7  }
0xe7: {  	v4 =	vadd.s32 v3, v8;
	v8 =	vand.u32 $0xFFFFFF80, v12;
	v11 =	vadd.s32 v3, v52  }
0xe8: {  	v12 =	vand.u32 $0x7F, v15;
	v0 =	vor.u32 v6, v4;
	v4 =	vadd.s32 v3, v54  }
0xe9: {  	v15 =	vand.u32 $0xFFFFFF80, v15;
	v21 =	vadd.s32 v3, v21;
	[tilespmem:$0x1FF40] =	vst v0;
	v0 =	vor.u32 v5, v4  }
0xea: {  	v52 =	vand.u32 $0x7F, v24;
	v8 =	vadd.s32 v3, v8;
	[tilespmem:$0x1FF50] =	vst v0;
	v0 =	vor.u32 v53, v11  }
0xeb: {  	v15 =	vadd.s32 v3, v15;
	v54 =	vand.u32 $0x7F, v28;
	[tilespmem:$0x1FF60] =	vst v0;
	v0 =	vor.u32 v9, v8  }
0xec: {  	v11 =	vand.u32 $0xFFFFFF80, v10;
	v10 =	vand.u32 $0x7F, v10;
	[tilespmem:$0x1FF70] =	vst v0;
	v0 =	vadd.s32 v3, v23  }
0xed: {  	v11 =	vadd.s32 v3, v11;
	v23 =	vadd.s32 v3, v55;
	v0 =	vor.u32 v7, v0  }
0xee: {  	v55 =	vadd.s32 v3, v49;
	[tilespmem:$0x1FF80] =	vst v0;
	v0 =	vor.u32 v56, v23;
	v23 =	vand.u32 $0xFFFFFF80, v13  }
0xef: {  	v13 =	vand.u32 $0x7F, v13;
	v56 =	vand.u32 $0x7F, v27;
	[tilespmem:$0x1FF90] =	vst v0;
	v0 =	vor.u32 v12, v15  }
0xf0: {  	v15 =	vand.u32 $0xFFFFFF80, v17;
	v17 =	vand.u32 $0xFFFFFF80, v18;
	v18 =	vadd.s32 v3, v57  }
0xf1: {  	[tilespmem:$0x1FFA0] =	vst v0;
	v0 =	vor.u32 v10, v11;
	v11 =	vor.u32 v62, v21;
	v15 =	vadd.s32 v3, v15  }
0xf2: {  	v62 =	vand.u32 $0x7F, v38;
	[tilespmem:$0x1FFB0] =	vst v0;
	v0 =	vor.u32 v58, v18;
	v18 =	vand.u32 $0xFFFFFF80, v16  }
0xf3: {  	v16 =	vadd.s32 v3, v17;
	v10 =	vor.u32 v61, v15;
	v15 =	vand.u32 $0xFFFFFF80, v24  }
0xf4: {  	v58 =	vadd.s32 v3, v50;
	v9 =	vor.u32 v60, v16;
	v16 =	vadd.s32 v3, v23  }
0xf5: {  	v23 =	vadd.s32 v3, v59;
	v18 =	vadd.s32 v3, v18;
	v15 =	vadd.s32 v3, v15  }
0xf6: {  	[tilespmem:$0x1FFC0] =	vst v0;
	v59 =	vand.u32 $0xFFFFFF80, v30;
	v60 =	vand.u32 $0x7F, v30;
	v0 =	vor.u32 v13, v16  }
0xf7: {  	v13 =	vand.u32 $0x7F, v25;
	v25 =	vand.u32 $0xFFFFFF80, v25;
	v8 =	vor.u32 v63, v18  }
0xf8: {  	v18 =	vand.u32 $0x7F, v29;
	v6 =	vor.u32 v52, v15;
	v15 =	vand.u32 $0x7F, v36  }
0xf9: {  	v16 =	vor.u32 v51, v58;
	v61 =	vadd.s32 v3, v59;
	v63 =	vand.u32 $0xFFFFFF80, v39  }
0xfa: {  	[tilespmem:$0x1FFD0] =	vst v0;
	v0 =	vor.u32 v14, v23;
	v53 =	vadd.s32 v3, v25;
	v14 =	vor.u32 v19, v55  }
0xfb: {  	v19 =	vand.u32 $0x7F, v32;
	v42 =	vor.u32 v60, v61;
	v21 =	vor.u32 v13, v53  }
0xfc: {  	v13 =	vand.u32 $0xFFFFFF80, v28;
	v28 =	vand.u32 $0xFFFFFF80, v29;
	v29 =	vadd.s32 v3, v48  }
0xfd: {  	v17 =	vor.u32 v20, v29;
	v20 =	vand.u32 $0xFFFFFF80, v27;
	v57 =	vadd.s32 v3, v28  }
0xfe: {  	v13 =	vadd.s32 v3, v13;
	v12 =	vor.u32 v18, v57;
	v18 =	vand.u32 $0xFFFFFF80, v31  }
0xff: {  	v31 =	vand.u32 $0xFFFFFF80, v32;
	v20 =	vadd.s32 v3, v20;
	v23 =	vor.u32 v54, v13  }
0x100: {  	v13 =	vand.u32 $0xFFFFFF80, v33;
	v30 =	vadd.s32 v3, v31;
	v31 =	vand.u32 $0xFFFFFF80, v36  }
0x101: {  	s0 =	simm.s32 $0x610;
	v33 =	vand.u32 $0x7F, v33;
	v7 =	vor.u32 v56, v20;
	v31 =	vadd.s32 v3, v31  }
0x102: {  	v20 =	vand.u32 $0x7F, v39;
	v18 =	vadd.s32 v3, v18;
	v45 =	vor.u32 v15, v31;
	v31 =	vld [tilespmem:s0+$0x0]  }
0x103: {  	v13 =	vadd.s32 v3, v13;
	v35 =	vor.u32 v19, v30;
	v19 =	vand.u32 $0xFFFFFF80, v34  }
0x104: {  	v34 =	vand.u32 $0x7F, v34;
	v41 =	vor.u32 v46, v18;
	v52 =	vor.u32 v33, v13  }
0x105: {  	v15 =	vand.u32 $0xFFFFFF80, v38;
	v19 =	vadd.s32 v3, v19;
	v38 =	vadd.s32 v3, v63  }
0x106: {  	[tilespmem:$0x1FF20] =	vst v1;
	v15 =	vadd.s32 v3, v15;
	v53 =	vor.u32 v20, v38;
	v50 =	vor.u32 v34, v19  }
0x107: {  	[tilespmem:$0x1FF30] =	vst v2;
	v54 =	vor.u32 v62, v15;
	v15 =	vadd.s32 $0x1E, v31;
	v13 =	vadd.s32 $0x1F, v31  }
0x108: {  	s30 =	simm.s32 $0x10900;
	s4 =	simm.s32 $0x20;
	[tilespmem:$0x1FFE0] =	vst v0;
	v20 =	vadd.s32 $0x1B, v31;
	v19 =	vadd.s32 $0x1C, v31;
	v18 =	vadd.s32 $0x1D, v31  }
.LBB2_2:
0x109: {  	v55 =	vand.u32 $0xFFFFFF80, v31  }
0x10a: {  	v57 =	vand.u32 $0x7F, v31;
	v58 =	vadd.s32 $0x1, v31;
	v55 =	vadd.s32 v3, v55  }
0x10b: {  	v27 =	vand.u32 $0xFFFFFF80, v58;
	v55 =	vor.u32 v57, v55  }
0x10c: {  	v60 =	vadd.s32 $0x2, v31;
	v58 =	vand.u32 $0x7F, v58;
	v57 =	vadd.s32 v3, v27  }
0x10d: {  	v37 =	vld.idx.msk [tilespmem:v37+s16+$0x0], $0xffff;
	v32 =	vand.u32 $0xFFFFFF80, v60;
	v57 =	vor.u32 v58, v57  }
0x10e: {  	v62 =	vadd.s32 $0x3, v31;
	v54 =	vld.idx.msk [tilespmem:v54+s16+$0x0], $0xffff;
	v60 =	vand.u32 $0x7F, v60;
	v58 =	vadd.s32 v3, v32  }
0x10f: {  	v53 =	vld.idx.msk [tilespmem:v53+s16+$0x0], $0xffff;
	v24 =	vand.u32 $0xFFFFFF80, v62;
	v58 =	vor.u32 v60, v58  }
0x110: {  	v0 =	vadd.s32 $0x4, v31;
	v62 =	vand.u32 $0x7F, v62;
	v60 =	vadd.s32 v3, v24;
	v55 =	vld.idx.msk [tilespmem:v55+s17+$0x0], $0xffff  }
0x111: {  	v52 =	vld.idx.msk [tilespmem:v52+s16+$0x0], $0xffff;
	v25 =	vand.u32 $0xFFFFFF80, v0;
	v60 =	vor.u32 v62, v60  }
0x112: {  	v2 =	vadd.s32 $0x5, v31;
	v0 =	vand.u32 $0x7F, v0;
	v62 =	vadd.s32 v3, v25;
	v57 =	vld.idx.msk [tilespmem:v57+s17+$0x0], $0xffff  }
0x113: {  	v50 =	vld.idx.msk [tilespmem:v50+s16+$0x0], $0xffff;
	v26 =	vand.u32 $0xFFFFFF80, v2;
	v0 =	vor.u32 v0, v62  }
0x114: {  	v5 =	vadd.s32 $0x6, v31;
	v2 =	vand.u32 $0x7F, v2;
	v62 =	vadd.s32 v3, v26;
	v58 =	vld.idx.msk [tilespmem:v58+s17+$0x0], $0xffff  }
0x115: {  	v45 =	vld.idx.msk [tilespmem:v45+s16+$0x0], $0xffff;
	v27 =	vand.u32 $0xFFFFFF80, v5;
	v2 =	vor.u32 v2, v62;
	v37 =	vmul.f32 v55, v37  }
0x116: {  	v5 =	vand.u32 $0x7F, v5;
	v32 =	vadd.s32 v3, v27;
	v55 =	vld.idx.msk [tilespmem:v60+s17+$0x0], $0xffff  }
0x117: {  	v42 =	vld.idx.msk [tilespmem:v42+s16+$0x0], $0xffff;
	v5 =	vor.u32 v5, v32;
	v54 =	vmul.f32 v57, v54;
	v37 =	vadd.f32 $0.0e+00, v37  }
0x118: {  	v0 =	vld.idx.msk [tilespmem:v0+s17+$0x0], $0xffff  }
0x119: {  	v28 =	vld.idx.msk [tilespmem:v6+s16+$0x0], $0xffff;
	v53 =	vmul.f32 v58, v53;
	v37 =	vadd.f32 v54, v37  }
0x11a: {  	v2 =	vld.idx.msk [tilespmem:v2+s17+$0x0], $0xffff  }
0x11b: {  	v36 =	vadd.s32 $0x18, v31;
	v6 =	vld [tilespmem:$0x1FFD0];
	v52 =	vmul.f32 v55, v52;
	v37 =	vadd.f32 v53, v37  }
0x11c: {  	v34 =	vadd.s32 $0x19, v31;
	v33 =	vadd.s32 $0x1A, v31;
	v40 =	vadd.s32 $0x15, v31;
	v5 =	vld.idx.msk [tilespmem:v5+s17+$0x0], $0xffff  }
0x11d: {  	v4 =	vadd.s32 $0x8, v31;
	v0 =	vmul.f32 v0, v50;
	v37 =	vadd.f32 v52, v37  }
0x11e: {  	v59 =	vadd.s32 $0xC, v31;
	v26 =	vand.u32 $0xFFFFFF80, v4;
	v4 =	vand.u32 $0x7F, v4  }
0x11f: {  	v27 =	vadd.s32 v3, v26;
	v2 =	vmul.f32 v2, v45;
	v0 =	vadd.f32 v0, v37  }
0x120: {  	v26 =	vand.u32 $0xFFFFFF80, v59;
	v4 =	vor.u32 v4, v27;
	v27 =	vand.u32 $0x7F, v59  }
0x121: {  	v0 =	vadd.f32 v2, v0;
	v2 =	vmul.f32 v5, v42;
	v5 =	vadd.s32 v3, v26  }
0x122: {  	v39 =	vadd.s32 $0x16, v31;
	v38 =	vadd.s32 $0x17, v31;
	v5 =	vor.u32 v27, v5;
	v27 =	vld.idx.msk [tilespmem:v16+s16+$0x0], $0xffff  }
0x123: {  	v46 =	vadd.s32 $0x12, v31;
	v44 =	vadd.s32 $0x13, v31;
	v43 =	vadd.s32 $0x14, v31;
	v16 =	vld.idx.msk [tilespmem:v6+s16+$0x0], $0xffff  }
0x124: {  	v49 =	vadd.s32 $0xF, v31;
	v48 =	vadd.s32 $0x10, v31;
	v47 =	vadd.s32 $0x11, v31;
	v6 =	vld [tilespmem:$0x1FFE0]  }
0x125: {  	v56 =	vadd.s32 $0xD, v31;
	v51 =	vadd.s32 $0xE, v31;
	v61 =	vadd.s32 $0xB, v31  }
0x126: {  	v63 =	vadd.s32 $0xA, v31;
	v1 =	vadd.s32 $0x9, v31;
	v31 =	vadd.s32 $0x7, v31  }
0x127: {  	v24 =	vand.u32 $0xFFFFFF80, v31  }
0x128: {  	v31 =	vand.u32 $0x7F, v31;
	v25 =	vadd.s32 v3, v24  }
0x129: {  	v60 =	vand.u32 $0x7F, v63;
	v58 =	vand.u32 $0xFFFFFF80, v63;
	v63 =	vand.u32 $0xFFFFFF80, v61  }
0x12a: {  	v24 =	vand.u32 $0x7F, v61;
	v31 =	vor.u32 v31, v25;
	v25 =	vadd.s32 v3, v63  }
0x12b: {  	v37 =	vor.u32 v24, v25;
	v25 =	vld.idx.msk [tilespmem:v14+s16+$0x0], $0xffff  }
0x12c: {  	v14 =	vld.idx.msk [tilespmem:v6+s16+$0x0], $0xffff  }
0x12d: {  	v6 =	vld [tilespmem:$0x1FFA0];
	_ =	sdelay $0x2  }
0x12e: {  	v41 =	vld.idx.msk [tilespmem:v41+s16+$0x0], $0xffff  }
0x12f: {  	v35 =	vld.idx.msk [tilespmem:v35+s16+$0x0], $0xffff  }
0x130: {  	v29 =	vld.idx.msk [tilespmem:v12+s16+$0x0], $0xffff;
	v32 =	vand.u32 $0xFFFFFF80, v1  }
0x131: {  	v1 =	vand.u32 $0x7F, v1;
	v31 =	vld.idx.msk [tilespmem:v31+s17+$0x0], $0xffff;
	v57 =	vadd.s32 v3, v32  }
0x132: {  	v4 =	vld.idx.msk [tilespmem:v4+s17+$0x0], $0xffff;
	v1 =	vor.u32 v1, v57  }
0x133: {  	v62 =	vadd.s32 v3, v58;
	v12 =	vld.idx.msk [tilespmem:v6+s16+$0x0], $0xffff  }
0x134: {  	v50 =	vor.u32 v60, v62;
	v6 =	vld [tilespmem:$0x1FFB0]  }
0x135: {  	v30 =	vld.idx.msk [tilespmem:v23+s16+$0x0], $0xffff  }
0x136: {  	v32 =	vld.idx.msk [tilespmem:v7+s16+$0x0], $0xffff  }
0x137: {  	v1 =	vld.idx.msk [tilespmem:v1+s17+$0x0], $0xffff;
	v0 =	vadd.f32 v2, v0;
	v2 =	vmul.f32 v31, v41  }
0x138: {  	v23 =	vld.idx.msk [tilespmem:v11+s16+$0x0], $0xffff;
	v59 =	vand.u32 $0xFFFFFF80, v51;
	v57 =	vand.u32 $0x7F, v56;
	v55 =	vand.u32 $0xFFFFFF80, v56  }
0x139: {  	v58 =	vadd.s32 v3, v55;
	v31 =	vld.idx.msk [tilespmem:v50+s17+$0x0], $0xffff;
	v0 =	vadd.f32 v2, v0;
	v2 =	vmul.f32 v4, v35  }
0x13a: {  	v61 =	vadd.s32 v3, v59;
	v63 =	vand.u32 $0x7F, v49;
	v41 =	vor.u32 v57, v58;
	v4 =	vld.idx.msk [tilespmem:v37+s17+$0x0], $0xffff  }
0x13b: {  	v60 =	vand.u32 $0x7F, v51;
	v62 =	vand.u32 $0xFFFFFF80, v49;
	v0 =	vadd.f32 v2, v0;
	v2 =	vld.idx.msk [tilespmem:v5+s17+$0x0], $0xffff  }
0x13c: {  	v1 =	vmul.f32 v1, v32;
	v26 =	vand.u32 $0xFFFFFF80, v48;
	v5 =	vadd.s32 v3, v62;
	v11 =	vld.idx.msk [tilespmem:v6+s16+$0x0], $0xffff  }
0x13d: {  	v42 =	vand.u32 $0x7F, v48;
	v35 =	vor.u32 v60, v61;
	v5 =	vor.u32 v63, v5;
	v6 =	vld [tilespmem:$0x1FFC0]  }
0x13e: {  	v24 =	vld.idx.msk [tilespmem:v17+s16+$0x0], $0xffff;
	v0 =	vadd.f32 v1, v0;
	v1 =	vmul.f32 v31, v30;
	v31 =	vadd.s32 v3, v26  }
0x13f: {  	v30 =	vld.idx.msk [tilespmem:v41+s17+$0x0], $0xffff;
	v31 =	vor.u32 v42, v31  }
0x140: {  	v45 =	vand.u32 $0xFFFFFF80, v47;
	v47 =	vand.u32 $0x7F, v47;
	v26 =	vld.idx.msk [tilespmem:v21+s16+$0x0], $0xffff  }
0x141: {  	v21 =	vld.idx.msk [tilespmem:v10+s16+$0x0], $0xffff;
	v0 =	vadd.f32 v1, v0;
	v1 =	vmul.f32 v4, v29;
	v29 =	vadd.s32 v3, v45  }
0x142: {  	v49 =	vand.u32 $0x7F, v46;
	v48 =	vand.u32 $0xFFFFFF80, v46;
	v4 =	vld.idx.msk [tilespmem:v35+s17+$0x0], $0xffff;
	v29 =	vor.u32 v47, v29  }
0x143: {  	v0 =	vadd.f32 v1, v0;
	v1 =	vmul.f32 v2, v28;
	v2 =	vld.idx.msk [tilespmem:v5+s17+$0x0], $0xffff;
	v5 =	vadd.s32 v3, v48  }
0x144: {  	v50 =	vand.u32 $0x7F, v44;
	v28 =	vand.u32 $0xFFFFFF80, v44;
	v5 =	vor.u32 v49, v5;
	v51 =	vld.idx.msk [tilespmem:v31+s17+$0x0], $0xffff  }
0x145: {  	v28 =	vadd.s32 v3, v28;
	v0 =	vadd.f32 v1, v0;
	v1 =	vmul.f32 v30, v27;
	v10 =	vld.idx.msk [tilespmem:v6+s16+$0x0], $0xffff  }
0x146: {  	v28 =	vor.u32 v50, v28;
	v30 =	vand.u32 $0xFFFFFF80, v43;
	v31 =	vand.u32 $0x7F, v43;
	v6 =	vld [tilespmem:$0x1FF70]  }
0x147: {  	v52 =	vadd.s32 v3, v30;
	v0 =	vadd.f32 v1, v0;
	v1 =	vmul.f32 v4, v26  }
0x148: {  	v4 =	vld.idx.msk [tilespmem:v29+s17+$0x0], $0xffff;
	v26 =	vor.u32 v31, v52  }
0x149: {  	v22 =	vld.idx.msk [tilespmem:v8+s16+$0x0], $0xffff;
	v29 =	vand.u32 $0xFFFFFF80, v40;
	v0 =	vadd.f32 v1, v0;
	v1 =	vmul.f32 v2, v25  }
0x14a: {  	v30 =	vand.u32 $0x7F, v40;
	v2 =	vld.idx.msk [tilespmem:v5+s17+$0x0], $0xffff;
	v5 =	vadd.s32 v3, v29  }
0x14b: {  	v17 =	vld.idx.msk [tilespmem:v9+s16+$0x0], $0xffff;
	v5 =	vor.u32 v30, v5;
	v0 =	vadd.f32 v1, v0;
	v1 =	vmul.f32 v51, v24  }
0x14c: {  	v56 =	vand.u32 $0xFFFFFF80, v36;
	v53 =	vand.u32 $0xFFFFFF80, v39;
	v55 =	vand.u32 $0xFFFFFF80, v38;
	v54 =	vld.idx.msk [tilespmem:v28+s17+$0x0], $0xffff  }
0x14d: {  	v29 =	vand.u32 $0x7F, v39;
	v0 =	vadd.f32 v1, v0;
	v1 =	vmul.f32 v4, v23;
	v4 =	vld.idx.msk [tilespmem:v26+s17+$0x0], $0xffff  }
0x14e: {  	v25 =	vadd.s32 v3, v53;
	v28 =	vand.u32 $0x7F, v38;
	v23 =	vadd.s32 v3, v55;
	v9 =	vld.idx.msk [tilespmem:v6+s16+$0x0], $0xffff  }
0x14f: {  	v57 =	vand.u32 $0x7F, v36;
	v25 =	vor.u32 v29, v25;
	v23 =	vor.u32 v28, v23;
	v6 =	vld [tilespmem:$0x1FF80]  }
0x150: {  	v0 =	vadd.f32 v1, v0;
	v1 =	vmul.f32 v2, v22;
	v2 =	vld.idx.msk [tilespmem:v5+s17+$0x0], $0xffff;
	v5 =	vadd.s32 v3, v56  }
0x151: {  	v5 =	vor.u32 v57, v5  }
0x152: {  	v0 =	vadd.f32 v1, v0;
	v1 =	vmul.f32 v54, v21;
	_ =	sdelay $0x1  }
0x153: {  	v22 =	vand.u32 $0xFFFFFF80, v34;
	v21 =	vld.idx.msk [tilespmem:v25+s17+$0x0], $0xffff;
	v0 =	vadd.f32 v1, v0;
	v1 =	vmul.f32 v4, v17  }
0x154: {  	v59 =	vand.u32 $0xFFFFFF80, v33;
	v58 =	vand.u32 $0x7F, v34;
	v22 =	vadd.s32 v3, v22;
	v4 =	vld.idx.msk [tilespmem:v23+s17+$0x0], $0xffff  }
0x155: {  	v22 =	vor.u32 v58, v22;
	v0 =	vadd.f32 v1, v0;
	v1 =	vmul.f32 v2, v16;
	v2 =	vld.idx.msk [tilespmem:v5+s17+$0x0], $0xffff  }
0x156: {  	v60 =	vand.u32 $0x7F, v33;
	v17 =	vadd.s32 v3, v59;
	v23 =	vand.u32 $0xFFFFFF80, v20;
	v8 =	vld.idx.msk [tilespmem:v6+s16+$0x0], $0xffff  }
0x157: {  	v20 =	vand.u32 $0x7F, v20;
	v17 =	vor.u32 v60, v17;
	v5 =	vadd.s32 v3, v23;
	v6 =	vld [tilespmem:$0x1FF90]  }
0x158: {  	v5 =	vor.u32 v20, v5  }
0x159: {  	v0 =	vadd.f32 v1, v0;
	v1 =	vmul.f32 v21, v14  }
0x15a: {  	v14 =	vld.idx.msk [tilespmem:v22+s17+$0x0], $0xffff  }
0x15b: {  	v0 =	vadd.f32 v1, v0;
	v1 =	vmul.f32 v4, v12  }
0x15c: {  	v4 =	vld.idx.msk [tilespmem:v17+s17+$0x0], $0xffff;
	v17 =	vand.u32 $0xFFFFFF80, v15;
	v15 =	vand.u32 $0x7F, v15  }
0x15d: {  	v0 =	vadd.f32 v1, v0;
	v1 =	vmul.f32 v2, v11;
	v2 =	vld.idx.msk [tilespmem:v5+s17+$0x0], $0xffff;
	v5 =	vadd.s32 v3, v17  }
0x15e: {  	v16 =	vand.u32 $0xFFFFFF80, v19;
	v19 =	vand.u32 $0x7F, v19;
	v5 =	vor.u32 v15, v5  }
0x15f: {  	v16 =	vadd.s32 v3, v16;
	v0 =	vadd.f32 v1, v0;
	v1 =	vmul.f32 v14, v10;
	v7 =	vld.idx.msk [tilespmem:v6+s16+$0x0], $0xffff  }
0x160: {  	v16 =	vor.u32 v19, v16;
	v19 =	vand.u32 $0xFFFFFF80, v18;
	v18 =	vand.u32 $0x7F, v18;
	v6 =	vld [tilespmem:$0x1FF40]  }
0x161: {  	v12 =	vadd.s32 v3, v19;
	v0 =	vadd.f32 v1, v0;
	v1 =	vmul.f32 v4, v9  }
0x162: {  	v12 =	vor.u32 v18, v12;
	v9 =	vld [tilespmem:$0x1FF50]  }
0x163: {  	v0 =	vadd.f32 v1, v0;
	v1 =	vmul.f32 v2, v8;
	v2 =	vld.idx.msk [tilespmem:v5+s17+$0x0], $0xffff  }
0x164: {  	v11 =	vand.u32 $0xFFFFFF80, v13;
	v5 =	vld [tilespmem:$0x1FF60]  }
0x165: {  	v13 =	vand.u32 $0x7F, v13;
	v3 =	vadd.s32 v3, v11  }
0x166: {  	v10 =	vld.idx.msk [tilespmem:v16+s17+$0x0], $0xffff;
	v3 =	vor.u32 v13, v3  }
0x167: {  	v4 =	vld.idx.msk [tilespmem:v12+s17+$0x0], $0xffff  }
0x168: {  	v6 =	vld.idx.msk [tilespmem:v6+s16+$0x0], $0xffff;
	_ =	sdelay $0x1  }
0x169: {  	v9 =	vld.idx.msk [tilespmem:v9+s16+$0x0], $0xffff  }
0x16a: {  	v3 =	vld.idx.msk [tilespmem:v3+s17+$0x0], $0xffff;
	v0 =	vadd.f32 v1, v0;
	v1 =	vmul.f32 v10, v7  }
0x16b: {  	v5 =	vld.idx.msk [tilespmem:v5+s16+$0x0], $0xffff  }
0x16c: {  	v0 =	vadd.f32 v1, v0;
	v1 =	vmul.f32 v4, v6;
	_ =	sdelay $0x1  }
0x16d: {  	v0 =	vadd.f32 v1, v0;
	v1 =	vmul.f32 v2, v9;
	_ =	sdelay $0x1  }
0x16e: {  	v0 =	vadd.f32 v1, v0;
	v1 =	vmul.f32 v3, v5;
	_ =	sdelay $0x1  }
0x16f: {  	v0 =	vadd.f32 v1, v0;
	v1 =	vld [tilespmem:$0x1FF20];
	_ =	sdelay $0x4  }
0x170: {  	v0 =	vmul.f32 v0, v1;
	v1 =	vld [tilespmem:$0x1FF30];
	_ =	sdelay $0x4  }
0x171: {  	v0 =	vadd.f32 v0, v1;
	_ =	sdelay $0x1  }
0x172: {  	v0 =	vsub.f32 $0.0e+00, v0;
	_ =	sdelay $0x1  }
0x173: {  	v0 =	vmul.f32 $1.442695020e+00, v0;
	_ =	sdelay $0x1  }
0x174: {  	(erf) = vpow2.f32 v0;
	_ =	sdelay $0x8  }
0x175: {  	v0 =	vpop (erf)  }
0x176: {  	v0 =	vadd.f32 $1.000000000e+00, v0;
	_ =	sdelay $0x1  }
0x177: {  	(erf) = vrcp.f32 v0;
	_ =	sdelay $0x8  }
0x178: {  	s30 =	sadd.s32 $0x10, s30;
	v0 =	vpop (erf)  }
0x179: {  	s31 =	sadd.s32 $0x10, s31;
	v2 =	vld [tilespmem:$0x1FFF0];
	[tilespmem:s30+$0x0] =	vst v0  }
0x17a: {  	v0 =	vld [tilespmem:s31+$0x0];
	_ =	sdelay $0x2  }
0x17b: {  	v1 =	vmov s4  }
0x17c: {  	v1 =	vshll.u32 v1, $0x7  }
0x17d: {  	v3 =	vor.u32 v2, v1;
	v1 =	vadd.s32 $0x1E, v0;
	v2 =	vadd.s32 $0x1F, v0  }
0x17e: {  	v4 =	vadd.s32 $0x1B, v0;
	v5 =	vadd.s32 $0x1C, v0;
	v6 =	vadd.s32 $0x1D, v0  }
0x17f: {  	v7 =	vadd.s32 $0x18, v0;
	v8 =	vadd.s32 $0x19, v0;
	v9 =	vadd.s32 $0x1A, v0  }
0x180: {  	v10 =	vadd.s32 $0x15, v0;
	v11 =	vadd.s32 $0x16, v0;
	v12 =	vadd.s32 $0x17, v0  }
0x181: {  	v13 =	vadd.s32 $0x12, v0;
	v14 =	vadd.s32 $0x13, v0;
	v15 =	vadd.s32 $0x14, v0  }
0x182: {  	v16 =	vadd.s32 $0xF, v0;
	v17 =	vadd.s32 $0x10, v0;
	v18 =	vadd.s32 $0x11, v0  }
0x183: {  	v19 =	vadd.s32 $0xC, v0;
	v20 =	vadd.s32 $0xD, v0;
	v21 =	vadd.s32 $0xE, v0  }
0x184: {  	v22 =	vadd.s32 $0x9, v0;
	v23 =	vadd.s32 $0xA, v0;
	v61 =	vadd.s32 $0xB, v0  }
0x185: {  	v25 =	vadd.s32 $0x6, v0;
	v62 =	vadd.s32 $0x7, v0;
	v63 =	vadd.s32 $0x8, v0  }
0x186: {  	v28 =	vadd.s32 $0x3, v0;
	v29 =	vadd.s32 $0x4, v0;
	v30 =	vadd.s32 $0x5, v0  }
0x187: {  	v31 =	vand.u32 $0x7F, v0;
	v32 =	vadd.s32 $0x1, v0;
	v33 =	vadd.s32 $0x2, v0  }
0x188: {  	[tilespmem:$0x1FF00] =	vst v31;
	v31 =	vand.u32 $0xFFFFFF80, v0;
	v34 =	vand.u32 $0xFFFFFF80, v2;
	v0 =	vand.u32 $0x7F, v2  }
0x189: {  	v35 =	vand.u32 $0x7F, v6;
	v36 =	vand.u32 $0xFFFFFF80, v1;
	v2 =	vand.u32 $0x7F, v1  }
0x18a: {  	v37 =	vand.u32 $0xFFFFFF80, v5;
	v5 =	vand.u32 $0x7F, v5;
	v6 =	vand.u32 $0xFFFFFF80, v6  }
0x18b: {  	v38 =	vand.u32 $0x7F, v9;
	v39 =	vand.u32 $0xFFFFFF80, v4;
	v4 =	vand.u32 $0x7F, v4  }
0x18c: {  	v40 =	vand.u32 $0xFFFFFF80, v8;
	v41 =	vand.u32 $0x7F, v8;
	v8 =	vand.u32 $0xFFFFFF80, v9  }
0x18d: {  	v42 =	vand.u32 $0x7F, v12;
	v9 =	vand.u32 $0xFFFFFF80, v7;
	v43 =	vand.u32 $0x7F, v7  }
0x18e: {  	v7 =	vand.u32 $0xFFFFFF80, v11;
	v44 =	vand.u32 $0x7F, v11;
	v11 =	vand.u32 $0xFFFFFF80, v12  }
0x18f: {  	v45 =	vand.u32 $0x7F, v15;
	v12 =	vand.u32 $0xFFFFFF80, v10;
	v46 =	vand.u32 $0x7F, v10  }
0x190: {  	v10 =	vand.u32 $0xFFFFFF80, v14;
	v47 =	vand.u32 $0x7F, v14;
	v14 =	vand.u32 $0xFFFFFF80, v15  }
0x191: {  	v15 =	vand.u32 $0x7F, v18;
	v48 =	vand.u32 $0xFFFFFF80, v13;
	v13 =	vand.u32 $0x7F, v13  }
0x192: {  	v49 =	vand.u32 $0xFFFFFF80, v17;
	v50 =	vand.u32 $0x7F, v17;
	v17 =	vand.u32 $0xFFFFFF80, v18  }
0x193: {  	v18 =	vand.u32 $0x7F, v21;
	v51 =	vand.u32 $0xFFFFFF80, v16;
	v52 =	vand.u32 $0x7F, v16  }
0x194: {  	v16 =	vand.u32 $0xFFFFFF80, v20;
	v20 =	vand.u32 $0x7F, v20;
	v21 =	vand.u32 $0xFFFFFF80, v21  }
0x195: {  	v53 =	vand.u32 $0x7F, v61;
	v54 =	vand.u32 $0xFFFFFF80, v19;
	v19 =	vand.u32 $0x7F, v19  }
0x196: {  	v55 =	vand.u32 $0xFFFFFF80, v23;
	v56 =	vand.u32 $0x7F, v23;
	v23 =	vand.u32 $0xFFFFFF80, v61  }
0x197: {  	v57 =	vand.u32 $0x7F, v63;
	v24 =	vand.u32 $0xFFFFFF80, v22;
	v58 =	vand.u32 $0x7F, v22  }
0x198: {  	v22 =	vand.u32 $0xFFFFFF80, v62;
	v59 =	vand.u32 $0x7F, v62;
	v26 =	vand.u32 $0xFFFFFF80, v63  }
0x199: {  	v60 =	vand.u32 $0x7F, v30;
	v27 =	vand.u32 $0xFFFFFF80, v25;
	v61 =	vand.u32 $0x7F, v25  }
0x19a: {  	v25 =	vand.u32 $0xFFFFFF80, v29;
	v62 =	vand.u32 $0x7F, v29;
	v29 =	vand.u32 $0xFFFFFF80, v30  }
0x19b: {  	v63 =	vand.u32 $0x7F, v33;
	v30 =	vand.u32 $0xFFFFFF80, v28;
	v28 =	vand.u32 $0x7F, v28  }
0x19c: {  	v33 =	vand.u32 $0xFFFFFF80, v33;
	[tilespmem:$0x1FF10] =	vst v0;
	v0 =	vand.u32 $0xFFFFFF80, v32;
	v32 =	vand.u32 $0x7F, v32  }
0x19d: {  	v31 =	vadd.s32 v3, v31;
	v36 =	vadd.s32 v3, v36;
	v34 =	vadd.s32 v3, v34  }
0x19e: {  	v39 =	vadd.s32 v3, v39;
	v1 =	vadd.s32 v3, v37;
	v6 =	vadd.s32 v3, v6  }
0x19f: {  	v9 =	vadd.s32 v3, v9;
	v40 =	vadd.s32 v3, v40;
	v8 =	vadd.s32 v3, v8  }
0x1a0: {  	v12 =	vadd.s32 v3, v12;
	v7 =	vadd.s32 v3, v7;
	v11 =	vadd.s32 v3, v11  }
0x1a1: {  	v48 =	vadd.s32 v3, v48;
	v10 =	vadd.s32 v3, v10;
	v14 =	vadd.s32 v3, v14  }
0x1a2: {  	v51 =	vadd.s32 v3, v51;
	v49 =	vadd.s32 v3, v49;
	v17 =	vadd.s32 v3, v17  }
0x1a3: {  	v54 =	vadd.s32 v3, v54;
	v16 =	vadd.s32 v3, v16;
	v21 =	vadd.s32 v3, v21  }
0x1a4: {  	v24 =	vadd.s32 v3, v24;
	v55 =	vadd.s32 v3, v55;
	v23 =	vadd.s32 v3, v23  }
0x1a5: {  	v27 =	vadd.s32 v3, v27;
	v22 =	vadd.s32 v3, v22;
	v26 =	vadd.s32 v3, v26  }
0x1a6: {  	v30 =	vadd.s32 v3, v30;
	v25 =	vadd.s32 v3, v25;
	v29 =	vadd.s32 v3, v29  }
0x1a7: {  	v33 =	vadd.s32 v3, v33;
	v0 =	vadd.s32 v3, v0;
	v6 =	vor.u32 v35, v6  }
0x1a8: {  	v37 =	vld [tilespmem:$0x1FF00];
	v2 =	vor.u32 v2, v36;
	v1 =	vor.u32 v5, v1;
	v10 =	vor.u32 v47, v10  }
0x1a9: {  	v21 =	vor.u32 v18, v21;
	v16 =	vor.u32 v20, v16;
	v35 =	vor.u32 v57, v26;
	[tilespmem:$0x1FF40] =	vst v6  }
0x1aa: {  	[tilespmem:$0x1FF90] =	vst v1;
	v1 =	vor.u32 v42, v11;
	v11 =	vor.u32 v15, v17;
	v17 =	vor.u32 v50, v49  }
0x1ab: {  	[tilespmem:$0x1FF50] =	vst v2;
	v2 =	vld [tilespmem:$0x1FF10];
	v6 =	vor.u32 v19, v54;
	v42 =	vor.u32 v61, v27;
	v50 =	vor.u32 v62, v25  }
0x1ac: {  	s0 =	sadd.s32 $0x10, s0;
	v54 =	vor.u32 v32, v0;
	[tilespmem:$0x1FFA0] =	vst v1;
	v1 =	vor.u32 v43, v9;
	v9 =	vor.u32 v45, v14  }
0x1ad: {  	v14 =	vor.u32 v52, v51;
	[tilespmem:$0x1FFB0] =	vst v1;
	v1 =	vor.u32 v41, v40;
	v37 =	vor.u32 v37, v31;
	v31 =	vld [tilespmem:s0+$0x0]  }
0x1ae: {  	p0 =	sne.s32 s4, $0xF0;
	v45 =	vor.u32 v60, v29;
	v52 =	vor.u32 v28, v30;
	[tilespmem:$0x1FFC0] =	vst v1;
	v1 =	vor.u32 v46, v12  }
.Ltmp0:
0x1af: {  	v41 =	vor.u32 v59, v22;
	v12 =	vor.u32 v53, v23;
	[tilespmem:$0x1FFD0] =	vst v1;
	v1 =	vor.u32 v44, v7;
	(pc) =	sbr.rel @p0 .LBB2_2-.Ltmp0, $4  }
0x1b0: {  	v23 =	vor.u32 v56, v55;
	v53 =	vor.u32 v63, v33;
	v2 =	vor.u32 v2, v34;
	[tilespmem:$0x1FFE0] =	vst v1  }
0x1b1: {  	v7 =	vor.u32 v58, v24;
	[tilespmem:$0x1FF60] =	vst v2;
	v2 =	vor.u32 v38, v8;
	v8 =	vor.u32 v13, v48  }
0x1b2: {  	[tilespmem:$0x1FF70] =	vst v2;
	v2 =	vor.u32 v4, v39;
	v15 =	vadd.s32 $0x1E, v31;
	v13 =	vadd.s32 $0x1F, v31  }
0x1b3: {  	s4 =	sadd.s32 $0x10, s4;
	[tilespmem:$0x1FF80] =	vst v2;
	v20 =	vadd.s32 $0x1B, v31;
	v19 =	vadd.s32 $0x1C, v31;
	v18 =	vadd.s32 $0x1D, v31  }
0x1b4: {  	v0 =	vand.u32 $0xFFFFFF80, v31  }
0x1b5: {  	v1 =	vand.u32 $0x7F, v31;
	v2 =	vadd.s32 $0x1, v31;
	v0 =	vadd.s32 v3, v0  }
0x1b6: {  	v0 =	vor.u32 v1, v0;
	v1 =	vand.u32 $0xFFFFFF80, v2  }
0x1b7: {  	v2 =	vand.u32 $0x7F, v2;
	v1 =	vadd.s32 v3, v1  }
0x1b8: {  	v4 =	vadd.s32 $0x2, v31;
	v1 =	vor.u32 v2, v1  }
0x1b9: {  	v2 =	vand.u32 $0xFFFFFF80, v4  }
0x1ba: {  	v5 =	vadd.s32 $0x3, v31;
	v22 =	vld.idx.msk [tilespmem:v37+s16+$0x0], $0xffff;
	v4 =	vand.u32 $0x7F, v4;
	v2 =	vadd.s32 v3, v2  }
0x1bb: {  	v2 =	vor.u32 v4, v2;
	v4 =	vand.u32 $0xFFFFFF80, v5;
	v0 =	vld.idx.msk [tilespmem:v0+s17+$0x0], $0xffff  }
0x1bc: {  	v24 =	vadd.s32 $0x4, v31;
	v25 =	vld.idx.msk [tilespmem:v54+s16+$0x0], $0xffff;
	v5 =	vand.u32 $0x7F, v5;
	v4 =	vadd.s32 v3, v4  }
0x1bd: {  	v4 =	vor.u32 v5, v4;
	v5 =	vand.u32 $0xFFFFFF80, v24;
	v1 =	vld.idx.msk [tilespmem:v1+s17+$0x0], $0xffff  }
0x1be: {  	v26 =	vadd.s32 $0x5, v31;
	v24 =	vand.u32 $0x7F, v24;
	v5 =	vadd.s32 v3, v5  }
0x1bf: {  	v27 =	vld.idx.msk [tilespmem:v53+s16+$0x0], $0xffff;
	v5 =	vor.u32 v24, v5;
	v24 =	vand.u32 $0xFFFFFF80, v26  }
0x1c0: {  	v26 =	vand.u32 $0x7F, v26;
	v2 =	vld.idx.msk [tilespmem:v2+s17+$0x0], $0xffff;
	v24 =	vadd.s32 v3, v24;
	v0 =	vmul.f32 v0, v22  }
0x1c1: {  	v28 =	vld.idx.msk [tilespmem:v52+s16+$0x0], $0xffff;
	v22 =	vadd.s32 $0x6, v31;
	v24 =	vor.u32 v26, v24  }
0x1c2: {  	v26 =	vand.u32 $0xFFFFFF80, v22;
	v4 =	vld.idx.msk [tilespmem:v4+s17+$0x0], $0xffff;
	v0 =	vadd.f32 $0.0e+00, v0;
	v1 =	vmul.f32 v1, v25  }
0x1c3: {  	v29 =	vld.idx.msk [tilespmem:v50+s16+$0x0], $0xffff;
	v22 =	vand.u32 $0x7F, v22;
	v25 =	vadd.s32 $0x7, v31;
	v26 =	vadd.s32 v3, v26  }
0x1c4: {  	v22 =	vor.u32 v22, v26;
	v5 =	vld.idx.msk [tilespmem:v5+s17+$0x0], $0xffff;
	v0 =	vadd.f32 v1, v0;
	v1 =	vand.u32 $0xFFFFFF80, v25  }
0x1c5: {  	v2 =	vmul.f32 v2, v27;
	v25 =	vand.u32 $0x7F, v25;
	v1 =	vadd.s32 v3, v1  }
0x1c6: {  	v26 =	vld.idx.msk [tilespmem:v45+s16+$0x0], $0xffff;
	v1 =	vor.u32 v25, v1;
	v25 =	vadd.s32 $0x8, v31  }
0x1c7: {  	v24 =	vld.idx.msk [tilespmem:v24+s17+$0x0], $0xffff;
	v0 =	vadd.f32 v2, v0;
	v2 =	vmul.f32 v4, v28;
	v4 =	vand.u32 $0xFFFFFF80, v25  }
0x1c8: {  	v27 =	vld.idx.msk [tilespmem:v42+s16+$0x0], $0xffff;
	v25 =	vand.u32 $0x7F, v25;
	v4 =	vadd.s32 v3, v4  }
0x1c9: {  	v0 =	vadd.f32 v2, v0;
	v2 =	vld.idx.msk [tilespmem:v22+s17+$0x0], $0xffff;
	v5 =	vmul.f32 v5, v29;
	v4 =	vor.u32 v25, v4  }
0x1ca: {  	v22 =	vadd.s32 $0x9, v31;
	v25 =	vld.idx.msk [tilespmem:v41+s16+$0x0], $0xffff  }
0x1cb: {  	v0 =	vadd.f32 v5, v0;
	v5 =	vand.u32 $0xFFFFFF80, v22;
	v1 =	vld.idx.msk [tilespmem:v1+s17+$0x0], $0xffff  }
0x1cc: {  	v24 =	vmul.f32 v24, v26;
	v22 =	vand.u32 $0x7F, v22;
	v5 =	vadd.s32 v3, v5  }
0x1cd: {  	v5 =	vor.u32 v22, v5;
	v22 =	vld.idx.msk [tilespmem:v35+s16+$0x0], $0xffff  }
0x1ce: {  	v26 =	vadd.s32 $0xA, v31;
	v0 =	vadd.f32 v24, v0;
	v2 =	vmul.f32 v2, v27;
	v4 =	vld.idx.msk [tilespmem:v4+s17+$0x0], $0xffff  }
0x1cf: {  	v27 =	vand.u32 $0xFFFFFF80, v26;
	v26 =	vand.u32 $0x7F, v26  }
0x1d0: {  	v27 =	vadd.s32 v3, v27;
	v0 =	vadd.f32 v2, v0;
	v1 =	vmul.f32 v1, v25  }
0x1d1: {  	v7 =	vld.idx.msk [tilespmem:v7+s16+$0x0], $0xffff;
	v26 =	vor.u32 v26, v27;
	v27 =	vadd.s32 $0xC, v31;
	v25 =	vadd.s32 $0xB, v31  }
0x1d2: {  	v5 =	vld.idx.msk [tilespmem:v5+s17+$0x0], $0xffff;
	v0 =	vadd.f32 v1, v0;
	v1 =	vand.u32 $0xFFFFFF80, v25;
	v25 =	vand.u32 $0x7F, v25  }
0x1d3: {  	v4 =	vmul.f32 v4, v22;
	v22 =	vand.u32 $0xFFFFFF80, v27;
	v1 =	vadd.s32 v3, v1  }
0x1d4: {  	v27 =	vand.u32 $0x7F, v27;
	v22 =	vadd.s32 v3, v22;
	v1 =	vor.u32 v25, v1  }
0x1d5: {  	v23 =	vld.idx.msk [tilespmem:v23+s16+$0x0], $0xffff;
	v25 =	vadd.s32 $0xD, v31;
	v22 =	vor.u32 v27, v22;
	v27 =	vadd.s32 $0xE, v31  }
0x1d6: {  	v26 =	vld.idx.msk [tilespmem:v26+s17+$0x0], $0xffff;
	v0 =	vadd.f32 v4, v0;
	v4 =	vand.u32 $0xFFFFFF80, v25;
	v25 =	vand.u32 $0x7F, v25  }
0x1d7: {  	v5 =	vmul.f32 v5, v7;
	v7 =	vand.u32 $0xFFFFFF80, v27;
	v4 =	vadd.s32 v3, v4  }
0x1d8: {  	v12 =	vld.idx.msk [tilespmem:v12+s16+$0x0], $0xffff;
	v27 =	vand.u32 $0x7F, v27;
	v7 =	vadd.s32 v3, v7;
	v4 =	vor.u32 v25, v4  }
0x1d9: {  	v6 =	vld.idx.msk [tilespmem:v6+s16+$0x0], $0xffff;
	v28 =	vadd.s32 $0x14, v31;
	v25 =	vadd.s32 $0xF, v31;
	v7 =	vor.u32 v27, v7  }
0x1da: {  	v27 =	vadd.s32 $0x10, v31;
	v0 =	vadd.f32 v5, v0;
	v5 =	vand.u32 $0xFFFFFF80, v25;
	v1 =	vld.idx.msk [tilespmem:v1+s17+$0x0], $0xffff  }
0x1db: {  	v25 =	vand.u32 $0x7F, v25;
	v23 =	vmul.f32 v26, v23;
	v26 =	vand.u32 $0xFFFFFF80, v27;
	v22 =	vld.idx.msk [tilespmem:v22+s17+$0x0], $0xffff  }
0x1dc: {  	v16 =	vld.idx.msk [tilespmem:v16+s16+$0x0], $0xffff;
	v5 =	vadd.s32 v3, v5;
	v27 =	vand.u32 $0x7F, v27;
	v26 =	vadd.s32 v3, v26  }
0x1dd: {  	v5 =	vor.u32 v25, v5;
	v25 =	vadd.s32 $0x11, v31;
	v26 =	vor.u32 v27, v26;
	v4 =	vld.idx.msk [tilespmem:v4+s17+$0x0], $0xffff  }
0x1de: {  	v0 =	vadd.f32 v23, v0;
	v23 =	vand.u32 $0xFFFFFF80, v25;
	v25 =	vand.u32 $0x7F, v25  }
0x1df: {  	v21 =	vld.idx.msk [tilespmem:v21+s16+$0x0], $0xffff;
	v1 =	vmul.f32 v1, v12;
	v12 =	vadd.s32 v3, v23;
	v23 =	vadd.s32 $0x15, v31  }
0x1e0: {  	v7 =	vld.idx.msk [tilespmem:v7+s17+$0x0], $0xffff;
	v12 =	vor.u32 v25, v12;
	v25 =	vadd.s32 $0x12, v31;
	v6 =	vmul.f32 v22, v6  }
0x1e1: {  	v22 =	vadd.s32 $0x16, v31;
	v0 =	vadd.f32 v1, v0;
	v1 =	vand.u32 $0xFFFFFF80, v25  }
0x1e2: {  	v14 =	vld.idx.msk [tilespmem:v14+s16+$0x0], $0xffff;
	v25 =	vand.u32 $0x7F, v25;
	v1 =	vadd.s32 v3, v1;
	v4 =	vmul.f32 v4, v16  }
0x1e3: {  	v5 =	vld.idx.msk [tilespmem:v5+s17+$0x0], $0xffff;
	v1 =	vor.u32 v25, v1;
	v25 =	vadd.s32 $0x13, v31;
	v0 =	vadd.f32 v6, v0  }
0x1e4: {  	v17 =	vld.idx.msk [tilespmem:v17+s16+$0x0], $0xffff;
	v6 =	vadd.s32 $0x17, v31;
	v16 =	vand.u32 $0xFFFFFF80, v25;
	v25 =	vand.u32 $0x7F, v25  }
0x1e5: {  	v26 =	vld.idx.msk [tilespmem:v26+s17+$0x0], $0xffff;
	v16 =	vadd.s32 v3, v16;
	v0 =	vadd.f32 v4, v0;
	v4 =	vmul.f32 v7, v21  }
0x1e6: {  	v11 =	vld.idx.msk [tilespmem:v11+s16+$0x0], $0xffff;
	v21 =	vand.u32 $0xFFFFFF80, v23;
	v16 =	vor.u32 v25, v16;
	v25 =	vand.u32 $0xFFFFFF80, v28  }
0x1e7: {  	v12 =	vld.idx.msk [tilespmem:v12+s17+$0x0], $0xffff;
	v23 =	vand.u32 $0x7F, v23;
	v28 =	vand.u32 $0x7F, v28;
	v7 =	vadd.s32 v3, v25  }
0x1e8: {  	v8 =	vld.idx.msk [tilespmem:v8+s16+$0x0], $0xffff;
	v0 =	vadd.f32 v4, v0;
	v4 =	vmul.f32 v5, v14;
	v5 =	vadd.s32 v3, v21  }
0x1e9: {  	v14 =	vand.u32 $0xFFFFFF80, v22;
	v21 =	vand.u32 $0x7F, v22;
	v7 =	vor.u32 v28, v7;
	v1 =	vld.idx.msk [tilespmem:v1+s17+$0x0], $0xffff  }
0x1ea: {  	v10 =	vld.idx.msk [tilespmem:v10+s16+$0x0], $0xffff;
	v14 =	vadd.s32 v3, v14;
	v0 =	vadd.f32 v4, v0;
	v4 =	vmul.f32 v26, v17  }
0x1eb: {  	v14 =	vor.u32 v21, v14;
	v17 =	vand.u32 $0xFFFFFF80, v6;
	v6 =	vand.u32 $0x7F, v6;
	v16 =	vld.idx.msk [tilespmem:v16+s17+$0x0], $0xffff  }
0x1ec: {  	v9 =	vld.idx.msk [tilespmem:v9+s16+$0x0], $0xffff;
	v0 =	vadd.f32 v4, v0;
	v4 =	vmul.f32 v12, v11;
	v11 =	vadd.s32 v3, v17  }
0x1ed: {  	v24 =	vadd.s32 $0x18, v31;
	v5 =	vor.u32 v23, v5;
	v17 =	vld [tilespmem:$0x1FFD0];
	v6 =	vor.u32 v6, v11  }
0x1ee: {  	v11 =	vand.u32 $0xFFFFFF80, v24;
	v7 =	vld.idx.msk [tilespmem:v7+s17+$0x0], $0xffff;
	v0 =	vadd.f32 v4, v0;
	v1 =	vmul.f32 v1, v8  }
0x1ef: {  	v4 =	vadd.s32 v3, v11;
	v11 =	vld [tilespmem:$0x1FFE0]  }
0x1f0: {  	v0 =	vadd.f32 v1, v0;
	v1 =	vmul.f32 v16, v10;
	v10 =	vld.idx.msk [tilespmem:v14+s17+$0x0], $0xffff  }
0x1f1: {  	v2 =	vadd.s32 $0x19, v31;
	v14 =	vld [tilespmem:$0x1FFA0]  }
0x1f2: {  	v27 =	vadd.s32 $0x1A, v31;
	v12 =	vand.u32 $0x7F, v24;
	v8 =	vand.u32 $0xFFFFFF80, v2  }
0x1f3: {  	v5 =	vld.idx.msk [tilespmem:v5+s17+$0x0], $0xffff;
	v2 =	vand.u32 $0x7F, v2;
	v4 =	vor.u32 v12, v4;
	v8 =	vadd.s32 v3, v8  }
0x1f4: {  	v12 =	vand.u32 $0x7F, v27;
	v2 =	vor.u32 v2, v8;
	v8 =	vand.u32 $0xFFFFFF80, v27;
	v16 =	vld [tilespmem:$0x1FFC0]  }
0x1f5: {  	v0 =	vadd.f32 v1, v0;
	v1 =	vmul.f32 v7, v9;
	v7 =	vadd.s32 v3, v8;
	v17 =	vld.idx.msk [tilespmem:v17+s16+$0x0], $0xffff  }
0x1f6: {  	v7 =	vor.u32 v12, v7;
	v12 =	vld [tilespmem:$0x1FFB0]  }
0x1f7: {  	v11 =	vld.idx.msk [tilespmem:v11+s16+$0x0], $0xffff  }
0x1f8: {  	v6 =	vld.idx.msk [tilespmem:v6+s17+$0x0], $0xffff  }
0x1f9: {  	v14 =	vld.idx.msk [tilespmem:v14+s16+$0x0], $0xffff  }
0x1fa: {  	v0 =	vadd.f32 v1, v0;
	v1 =	vmul.f32 v5, v17;
	_ =	sdelay $0x1  }
0x1fb: {  	v8 =	vand.u32 $0xFFFFFF80, v20;
	v0 =	vadd.f32 v1, v0;
	v1 =	vmul.f32 v10, v11;
	v11 =	vld [tilespmem:$0x1FF70]  }
0x1fc: {  	v9 =	vand.u32 $0x7F, v20;
	v4 =	vld.idx.msk [tilespmem:v4+s17+$0x0], $0xffff;
	v5 =	vadd.s32 v3, v8  }
0x1fd: {  	v5 =	vor.u32 v9, v5;
	v0 =	vadd.f32 v1, v0;
	v1 =	vmul.f32 v6, v14;
	v14 =	vld [tilespmem:$0x1FF80]  }
0x1fe: {  	v8 =	vand.u32 $0xFFFFFF80, v19;
	v12 =	vld.idx.msk [tilespmem:v12+s16+$0x0], $0xffff  }
0x1ff: {  	v2 =	vld.idx.msk [tilespmem:v2+s17+$0x0], $0xffff;
	v9 =	vand.u32 $0x7F, v19;
	v8 =	vadd.s32 v3, v8  }
0x200: {  	v16 =	vld.idx.msk [tilespmem:v16+s16+$0x0], $0xffff;
	v8 =	vor.u32 v9, v8;
	v9 =	vand.u32 $0xFFFFFF80, v18  }
0x201: {  	v7 =	vld.idx.msk [tilespmem:v7+s17+$0x0], $0xffff;
	v10 =	vand.u32 $0x7F, v18;
	v6 =	vadd.s32 v3, v9  }
0x202: {  	v6 =	vor.u32 v10, v6;
	v5 =	vld.idx.msk [tilespmem:v5+s17+$0x0], $0xffff  }
0x203: {  	v9 =	vand.u32 $0xFFFFFF80, v15;
	v0 =	vadd.f32 v1, v0;
	v1 =	vmul.f32 v4, v12;
	v11 =	vld.idx.msk [tilespmem:v11+s16+$0x0], $0xffff  }
0x204: {  	v10 =	vand.u32 $0x7F, v15;
	v4 =	vadd.s32 v3, v9;
	v9 =	vld [tilespmem:$0x1FF90]  }
0x205: {  	v4 =	vor.u32 v10, v4;
	v10 =	vand.u32 $0xFFFFFF80, v13;
	v0 =	vadd.f32 v1, v0;
	v14 =	vld.idx.msk [tilespmem:v14+s16+$0x0], $0xffff  }
0x206: {  	v1 =	vmul.f32 v2, v16;
	v2 =	vand.u32 $0x7F, v13;
	v3 =	vadd.s32 v3, v10;
	v10 =	vld [tilespmem:$0x1FF40]  }
0x207: {  	v2 =	vor.u32 v2, v3;
	v3 =	vld.idx.msk [tilespmem:v6+s17+$0x0], $0xffff  }
0x208: {  	v6 =	vld [tilespmem:$0x1FF50];
	v0 =	vadd.f32 v1, v0;
	v1 =	vmul.f32 v7, v11;
	_ =	sdelay $0x1  }
0x209: {  	v0 =	vadd.f32 v1, v0;
	v1 =	vmul.f32 v5, v14;
	v5 =	vld [tilespmem:$0x1FF60]  }
0x20a: {  	v8 =	vld.idx.msk [tilespmem:v8+s17+$0x0], $0xffff  }
0x20b: {  	v9 =	vld.idx.msk [tilespmem:v9+s16+$0x0], $0xffff;
	_ =	sdelay $0x1  }
0x20c: {  	v10 =	vld.idx.msk [tilespmem:v10+s16+$0x0], $0xffff  }
0x20d: {  	v4 =	vld.idx.msk [tilespmem:v4+s17+$0x0], $0xffff  }
0x20e: {  	v6 =	vld.idx.msk [tilespmem:v6+s16+$0x0], $0xffff  }
0x20f: {  	v2 =	vld.idx.msk [tilespmem:v2+s17+$0x0], $0xffff;
	v0 =	vadd.f32 v1, v0;
	v1 =	vmul.f32 v8, v9  }
0x210: {  	v5 =	vld.idx.msk [tilespmem:v5+s16+$0x0], $0xffff  }
0x211: {  	v0 =	vadd.f32 v1, v0;
	v1 =	vmul.f32 v3, v10;
	_ =	sdelay $0x1  }
0x212: {  	v0 =	vadd.f32 v1, v0;
	v1 =	vmul.f32 v4, v6  }
0x213: {  	v43 =	vld [tilespmem:$0x1FF20]  }
0x214: {  	v0 =	vadd.f32 v1, v0;
	v1 =	vmul.f32 v2, v5  }
0x215: {  	v44 =	vld [tilespmem:$0x1FF30]  }
0x216: {  	v0 =	vadd.f32 v1, v0;
	_ =	sdelay $0x1  }
0x217: {  	v0 =	vmul.f32 v0, v43;
	_ =	sdelay $0x1  }
0x218: {  	v0 =	vadd.f32 v0, v44;
	_ =	sdelay $0x1  }
0x219: {  	v0 =	vsub.f32 $0.0e+00, v0;
	_ =	sdelay $0x1  }
0x21a: {  	v0 =	vmul.f32 $1.442695020e+00, v0;
	_ =	sdelay $0x1  }
0x21b: {  	(erf) = vpow2.f32 v0;
	_ =	sdelay $0x8  }
0x21c: {  	v0 =	vpop (erf)  }
0x21d: {  	v0 =	vadd.f32 $1.000000000e+00, v0;
	_ =	sdelay $0x1  }
0x21e: {  	(erf) = vrcp.f32 v0;
	_ =	sdelay $0x8  }
0x21f: {  	s0 =	sadd.s32 $0x10, s30;
	v0 =	vpop (erf)  }
0x220: {  	[tilespmem:s0+$0x0] =	vst v0  }
0x221: {  	[tilespmem:s16], [sflag:$0x1] =	stream.indirect.gather [hbm4b:s1+s15], $0x80, s23, s15, $0xb8;
	[tilespmem:$0x10B00] =	vst v63  }
0x222: {  	_ = 	snop  }
0x223: {  	[tilespmem:s17], [sflag:$0x2] =	stream.indirect.gather [hbm4b:s2+s15], $0x80, s24, s15, $0xb8;
	[tilespmem:$0x10B00] =	vst v63  }
0x224: {  	_ = 	snop  }
0x225: {  	[tilespmem:s18], [sflag:$0x1] =	stream.indirect.gather [hbm4b:s1+s15], $0x80, s25, s15, $0xb8;
	[tilespmem:$0x10B00] =	vst v63  }
0x226: {  	_ = 	snop  }
0x227: {  	[tilespmem:s20], [sflag:$0x2] =	stream.indirect.gather [hbm4b:s2+s15], $0x80, s26, s15, $0xb8;
	[tilespmem:$0x10B00] =	vst v63  }
0x228: {  	_ =	swait.ge [sflag:s21], $0x4000  }
0x229: {  	[sflag:s21] =	ssyncset.done $0x0  }
0x22a: {  	[sflag:s21] =	ssyncadd.s32 $0xFFFFC000  }
0x22b: {  	_ =	swait.ge [sflag:s22], $0x4000  }
0x22c: {  	[sflag:s22] =	ssyncset.done $0x0  }
0x22d: {  	[sflag:s22] =	ssyncadd.s32 $0xFFFFC000  }
0x22e: {  	_ =	swait.ge [sflag:s21], $0x4000  }
0x22f: {  	[sflag:s21] =	ssyncset.done $0x0  }
0x230: {  	[sflag:s21] =	ssyncadd.s32 $0xFFFFC000  }
0x231: {  	_ =	swait.ge [sflag:s22], $0x4000  }
0x232: {  	[sflag:s22] =	ssyncset.done $0x0  }
0x233: {  	s4 =	simm.s32 $0x500;
	v45 =	vld [tilespmem:$0x1FFF0];
	[sflag:s22] =	ssyncadd.s32 $0xFFFFC000  }
0x234: {  	v18 =	vld [tilespmem:s4+$0x0];
	_ =	sdelay $0x1  }
0x235: {  	s4 =	simm.s32 $0x0  }
0x236: {  	v0 =	vmov s4  }
0x237: {  	v0 =	vshll.u32 v0, $0x7  }
0x238: {  	v3 =	vor.u32 v45, v0;
	v0 =	vadd.s32 $0x1B, v18;
	v1 =	vadd.s32 $0x1C, v18  }
0x239: {  	v2 =	vadd.s32 $0x1D, v18;
	v4 =	vadd.s32 $0x18, v18;
	v5 =	vadd.s32 $0x19, v18  }
0x23a: {  	v6 =	vadd.s32 $0x1A, v18;
	v8 =	vadd.s32 $0x15, v18;
	v7 =	vadd.s32 $0x16, v18  }
0x23b: {  	v9 =	vadd.s32 $0x17, v18;
	v11 =	vadd.s32 $0x12, v18;
	v10 =	vadd.s32 $0x13, v18  }
0x23c: {  	v12 =	vadd.s32 $0x14, v18;
	v13 =	vadd.s32 $0xF, v18;
	v14 =	vadd.s32 $0x10, v18  }
0x23d: {  	v15 =	vadd.s32 $0x11, v18;
	v16 =	vadd.s32 $0xC, v18;
	v17 =	vadd.s32 $0xD, v18  }
0x23e: {  	v19 =	vadd.s32 $0xE, v18;
	v20 =	vadd.s32 $0x9, v18;
	v21 =	vadd.s32 $0xA, v18  }
0x23f: {  	v22 =	vadd.s32 $0xB, v18;
	v23 =	vadd.s32 $0x6, v18;
	v24 =	vadd.s32 $0x7, v18  }
0x240: {  	v25 =	vadd.s32 $0x8, v18;
	v27 =	vadd.s32 $0x3, v18;
	v29 =	vadd.s32 $0x4, v18  }
0x241: {  	v30 =	vadd.s32 $0x5, v18;
	v26 =	vand.u32 $0x7F, v18;
	v31 =	vadd.s32 $0x1, v18  }
0x242: {  	v32 =	vadd.s32 $0x2, v18;
	v28 =	vand.u32 $0xFFFFFF80, v18;
	v33 =	vand.u32 $0x7F, v2  }
0x243: {  	v34 =	vand.u32 $0xFFFFFF80, v1;
	v1 =	vand.u32 $0x7F, v1;
	v2 =	vand.u32 $0xFFFFFF80, v2  }
0x244: {  	v53 =	vand.u32 $0x7F, v6;
	v36 =	vand.u32 $0xFFFFFF80, v0;
	v0 =	vand.u32 $0x7F, v0  }
0x245: {  	v54 =	vand.u32 $0xFFFFFF80, v5;
	v38 =	vand.u32 $0x7F, v5;
	v5 =	vand.u32 $0xFFFFFF80, v6  }
0x246: {  	v39 =	vand.u32 $0x7F, v9;
	v40 =	vand.u32 $0xFFFFFF80, v4;
	v6 =	vadd.s32 v3, v28  }
0x247: {  	v28 =	vand.u32 $0x7F, v4;
	v55 =	vand.u32 $0x7F, v7;
	v9 =	vand.u32 $0xFFFFFF80, v9  }
0x248: {  	v56 =	vand.u32 $0xFFFFFF80, v8;
	v57 =	vand.u32 $0x7F, v8;
	v58 =	vand.u32 $0x7F, v10  }
0x249: {  	v59 =	vand.u32 $0xFFFFFF80, v11;
	v11 =	vand.u32 $0x7F, v11;
	v60 =	vand.u32 $0x7F, v14  }
0x24a: {  	v61 =	vand.u32 $0x7F, v19;
	v62 =	vand.u32 $0x7F, v13;
	v63 =	vand.u32 $0xFFFFFF80, v17  }
0x24b: {  	v46 =	vand.u32 $0x7F, v17;
	v19 =	vand.u32 $0xFFFFFF80, v19;
	v47 =	vand.u32 $0x7F, v16  }
0x24c: {  	v48 =	vand.u32 $0xFFFFFF80, v21;
	v49 =	vand.u32 $0x7F, v21;
	v50 =	vand.u32 $0x7F, v20  }
0x24d: {  	v51 =	vand.u32 $0x7F, v30;
	v52 =	vand.u32 $0xFFFFFF80, v23;
	v23 =	vand.u32 $0x7F, v23  }
0x24e: {  	v30 =	vand.u32 $0xFFFFFF80, v30;
	v41 =	vor.u32 v26, v6;
	v26 =	vand.u32 $0xFFFFFF80, v7  }
0x24f: {  	v2 =	vadd.s32 v3, v2;
	v5 =	vadd.s32 v3, v5;
	v8 =	vadd.s32 v3, v9  }
0x250: {  	v19 =	vadd.s32 v3, v19;
	v37 =	vadd.s32 v3, v52;
	v30 =	vadd.s32 v3, v30  }
0x251: {  	v4 =	vor.u32 v33, v2;
	v2 =	vand.u32 $0x7F, v12;
	v7 =	vor.u32 v53, v5  }
0x252: {  	v5 =	vadd.s32 v3, v36;
	v12 =	vand.u32 $0xFFFFFF80, v12;
	v21 =	vor.u32 v61, v19  }
0x253: {  	v30 =	vor.u32 v51, v30;
	v23 =	vor.u32 v23, v37;
	v6 =	vor.u32 v0, v5  }
0x254: {  	v0 =	vand.u32 $0xFFFFFF80, v10;
	v5 =	vadd.s32 v3, v34;
	v10 =	vor.u32 v39, v8  }
0x255: {  	v8 =	vadd.s32 v3, v40;
	v12 =	vadd.s32 v3, v12;
	v5 =	vor.u32 v1, v5  }
0x256: {  	v1 =	vand.u32 $0x7F, v15;
	v9 =	vor.u32 v28, v8;
	v28 =	vand.u32 $0xFFFFFF80, v14  }
0x257: {  	v15 =	vand.u32 $0xFFFFFF80, v15;
	v8 =	vadd.s32 v3, v54;
	v14 =	vor.u32 v2, v12  }
0x258: {  	v2 =	vand.u32 $0xFFFFFF80, v13;
	v12 =	vadd.s32 v3, v56;
	v0 =	vadd.s32 v3, v0  }
0x259: {  	v54 =	vand.u32 $0x7F, v32;
	v56 =	vand.u32 $0xFFFFFF80, v31;
	v31 =	vand.u32 $0x7F, v31  }
0x25a: {  	v32 =	vand.u32 $0xFFFFFF80, v32;
	v8 =	vor.u32 v38, v8;
	v13 =	vor.u32 v57, v12  }
0x25b: {  	v12 =	vadd.s32 v3, v26;
	v26 =	vand.u32 $0x7F, v22;
	v15 =	vadd.s32 v3, v15  }
0x25c: {  	v2 =	vadd.s32 v3, v2;
	v19 =	vadd.s32 v3, v28;
	v38 =	vadd.s32 v3, v56  }
0x25d: {  	v32 =	vadd.s32 v3, v32;
	v12 =	vor.u32 v55, v12;
	v17 =	vor.u32 v1, v15  }
0x25e: {  	v1 =	vand.u32 $0xFFFFFF80, v16;
	v15 =	vadd.s32 v3, v59;
	v19 =	vor.u32 v60, v19  }
0x25f: {  	v55 =	vadd.s32 v3, v48;
	v31 =	vor.u32 v31, v38;
	v16 =	vor.u32 v11, v15  }
0x260: {  	v11 =	vand.u32 $0xFFFFFF80, v22;
	v15 =	vor.u32 v58, v0;
	v0 =	vand.u32 $0x7F, v25  }
0x261: {  	v22 =	vand.u32 $0xFFFFFF80, v20;
	v20 =	vor.u32 v62, v2;
	v2 =	vand.u32 $0xFFFFFF80, v24  }
0x262: {  	v24 =	vand.u32 $0x7F, v24;
	v25 =	vand.u32 $0xFFFFFF80, v25;
	v1 =	vadd.s32 v3, v1  }
0x263: {  	v36 =	vor.u32 v49, v55;
	v11 =	vadd.s32 v3, v11;
	v22 =	vadd.s32 v3, v22  }
0x264: {  	s4 =	simm.s32 $0x700;
	v53 =	vadd.s32 v3, v25;
	v28 =	vor.u32 v26, v11;
	v11 =	vadd.s32 v3, v63  }
0x265: {  	v2 =	vadd.s32 v3, v2;
	v26 =	vor.u32 v47, v1;
	v25 =	vor.u32 v46, v11;
	v11 =	vld [tilespmem:s4+$0x0]  }
0x266: {  	v1 =	vand.u32 $0xFFFFFF80, v29;
	v29 =	vand.u32 $0x7F, v29;
	v0 =	vor.u32 v0, v53  }
0x267: {  	v34 =	vor.u32 v50, v22;
	v22 =	vand.u32 $0xFFFFFF80, v27;
	v27 =	vand.u32 $0x7F, v27  }
0x268: {  	v2 =	vor.u32 v24, v2;
	v22 =	vadd.s32 v3, v22;
	v1 =	vadd.s32 v3, v1  }
0x269: {  	v24 =	vor.u32 v54, v32;
	v22 =	vor.u32 v27, v22;
	v1 =	vor.u32 v29, v1  }
0x26a: {  	v57 =	vand.u32 $0xFFFFFF80, v11;
	v58 =	vand.u32 $0x7F, v11;
	v59 =	vadd.s32 $0x1, v11  }
0x26b: {  	v61 =	vadd.s32 $0x2, v11;
	v42 =	vadd.s32 $0x3, v11;
	v49 =	vadd.s32 $0x4, v11  }
0x26c: {  	v53 =	vadd.s32 $0x5, v11;
	v55 =	vadd.s32 $0x6, v11;
	v40 =	vadd.s32 $0x13, v11  }
0x26d: {  	v46 =	vld.idx.msk [tilespmem:v41+s16+$0x0], $0xffff;
	v41 =	vadd.s32 $0x14, v11;
	v33 =	vadd.s32 v3, v57;
	v60 =	vand.u32 $0xFFFFFF80, v59  }
0x26e: {  	v38 =	vand.u32 $0x7F, v59;
	v62 =	vand.u32 $0xFFFFFF80, v61;
	v33 =	vor.u32 v58, v33  }
0x26f: {  	v63 =	vand.u32 $0x7F, v61;
	v47 =	vand.u32 $0xFFFFFF80, v42;
	v37 =	vadd.s32 v3, v60  }
0x270: {  	v48 =	vand.u32 $0x7F, v42;
	v32 =	vadd.s32 v3, v62;
	v37 =	vor.u32 v38, v37  }
0x271: {  	v31 =	vld.idx.msk [tilespmem:v31+s16+$0x0], $0xffff;
	v50 =	vand.u32 $0xFFFFFF80, v49;
	v52 =	vand.u32 $0x7F, v49;
	v27 =	vor.u32 v63, v32  }
0x272: {  	v24 =	vld.idx.msk [tilespmem:v24+s16+$0x0], $0xffff;
	v54 =	vand.u32 $0xFFFFFF80, v53;
	v56 =	vand.u32 $0xFFFFFF80, v55;
	v39 =	vand.u32 $0x7F, v55  }
0x273: {  	v57 =	vadd.s32 $0x8, v11;
	v61 =	vadd.s32 $0xA, v11;
	v32 =	vadd.s32 v3, v47;
	v33 =	vld.idx.msk [tilespmem:v33+s17+$0x0], $0xffff  }
0x274: {  	v55 =	vadd.s32 $0x19, v11;
	v58 =	vadd.s32 $0x7, v11;
	v63 =	vld.idx.msk [tilespmem:v23+s16+$0x0], $0xffff;
	v29 =	vor.u32 v48, v32  }
0x275: {  	v35 =	vand.u32 $0x7F, v57;
	v60 =	vadd.s32 $0x9, v11;
	v32 =	vadd.s32 v3, v50;
	v51 =	vld.idx.msk [tilespmem:v37+s17+$0x0], $0xffff  }
0x276: {  	v38 =	vand.u32 $0x7F, v53;
	v59 =	vand.u32 $0xFFFFFF80, v58;
	v32 =	vor.u32 v52, v32;
	v27 =	vld.idx.msk [tilespmem:v27+s17+$0x0], $0xffff  }
0x277: {  	v23 =	vand.u32 $0xFFFFFF80, v61;
	v53 =	vld.idx.msk [tilespmem:v28+s16+$0x0], $0xffff;
	v28 =	vadd.s32 $0x1D, v11;
	v37 =	vadd.s32 v3, v54  }
0x278: {  	v22 =	vld.idx.msk [tilespmem:v22+s16+$0x0], $0xffff;
	v48 =	vadd.s32 $0xC, v11;
	v37 =	vor.u32 v38, v37;
	v33 =	vmul.f32 v33, v46  }
0x279: {  	v23 =	vadd.s32 v3, v23;
	v49 =	vand.u32 $0xFFFFFF80, v48;
	v52 =	vadd.s32 $0xD, v11;
	v29 =	vld.idx.msk [tilespmem:v29+s17+$0x0], $0xffff  }
0x27a: {  	v1 =	vld.idx.msk [tilespmem:v1+s16+$0x0], $0xffff;
	v38 =	vadd.s32 v3, v56;
	v31 =	vmul.f32 v51, v31;
	v33 =	vadd.f32 $0.0e+00, v33  }
0x27b: {  	v38 =	vor.u32 v39, v38;
	v39 =	vand.u32 $0x7F, v58;
	v32 =	vld.idx.msk [tilespmem:v32+s17+$0x0], $0xffff;
	v24 =	vmul.f32 v27, v24  }
0x27c: {  	v30 =	vld.idx.msk [tilespmem:v30+s16+$0x0], $0xffff;
	v27 =	vand.u32 $0xFFFFFF80, v57;
	v31 =	vadd.f32 v31, v33;
	v33 =	vadd.s32 v3, v59  }
0x27d: {  	v54 =	vadd.s32 $0x18, v11;
	v27 =	vadd.s32 v3, v27;
	v37 =	vld.idx.msk [tilespmem:v37+s17+$0x0], $0xffff;
	v33 =	vor.u32 v39, v33  }
0x27e: {  	v22 =	vmul.f32 v29, v22;
	v29 =	vand.u32 $0xFFFFFF80, v60;
	v27 =	vor.u32 v35, v27  }
0x27f: {  	v35 =	vand.u32 $0x7F, v60;
	v29 =	vadd.s32 v3, v29;
	v24 =	vadd.f32 v24, v31  }
0x280: {  	v56 =	vadd.s32 $0xE, v11;
	v1 =	vmul.f32 v32, v1;
	v42 =	vld.idx.msk [tilespmem:v38+s17+$0x0], $0xffff;
	v29 =	vor.u32 v35, v29  }
0x281: {  	v2 =	vld.idx.msk [tilespmem:v2+s16+$0x0], $0xffff;
	v31 =	vadd.s32 $0x1E, v18;
	v22 =	vadd.f32 v22, v24;
	v24 =	vand.u32 $0x7F, v61  }
0x282: {  	v30 =	vmul.f32 v37, v30;
	v35 =	vor.u32 v24, v23;
	v24 =	vadd.s32 $0xB, v11;
	v33 =	vld.idx.msk [tilespmem:v33+s17+$0x0], $0xffff  }
0x283: {  	v0 =	vld.idx.msk [tilespmem:v0+s16+$0x0], $0xffff;
	v23 =	vand.u32 $0x7F, v31;
	v1 =	vadd.f32 v1, v22;
	v46 =	vand.u32 $0xFFFFFF80, v24  }
0x284: {  	v47 =	vld.idx.msk [tilespmem:v27+s17+$0x0], $0xffff;
	v22 =	vand.u32 $0xFFFFFF80, v31;
	v31 =	vand.u32 $0x7F, v24;
	v37 =	vadd.s32 v3, v46  }
0x285: {  	v34 =	vld.idx.msk [tilespmem:v34+s16+$0x0], $0xffff;
	v31 =	vor.u32 v31, v37;
	v1 =	vadd.f32 v30, v1;
	v30 =	vmul.f32 v42, v63  }
0x286: {  	v58 =	vand.u32 $0xFFFFFF80, v56;
	v57 =	vadd.s32 $0x1A, v11;
	v32 =	vadd.s32 v3, v49;
	v50 =	vld.idx.msk [tilespmem:v29+s17+$0x0], $0xffff  }
0x287: {  	v36 =	vld.idx.msk [tilespmem:v36+s16+$0x0], $0xffff;
	v60 =	vadd.s32 $0x10, v11;
	v1 =	vadd.f32 v30, v1;
	v2 =	vmul.f32 v33, v2  }
0x288: {  	v59 =	vadd.s32 $0xF, v11;
	v18 =	vadd.s32 $0x1F, v18;
	v37 =	vand.u32 $0x7F, v48;
	v51 =	vld.idx.msk [tilespmem:v35+s17+$0x0], $0xffff  }
0x289: {  	v32 =	vor.u32 v37, v32;
	v0 =	vmul.f32 v47, v0;
	v1 =	vadd.f32 v2, v1  }
0x28a: {  	v62 =	vand.u32 $0xFFFFFF80, v18;
	v18 =	vand.u32 $0x7F, v18;
	v27 =	vadd.s32 $0x1E, v11;
	v31 =	vld.idx.msk [tilespmem:v31+s17+$0x0], $0xffff  }
0x28b: {  	v2 =	vand.u32 $0xFFFFFF80, v52;
	v0 =	vadd.f32 v0, v1;
	v1 =	vmul.f32 v50, v34  }
0x28c: {  	v61 =	vand.u32 $0xFFFFFF80, v60;
	v35 =	vand.u32 $0x7F, v52;
	v2 =	vadd.s32 v3, v2  }
0x28d: {  	v26 =	vld.idx.msk [tilespmem:v26+s16+$0x0], $0xffff;
	v2 =	vor.u32 v35, v2;
	v0 =	vadd.f32 v1, v0;
	v1 =	vmul.f32 v51, v36  }
0x28e: {  	v29 =	vadd.s32 $0x1C, v11;
	v24 =	vadd.s32 v3, v22;
	v32 =	vld.idx.msk [tilespmem:v32+s17+$0x0], $0xffff;
	v35 =	vand.u32 $0x7F, v56  }
0x28f: {  	v36 =	vadd.s32 v3, v58;
	v0 =	vadd.f32 v1, v0;
	v1 =	vmul.f32 v31, v53  }
0x290: {  	v22 =	vadd.s32 v3, v62;
	v62 =	vadd.s32 $0x11, v11;
	v35 =	vor.u32 v35, v36  }
0x291: {  	v25 =	vld.idx.msk [tilespmem:v25+s16+$0x0], $0xffff;
	v46 =	vadd.s32 $0x16, v11;
	v0 =	vadd.f32 v1, v0;
	v1 =	vand.u32 $0xFFFFFF80, v59  }
0x292: {  	v63 =	vadd.s32 $0x12, v11;
	v37 =	vand.u32 $0x7F, v59;
	v2 =	vld.idx.msk [tilespmem:v2+s17+$0x0], $0xffff;
	v1 =	vadd.s32 v3, v1  }
0x293: {  	v42 =	vand.u32 $0xFFFFFF80, v41;
	v26 =	vmul.f32 v32, v26;
	v1 =	vor.u32 v37, v1  }
0x294: {  	v21 =	vld.idx.msk [tilespmem:v21+s16+$0x0], $0xffff;
	v47 =	vadd.s32 $0x17, v11;
	v36 =	vand.u32 $0x7F, v60;
	v32 =	vadd.s32 v3, v61  }
0x295: {  	v32 =	vor.u32 v36, v32;
	v0 =	vadd.f32 v26, v0;
	v26 =	vand.u32 $0xFFFFFF80, v62;
	v35 =	vld.idx.msk [tilespmem:v35+s17+$0x0], $0xffff  }
0x296: {  	v30 =	vadd.s32 $0x1B, v11;
	v37 =	vand.u32 $0x7F, v62;
	v26 =	vadd.s32 v3, v26  }
0x297: {  	v20 =	vld.idx.msk [tilespmem:v20+s16+$0x0], $0xffff;
	v2 =	vmul.f32 v2, v25;
	v25 =	vand.u32 $0xFFFFFF80, v63;
	v26 =	vor.u32 v37, v26  }
0x298: {  	v31 =	vadd.s32 $0x15, v11;
	v36 =	vand.u32 $0x7F, v63;
	v25 =	vadd.s32 v3, v25;
	v1 =	vld.idx.msk [tilespmem:v1+s17+$0x0], $0xffff  }
0x299: {  	v19 =	vld.idx.msk [tilespmem:v19+s16+$0x0], $0xffff;
	v25 =	vor.u32 v36, v25;
	v0 =	vadd.f32 v2, v0;
	v2 =	vand.u32 $0xFFFFFF80, v40  }
0x29a: {  	v37 =	vand.u32 $0x7F, v40;
	v32 =	vld.idx.msk [tilespmem:v32+s17+$0x0], $0xffff;
	v21 =	vmul.f32 v35, v21;
	v2 =	vadd.s32 v3, v2  }
0x29b: {  	v17 =	vld.idx.msk [tilespmem:v17+s16+$0x0], $0xffff;
	v36 =	vand.u32 $0x7F, v41;
	v35 =	vadd.s32 v3, v42;
	v2 =	vor.u32 v37, v2  }
0x29c: {  	v35 =	vor.u32 v36, v35;
	v26 =	vld.idx.msk [tilespmem:v26+s17+$0x0], $0xffff;
	v0 =	vadd.f32 v21, v0;
	v21 =	vand.u32 $0xFFFFFF80, v31  }
0x29d: {  	v16 =	vld.idx.msk [tilespmem:v16+s16+$0x0], $0xffff;
	v31 =	vand.u32 $0x7F, v31;
	v1 =	vmul.f32 v1, v20;
	v20 =	vadd.s32 v3, v21  }
0x29e: {  	v21 =	vld.idx.msk [tilespmem:v25+s17+$0x0], $0xffff;
	v25 =	vand.u32 $0xFFFFFF80, v46;
	v20 =	vor.u32 v31, v20;
	v31 =	vand.u32 $0x7F, v46  }
0x29f: {  	v15 =	vld.idx.msk [tilespmem:v15+s16+$0x0], $0xffff;
	v0 =	vadd.f32 v1, v0;
	v1 =	vmul.f32 v32, v19;
	v19 =	vadd.s32 v3, v25  }
0x2a0: {  	v2 =	vld.idx.msk [tilespmem:v2+s17+$0x0], $0xffff;
	v25 =	vand.u32 $0xFFFFFF80, v47;
	v19 =	vor.u32 v31, v19;
	v31 =	vand.u32 $0x7F, v47  }
0x2a1: {  	v14 =	vld.idx.msk [tilespmem:v14+s16+$0x0], $0xffff;
	v0 =	vadd.f32 v1, v0;
	v1 =	vmul.f32 v26, v17;
	v17 =	vadd.s32 v3, v25  }
0x2a2: {  	v25 =	vld.idx.msk [tilespmem:v35+s17+$0x0], $0xffff;
	v26 =	vand.u32 $0xFFFFFF80, v54;
	v17 =	vor.u32 v31, v17;
	v31 =	vand.u32 $0x7F, v54  }
0x2a3: {  	v13 =	vld.idx.msk [tilespmem:v13+s16+$0x0], $0xffff;
	v0 =	vadd.f32 v1, v0;
	v1 =	vmul.f32 v21, v16;
	v16 =	vadd.s32 v3, v26  }
0x2a4: {  	v20 =	vld.idx.msk [tilespmem:v20+s17+$0x0], $0xffff;
	v21 =	vand.u32 $0xFFFFFF80, v55;
	v26 =	vand.u32 $0x7F, v55;
	v16 =	vor.u32 v31, v16  }
0x2a5: {  	v12 =	vld.idx.msk [tilespmem:v12+s16+$0x0], $0xffff;
	v0 =	vadd.f32 v1, v0;
	v1 =	vmul.f32 v2, v15;
	v2 =	vadd.s32 v3, v21  }
0x2a6: {  	v15 =	vld.idx.msk [tilespmem:v19+s17+$0x0], $0xffff;
	v19 =	vand.u32 $0xFFFFFF80, v57;
	v21 =	vand.u32 $0x7F, v57;
	v2 =	vor.u32 v26, v2  }
0x2a7: {  	v10 =	vld.idx.msk [tilespmem:v10+s16+$0x0], $0xffff;
	v0 =	vadd.f32 v1, v0;
	v1 =	vmul.f32 v25, v14;
	v14 =	vadd.s32 v3, v19  }
0x2a8: {  	v11 =	vadd.s32 $0x1F, v11;
	v17 =	vld.idx.msk [tilespmem:v17+s17+$0x0], $0xffff;
	v19 =	vand.u32 $0xFFFFFF80, v30;
	v14 =	vor.u32 v21, v14  }
0x2a9: {  	v9 =	vld.idx.msk [tilespmem:v9+s16+$0x0], $0xffff;
	v21 =	vand.u32 $0x7F, v30;
	v0 =	vadd.f32 v1, v0;
	v1 =	vmul.f32 v20, v13  }
0x2aa: {  	v13 =	vadd.s32 v3, v19;
	v16 =	vld.idx.msk [tilespmem:v16+s17+$0x0], $0xffff;
	v19 =	vand.u32 $0xFFFFFF80, v29;
	v20 =	vand.u32 $0x7F, v29  }
0x2ab: {  	v8 =	vld.idx.msk [tilespmem:v8+s16+$0x0], $0xffff;
	v13 =	vor.u32 v21, v13;
	v0 =	vadd.f32 v1, v0;
	v1 =	vmul.f32 v15, v12  }
0x2ac: {  	v12 =	vadd.s32 v3, v19;
	v2 =	vld.idx.msk [tilespmem:v2+s17+$0x0], $0xffff;
	v15 =	vand.u32 $0xFFFFFF80, v28;
	v19 =	vand.u32 $0x7F, v28  }
0x2ad: {  	v7 =	vld.idx.msk [tilespmem:v7+s16+$0x0], $0xffff;
	v12 =	vor.u32 v20, v12;
	v0 =	vadd.f32 v1, v0;
	v1 =	vmul.f32 v17, v10  }
0x2ae: {  	v10 =	vadd.s32 v3, v15;
	v14 =	vld.idx.msk [tilespmem:v14+s17+$0x0], $0xffff;
	v15 =	vand.u32 $0xFFFFFF80, v27;
	v17 =	vand.u32 $0x7F, v27  }
0x2af: {  	v6 =	vld.idx.msk [tilespmem:v6+s16+$0x0], $0xffff;
	v10 =	vor.u32 v19, v10;
	v0 =	vadd.f32 v1, v0;
	v1 =	vmul.f32 v16, v9  }
0x2b0: {  	v9 =	vadd.s32 v3, v15;
	v15 =	vor.u32 v23, v24;
	v13 =	vld.idx.msk [tilespmem:v13+s17+$0x0], $0xffff;
	v16 =	vand.u32 $0xFFFFFF80, v11  }
0x2b1: {  	v5 =	vld.idx.msk [tilespmem:v5+s16+$0x0], $0xffff;
	v9 =	vor.u32 v17, v9;
	v0 =	vadd.f32 v1, v0;
	v1 =	vmul.f32 v2, v8  }
0x2b2: {  	v3 =	vadd.s32 v3, v16;
	v2 =	vor.u32 v18, v22;
	v8 =	vand.u32 $0x7F, v11;
	v11 =	vld.idx.msk [tilespmem:v12+s17+$0x0], $0xffff  }
0x2b3: {  	v4 =	vld.idx.msk [tilespmem:v4+s16+$0x0], $0xffff;
	v3 =	vor.u32 v8, v3;
	v0 =	vadd.f32 v1, v0;
	v1 =	vmul.f32 v14, v7  }
0x2b4: {  	v7 =	vld.idx.msk [tilespmem:v10+s17+$0x0], $0xffff  }
0x2b5: {  	v8 =	vld.idx.msk [tilespmem:v15+s16+$0x0], $0xffff;
	v0 =	vadd.f32 v1, v0;
	v1 =	vmul.f32 v13, v6  }
0x2b6: {  	v6 =	vld.idx.msk [tilespmem:v9+s17+$0x0], $0xffff  }
0x2b7: {  	v2 =	vld.idx.msk [tilespmem:v2+s16+$0x0], $0xffff;
	v0 =	vadd.f32 v1, v0;
	v1 =	vmul.f32 v11, v5  }
0x2b8: {  	v3 =	vld.idx.msk [tilespmem:v3+s17+$0x0], $0xffff  }
0x2b9: {  	v0 =	vadd.f32 v1, v0;
	v1 =	vmul.f32 v7, v4;
	_ =	sdelay $0x1  }
0x2ba: {  	v0 =	vadd.f32 v1, v0;
	v1 =	vmul.f32 v6, v8;
	_ =	sdelay $0x1  }
0x2bb: {  	v0 =	vadd.f32 v1, v0;
	v1 =	vmul.f32 v3, v2;
	_ =	sdelay $0x1  }
0x2bc: {  	v0 =	vadd.f32 v1, v0;
	_ =	sdelay $0x1  }
0x2bd: {  	v0 =	vmul.f32 v0, v43;
	_ =	sdelay $0x1  }
0x2be: {  	v0 =	vadd.f32 v0, v44;
	_ =	sdelay $0x1  }
0x2bf: {  	v0 =	vsub.f32 $0.0e+00, v0;
	_ =	sdelay $0x1  }
0x2c0: {  	v0 =	vmul.f32 $1.442695020e+00, v0;
	_ =	sdelay $0x1  }
0x2c1: {  	(erf) = vpow2.f32 v0;
	_ =	sdelay $0x8  }
0x2c2: {  	v0 =	vpop (erf)  }
0x2c3: {  	v0 =	vadd.f32 $1.000000000e+00, v0;
	_ =	sdelay $0x1  }
0x2c4: {  	(erf) = vrcp.f32 v0;
	_ =	sdelay $0x8  }
0x2c5: {  	s30 =	simm.s32 $0x10A00;
	v0 =	vpop (erf)  }
0x2c6: {  	s31 =	simm.s32 $0x510;
	[tilespmem:s30+$0x0] =	vst v0  }
0x2c7: {  	v0 =	vld [tilespmem:s31+$0x0];
	_ =	sdelay $0x1  }
0x2c8: {  	s4 =	simm.s32 $0x10  }
0x2c9: {  	v1 =	vmov s4  }
0x2ca: {  	v1 =	vshll.u32 v1, $0x7  }
0x2cb: {  	v3 =	vor.u32 v45, v1;
	v1 =	vadd.s32 $0x1E, v0;
	v2 =	vadd.s32 $0x1F, v0  }
0x2cc: {  	v4 =	vadd.s32 $0x1B, v0;
	v5 =	vadd.s32 $0x1C, v0;
	v6 =	vadd.s32 $0x1D, v0  }
0x2cd: {  	v7 =	vadd.s32 $0x18, v0;
	v8 =	vadd.s32 $0x19, v0;
	v9 =	vadd.s32 $0x1A, v0  }
0x2ce: {  	v10 =	vadd.s32 $0x15, v0;
	v11 =	vadd.s32 $0x16, v0;
	v12 =	vadd.s32 $0x17, v0  }
0x2cf: {  	v13 =	vadd.s32 $0x12, v0;
	v14 =	vadd.s32 $0x13, v0;
	v15 =	vadd.s32 $0x14, v0  }
0x2d0: {  	v17 =	vadd.s32 $0xF, v0;
	v16 =	vadd.s32 $0x10, v0;
	v19 =	vadd.s32 $0x11, v0  }
0x2d1: {  	v20 =	vadd.s32 $0xC, v0;
	v21 =	vadd.s32 $0xD, v0;
	v22 =	vadd.s32 $0xE, v0  }
0x2d2: {  	v27 =	vadd.s32 $0x9, v0;
	v24 =	vadd.s32 $0xA, v0;
	v25 =	vadd.s32 $0xB, v0  }
0x2d3: {  	v29 =	vadd.s32 $0x6, v0;
	v28 =	vadd.s32 $0x7, v0;
	v38 =	vadd.s32 $0x8, v0  }
0x2d4: {  	v33 =	vadd.s32 $0x3, v0;
	v32 =	vadd.s32 $0x4, v0;
	v35 =	vadd.s32 $0x5, v0  }
0x2d5: {  	v18 =	vand.u32 $0x7F, v0;
	v48 =	vadd.s32 $0x1, v0;
	v49 =	vadd.s32 $0x2, v0  }
0x2d6: {  	v0 =	vand.u32 $0xFFFFFF80, v0;
	v23 =	vand.u32 $0xFFFFFF80, v2;
	v2 =	vand.u32 $0x7F, v2  }
0x2d7: {  	v26 =	vand.u32 $0x7F, v6;
	v30 =	vand.u32 $0xFFFFFF80, v1;
	v1 =	vand.u32 $0x7F, v1  }
0x2d8: {  	v50 =	vand.u32 $0xFFFFFF80, v5;
	v51 =	vand.u32 $0x7F, v5;
	v0 =	vadd.s32 v3, v0  }
0x2d9: {  	v5 =	vand.u32 $0xFFFFFF80, v6;
	v52 =	vand.u32 $0x7F, v9;
	v53 =	vand.u32 $0x7F, v8  }
0x2da: {  	v54 =	vand.u32 $0x7F, v11;
	v55 =	vand.u32 $0xFFFFFF80, v10;
	v56 =	vand.u32 $0x7F, v10  }
0x2db: {  	v57 =	vand.u32 $0x7F, v14;
	v58 =	vand.u32 $0x7F, v16;
	v59 =	vand.u32 $0xFFFFFF80, v22  }
0x2dc: {  	v60 =	vand.u32 $0x7F, v24;
	v61 =	vand.u32 $0xFFFFFF80, v25;
	v31 =	vor.u32 v18, v0  }
0x2dd: {  	v0 =	vand.u32 $0xFFFFFF80, v4;
	v18 =	vand.u32 $0x7F, v4;
	v4 =	vadd.s32 v3, v5  }
0x2de: {  	v62 =	vand.u32 $0x7F, v27;
	v63 =	vand.u32 $0x7F, v28;
	v4 =	vor.u32 v26, v4  }
0x2df: {  	v26 =	vand.u32 $0xFFFFFF80, v8;
	v8 =	vand.u32 $0xFFFFFF80, v9;
	v9 =	vadd.s32 v3, v23  }
0x2e0: {  	v23 =	vand.u32 $0x7F, v7;
	v0 =	vadd.s32 v3, v0;
	[tilespmem:$0x1FE70] =	vst v4;
	v4 =	vadd.s32 v3, v30  }
0x2e1: {  	v2 =	vor.u32 v2, v9;
	v30 =	vand.u32 $0xFFFFFF80, v11;
	v11 =	vand.u32 $0xFFFFFF80, v12  }
0x2e2: {  	v0 =	vor.u32 v18, v0;
	v1 =	vor.u32 v1, v4;
	[tilespmem:$0x1FE90] =	vst v2;
	v2 =	vand.u32 $0xFFFFFF80, v7  }
0x2e3: {  	v7 =	vadd.s32 v3, v8;
	[tilespmem:$0x1FEB0] =	vst v0;
	v0 =	vand.u32 $0x7F, v15;
	v10 =	vadd.s32 v3, v11  }
0x2e4: {  	[tilespmem:$0x1FE80] =	vst v1;
	v1 =	vand.u32 $0x7F, v12;
	v4 =	vor.u32 v52, v7;
	v7 =	vadd.s32 v3, v50  }
0x2e5: {  	v2 =	vadd.s32 v3, v2;
	[tilespmem:$0x1FEA0] =	vst v4;
	v4 =	vor.u32 v51, v7;
	v1 =	vor.u32 v1, v10  }
0x2e6: {  	v10 =	vadd.s32 v3, v26;
	v2 =	vor.u32 v23, v2;
	v23 =	vadd.s32 v3, v30  }
0x2e7: {  	v26 =	vand.u32 $0x7F, v22;
	v30 =	vand.u32 $0xFFFFFF80, v17;
	v17 =	vand.u32 $0x7F, v17;
	[tilespmem:$0x1FED0] =	vst v1  }
0x2e8: {  	v1 =	vand.u32 $0xFFFFFF80, v14;
	v14 =	vand.u32 $0xFFFFFF80, v15;
	[tilespmem:$0x1FEE0] =	vst v2;
	v2 =	vand.u32 $0x7F, v19  }
0x2e9: {  	[tilespmem:$0x1FEC0] =	vst v4;
	v4 =	vor.u32 v53, v10;
	v15 =	vand.u32 $0xFFFFFF80, v13;
	v13 =	vand.u32 $0x7F, v13  }
0x2ea: {  	v19 =	vand.u32 $0xFFFFFF80, v19;
	v44 =	vor.u32 v54, v23;
	v14 =	vadd.s32 v3, v14  }
0x2eb: {  	v19 =	vadd.s32 v3, v19;
	v15 =	vadd.s32 v3, v15;
	v1 =	vadd.s32 v3, v1  }
0x2ec: {  	[tilespmem:$0x1FEF0] =	vst v4;
	v4 =	vand.u32 $0xFFFFFF80, v38;
	v9 =	vor.u32 v0, v14;
	v0 =	vand.u32 $0xFFFFFF80, v16  }
0x2ed: {  	v14 =	vadd.s32 v3, v55;
	v11 =	vor.u32 v2, v19;
	v2 =	vand.u32 $0xFFFFFF80, v21  }
0x2ee: {  	v19 =	vand.u32 $0x7F, v21;
	v8 =	vor.u32 v13, v15;
	v10 =	vor.u32 v57, v1  }
0x2ef: {  	v1 =	vand.u32 $0xFFFFFF80, v20;
	v15 =	vand.u32 $0x7F, v20;
	v20 =	vadd.s32 v3, v59  }
0x2f0: {  	v13 =	vand.u32 $0x7F, v25;
	v12 =	vor.u32 v56, v14;
	v21 =	vor.u32 v26, v20  }
0x2f1: {  	v20 =	vand.u32 $0xFFFFFF80, v24;
	v24 =	vadd.s32 v3, v30;
	v0 =	vadd.s32 v3, v0  }
0x2f2: {  	v1 =	vadd.s32 v3, v1;
	v2 =	vadd.s32 v3, v2;
	v14 =	vor.u32 v17, v24  }
0x2f3: {  	v17 =	vand.u32 $0x7F, v38;
	v18 =	vor.u32 v58, v0;
	v0 =	vand.u32 $0xFFFFFF80, v27  }
0x2f4: {  	v27 =	vadd.s32 v3, v61;
	v6 =	vor.u32 v15, v1;
	v1 =	vand.u32 $0x7F, v35  }
0x2f5: {  	v16 =	vor.u32 v19, v2;
	v2 =	vand.u32 $0xFFFFFF80, v29;
	v15 =	vand.u32 $0x7F, v29  }
0x2f6: {  	v19 =	vadd.s32 v3, v4;
	v29 =	vand.u32 $0xFFFFFF80, v35;
	v20 =	vadd.s32 v3, v20  }
0x2f7: {  	v23 =	vor.u32 v13, v27;
	v13 =	vand.u32 $0xFFFFFF80, v28;
	v34 =	vor.u32 v17, v19  }
0x2f8: {  	v17 =	vand.u32 $0xFFFFFF80, v32;
	v19 =	vand.u32 $0x7F, v32;
	v0 =	vadd.s32 v3, v0  }
0x2f9: {  	v24 =	vor.u32 v60, v20;
	v20 =	vand.u32 $0xFFFFFF80, v33;
	v2 =	vadd.s32 v3, v2  }
0x2fa: {  	s0 =	simm.s32 $0x710;
	v29 =	vadd.s32 v3, v29;
	v33 =	vand.u32 $0x7F, v33;
	v7 =	vor.u32 v62, v0  }
0x2fb: {  	v0 =	vand.u32 $0x7F, v49;
	v45 =	vor.u32 v1, v29;
	v29 =	vld [tilespmem:s0+$0x0];
	v43 =	vor.u32 v15, v2  }
0x2fc: {  	v1 =	vand.u32 $0xFFFFFF80, v48;
	v2 =	vand.u32 $0x7F, v48;
	v15 =	vand.u32 $0xFFFFFF80, v49  }
0x2fd: {  	v13 =	vadd.s32 v3, v13;
	v20 =	vadd.s32 v3, v20;
	v1 =	vadd.s32 v3, v1  }
0x2fe: {  	v17 =	vadd.s32 v3, v17;
	v15 =	vadd.s32 v3, v15;
	v54 =	vor.u32 v2, v1  }
0x2ff: {  	v41 =	vor.u32 v63, v13;
	v52 =	vor.u32 v33, v20;
	v53 =	vor.u32 v0, v15  }
0x300: {  	v50 =	vor.u32 v19, v17;
	v15 =	vadd.s32 $0x1E, v29;
	v13 =	vadd.s32 $0x1F, v29  }
0x301: {  	s4 =	simm.s32 $0x20;
	v20 =	vadd.s32 $0x1B, v29;
	v19 =	vadd.s32 $0x1C, v29;
	v17 =	vadd.s32 $0x1D, v29  }
.LBB2_4:
0x302: {  	v38 =	vld.idx.msk [tilespmem:v31+s16+$0x0], $0xffff  }
0x303: {  	v54 =	vld.idx.msk [tilespmem:v54+s16+$0x0], $0xffff  }
0x304: {  	v36 =	vadd.s32 $0x18, v29;
	v53 =	vld.idx.msk [tilespmem:v53+s16+$0x0], $0xffff  }
0x305: {  	v35 =	vadd.s32 $0x19, v29;
	v33 =	vadd.s32 $0x1A, v29;
	v40 =	vadd.s32 $0x15, v29;
	v52 =	vld.idx.msk [tilespmem:v52+s16+$0x0], $0xffff  }
0x306: {  	[tilespmem:$0x1FE40] =	vst v44;
	v39 =	vadd.s32 $0x16, v29;
	v37 =	vadd.s32 $0x17, v29;
	v46 =	vadd.s32 $0x12, v29;
	v28 =	vld.idx.msk [tilespmem:v6+s16+$0x0], $0xffff  }
0x307: {  	v44 =	vadd.s32 $0x13, v29;
	v42 =	vadd.s32 $0x14, v29;
	v49 =	vadd.s32 $0xF, v29;
	v6 =	vld [tilespmem:$0x1FE40]  }
0x308: {  	v48 =	vadd.s32 $0x10, v29;
	v47 =	vadd.s32 $0x11, v29;
	v0 =	vand.u32 $0xFFFFFF80, v29;
	v50 =	vld.idx.msk [tilespmem:v50+s16+$0x0], $0xffff  }
0x309: {  	v1 =	vadd.s32 $0xD, v29;
	v51 =	vadd.s32 $0xE, v29;
	v2 =	vand.u32 $0x7F, v29;
	v45 =	vld.idx.msk [tilespmem:v45+s16+$0x0], $0xffff  }
0x30a: {  	v55 =	vadd.s32 $0x1, v29;
	v56 =	vadd.s32 $0xC, v29;
	v43 =	vld.idx.msk [tilespmem:v43+s16+$0x0], $0xffff;
	v0 =	vadd.s32 v3, v0  }
0x30b: {  	v57 =	vadd.s32 $0x2, v29;
	v41 =	vld.idx.msk [tilespmem:v41+s16+$0x0], $0xffff;
	v0 =	vor.u32 v2, v0;
	v2 =	vand.u32 $0xFFFFFF80, v55  }
0x30c: {  	v58 =	vadd.s32 $0xB, v29;
	v34 =	vld.idx.msk [tilespmem:v34+s16+$0x0], $0xffff;
	v55 =	vand.u32 $0x7F, v55;
	v2 =	vadd.s32 v3, v2  }
0x30d: {  	v59 =	vadd.s32 $0x3, v29;
	v60 =	vadd.s32 $0xA, v29;
	v31 =	vld.idx.msk [tilespmem:v24+s16+$0x0], $0xffff;
	v2 =	vor.u32 v55, v2  }
0x30e: {  	v61 =	vadd.s32 $0x4, v29;
	v25 =	vld.idx.msk [tilespmem:v14+s16+$0x0], $0xffff;
	v63 =	vand.u32 $0xFFFFFF80, v57;
	v57 =	vand.u32 $0x7F, v57  }
0x30f: {  	v32 =	vand.u32 $0xFFFFFF80, v59;
	v59 =	vand.u32 $0x7F, v59;
	v55 =	vadd.s32 v3, v63;
	v14 =	vld.idx.msk [tilespmem:v6+s16+$0x0], $0xffff  }
0x310: {  	v55 =	vor.u32 v57, v55;
	v57 =	vadd.s32 v3, v32;
	v32 =	vand.u32 $0xFFFFFF80, v61;
	v6 =	vld [tilespmem:$0x1FED0]  }
0x311: {  	v61 =	vand.u32 $0x7F, v61;
	v57 =	vor.u32 v59, v57;
	v59 =	vadd.s32 v3, v32;
	v0 =	vld.idx.msk [tilespmem:v0+s17+$0x0], $0xffff  }
0x312: {  	v62 =	vadd.s32 $0x9, v29;
	v63 =	vadd.s32 $0x5, v29;
	v59 =	vor.u32 v61, v59;
	v2 =	vld.idx.msk [tilespmem:v2+s17+$0x0], $0xffff  }
0x313: {  	v4 =	vadd.s32 $0x8, v29;
	v5 =	vadd.s32 $0x6, v29;
	v27 =	vld.idx.msk [tilespmem:v16+s16+$0x0], $0xffff;
	v32 =	vand.u32 $0xFFFFFF80, v63  }
0x314: {  	v16 =	vld.idx.msk [tilespmem:v12+s16+$0x0], $0xffff;
	v29 =	vadd.s32 $0x7, v29;
	v63 =	vand.u32 $0x7F, v63;
	v61 =	vadd.s32 v3, v32  }
0x315: {  	v32 =	vand.u32 $0xFFFFFF80, v5;
	v5 =	vand.u32 $0x7F, v5;
	v61 =	vor.u32 v63, v61;
	v55 =	vld.idx.msk [tilespmem:v55+s17+$0x0], $0xffff  }
0x316: {  	v32 =	vadd.s32 v3, v32;
	v63 =	vand.u32 $0xFFFFFF80, v29;
	v0 =	vmul.f32 v0, v38;
	v38 =	vld.idx.msk [tilespmem:v57+s17+$0x0], $0xffff  }
0x317: {  	v29 =	vand.u32 $0x7F, v29;
	v5 =	vor.u32 v5, v32;
	v2 =	vmul.f32 v2, v54;
	v54 =	vld.idx.msk [tilespmem:v59+s17+$0x0], $0xffff  }
0x318: {  	v32 =	vand.u32 $0xFFFFFF80, v4;
	v57 =	vadd.s32 v3, v63;
	v0 =	vadd.f32 $0.0e+00, v0;
	v12 =	vld.idx.msk [tilespmem:v6+s16+$0x0], $0xffff  }
0x319: {  	v4 =	vand.u32 $0x7F, v4;
	v63 =	vand.u32 $0xFFFFFF80, v62;
	v29 =	vor.u32 v29, v57;
	v6 =	vld [tilespmem:$0x1FEE0]  }
0x31a: {  	v0 =	vadd.f32 v2, v0;
	v2 =	vmul.f32 v55, v53;
	v53 =	vld.idx.msk [tilespmem:v61+s17+$0x0], $0xffff;
	v61 =	vadd.s32 v3, v32  }
0x31b: {  	v30 =	vld.idx.msk [tilespmem:v23+s16+$0x0], $0xffff;
	v57 =	vand.u32 $0xFFFFFF80, v58;
	v58 =	vand.u32 $0x7F, v58;
	v4 =	vor.u32 v4, v61  }
0x31c: {  	v23 =	vld.idx.msk [tilespmem:v11+s16+$0x0], $0xffff;
	v59 =	vadd.s32 v3, v57;
	v0 =	vadd.f32 v2, v0;
	v2 =	vmul.f32 v38, v52  }
0x31d: {  	v5 =	vld.idx.msk [tilespmem:v5+s17+$0x0], $0xffff;
	v32 =	vand.u32 $0x7F, v62;
	v62 =	vand.u32 $0xFFFFFF80, v60;
	v61 =	vadd.s32 v3, v63  }
0x31e: {  	v38 =	vor.u32 v32, v61;
	v29 =	vld.idx.msk [tilespmem:v29+s17+$0x0], $0xffff;
	v0 =	vadd.f32 v2, v0;
	v2 =	vmul.f32 v54, v50  }
0x31f: {  	v63 =	vand.u32 $0x7F, v60;
	v60 =	vand.u32 $0xFFFFFF80, v56;
	v32 =	vld.idx.msk [tilespmem:v7+s16+$0x0], $0xffff;
	v54 =	vadd.s32 v3, v62  }
0x320: {  	v50 =	vor.u32 v63, v54;
	v0 =	vadd.f32 v2, v0;
	v2 =	vmul.f32 v53, v45;
	v4 =	vld.idx.msk [tilespmem:v4+s17+$0x0], $0xffff  }
0x321: {  	v63 =	vand.u32 $0xFFFFFF80, v1;
	v1 =	vand.u32 $0x7F, v1;
	v45 =	vor.u32 v58, v59;
	v11 =	vld.idx.msk [tilespmem:v6+s16+$0x0], $0xffff  }
0x322: {  	v52 =	vadd.s32 v3, v63;
	v0 =	vadd.f32 v2, v0;
	v2 =	vmul.f32 v5, v43;
	v6 =	vld [tilespmem:$0x1FEF0]  }
0x323: {  	v61 =	vand.u32 $0x7F, v56;
	v62 =	vadd.s32 v3, v60;
	v1 =	vor.u32 v1, v52;
	v5 =	vld.idx.msk [tilespmem:v38+s17+$0x0], $0xffff  }
0x324: {  	v26 =	vld.idx.msk [tilespmem:v21+s16+$0x0], $0xffff;
	v38 =	vor.u32 v61, v62;
	v0 =	vadd.f32 v2, v0;
	v2 =	vmul.f32 v29, v41  }
0x325: {  	v57 =	vand.u32 $0x7F, v49;
	v56 =	vand.u32 $0xFFFFFF80, v49;
	v29 =	vld.idx.msk [tilespmem:v50+s17+$0x0], $0xffff  }
0x326: {  	v21 =	vld.idx.msk [tilespmem:v10+s16+$0x0], $0xffff;
	v53 =	vand.u32 $0xFFFFFF80, v51;
	v0 =	vadd.f32 v2, v0;
	v2 =	vmul.f32 v4, v34  }
0x327: {  	v54 =	vand.u32 $0x7F, v51;
	v58 =	vadd.s32 v3, v56;
	v55 =	vadd.s32 v3, v53;
	v4 =	vld.idx.msk [tilespmem:v45+s17+$0x0], $0xffff  }
0x328: {  	v34 =	vor.u32 v54, v55;
	v1 =	vld.idx.msk [tilespmem:v1+s17+$0x0], $0xffff;
	v0 =	vadd.f32 v2, v0;
	v2 =	vmul.f32 v5, v32  }
0x329: {  	v60 =	vand.u32 $0x7F, v48;
	v59 =	vand.u32 $0xFFFFFF80, v48;
	v5 =	vld.idx.msk [tilespmem:v38+s17+$0x0], $0xffff;
	v32 =	vor.u32 v57, v58  }
0x32a: {  	v0 =	vadd.f32 v2, v0;
	v2 =	vmul.f32 v29, v31;
	v29 =	vadd.s32 v3, v59;
	v10 =	vld.idx.msk [tilespmem:v6+s16+$0x0], $0xffff  }
0x32b: {  	v61 =	vand.u32 $0x7F, v47;
	v31 =	vand.u32 $0xFFFFFF80, v47;
	v29 =	vor.u32 v60, v29;
	v6 =	vld [tilespmem:$0x1FEA0]  }
0x32c: {  	v24 =	vld.idx.msk [tilespmem:v18+s16+$0x0], $0xffff;
	v0 =	vadd.f32 v2, v0;
	v2 =	vmul.f32 v4, v30;
	v30 =	vadd.s32 v3, v31  }
0x32d: {  	v63 =	vand.u32 $0x7F, v44;
	v62 =	vand.u32 $0x7F, v46;
	v4 =	vld.idx.msk [tilespmem:v34+s17+$0x0], $0xffff;
	v30 =	vor.u32 v61, v30  }
0x32e: {  	v22 =	vld.idx.msk [tilespmem:v8+s16+$0x0], $0xffff;
	v31 =	vand.u32 $0xFFFFFF80, v46;
	v0 =	vadd.f32 v2, v0;
	v2 =	vmul.f32 v5, v28  }
0x32f: {  	v1 =	vmul.f32 v1, v27;
	v5 =	vld.idx.msk [tilespmem:v32+s17+$0x0], $0xffff;
	v28 =	vadd.s32 v3, v31;
	v31 =	vand.u32 $0xFFFFFF80, v44  }
0x330: {  	v18 =	vld.idx.msk [tilespmem:v9+s16+$0x0], $0xffff;
	v28 =	vor.u32 v62, v28;
	v27 =	vadd.s32 v3, v31;
	v0 =	vadd.f32 v2, v0  }
0x331: {  	v2 =	vld.idx.msk [tilespmem:v29+s17+$0x0], $0xffff;
	v27 =	vor.u32 v63, v27  }
0x332: {  	v29 =	vand.u32 $0xFFFFFF80, v42;
	v0 =	vadd.f32 v1, v0;
	v1 =	vmul.f32 v4, v26;
	v4 =	vld.idx.msk [tilespmem:v30+s17+$0x0], $0xffff  }
0x333: {  	v31 =	vand.u32 $0x7F, v42;
	v26 =	vadd.s32 v3, v29;
	v29 =	vand.u32 $0xFFFFFF80, v40;
	v9 =	vld.idx.msk [tilespmem:v6+s16+$0x0], $0xffff  }
0x334: {  	v26 =	vor.u32 v31, v26;
	v6 =	vld [tilespmem:$0x1FEB0];
	v0 =	vadd.f32 v1, v0;
	v1 =	vmul.f32 v5, v25  }
0x335: {  	v30 =	vand.u32 $0x7F, v40;
	v5 =	vld.idx.msk [tilespmem:v28+s17+$0x0], $0xffff;
	v25 =	vadd.s32 v3, v29;
	v28 =	vand.u32 $0xFFFFFF80, v39  }
0x336: {  	v25 =	vor.u32 v30, v25;
	v0 =	vadd.f32 v1, v0;
	v1 =	vmul.f32 v2, v24  }
0x337: {  	v29 =	vand.u32 $0x7F, v39;
	v2 =	vld.idx.msk [tilespmem:v27+s17+$0x0], $0xffff;
	v24 =	vadd.s32 v3, v28;
	v27 =	vand.u32 $0xFFFFFF80, v37  }
0x338: {  	v24 =	vor.u32 v29, v24;
	v0 =	vadd.f32 v1, v0;
	v1 =	vmul.f32 v4, v23  }
0x339: {  	v28 =	vand.u32 $0x7F, v37;
	v4 =	vld.idx.msk [tilespmem:v26+s17+$0x0], $0xffff;
	v23 =	vadd.s32 v3, v27;
	v26 =	vand.u32 $0xFFFFFF80, v36  }
0x33a: {  	v23 =	vor.u32 v28, v23;
	v0 =	vadd.f32 v1, v0;
	v1 =	vmul.f32 v5, v22  }
0x33b: {  	v27 =	vand.u32 $0x7F, v36;
	v5 =	vld.idx.msk [tilespmem:v25+s17+$0x0], $0xffff;
	v22 =	vadd.s32 v3, v26;
	v25 =	vand.u32 $0xFFFFFF80, v35  }
0x33c: {  	v22 =	vor.u32 v27, v22;
	v8 =	vld.idx.msk [tilespmem:v6+s16+$0x0], $0xffff;
	v0 =	vadd.f32 v1, v0;
	v1 =	vmul.f32 v2, v21  }
0x33d: {  	v26 =	vand.u32 $0x7F, v35;
	v2 =	vld.idx.msk [tilespmem:v24+s17+$0x0], $0xffff;
	v21 =	vadd.s32 v3, v25;
	v24 =	vand.u32 $0xFFFFFF80, v33  }
0x33e: {  	v6 =	vld [tilespmem:$0x1FEC0];
	v21 =	vor.u32 v26, v21;
	v0 =	vadd.f32 v1, v0;
	v1 =	vmul.f32 v4, v18  }
0x33f: {  	v25 =	vand.u32 $0x7F, v33;
	v4 =	vld.idx.msk [tilespmem:v23+s17+$0x0], $0xffff;
	v18 =	vadd.s32 v3, v24;
	v23 =	vand.u32 $0xFFFFFF80, v20  }
0x340: {  	v18 =	vor.u32 v25, v18;
	v0 =	vadd.f32 v1, v0;
	v1 =	vmul.f32 v5, v16  }
0x341: {  	v20 =	vand.u32 $0x7F, v20;
	v5 =	vld.idx.msk [tilespmem:v22+s17+$0x0], $0xffff;
	v16 =	vadd.s32 v3, v23  }
0x342: {  	v16 =	vor.u32 v20, v16;
	v0 =	vadd.f32 v1, v0;
	v1 =	vmul.f32 v2, v14  }
0x343: {  	v2 =	vld.idx.msk [tilespmem:v21+s17+$0x0], $0xffff  }
0x344: {  	v0 =	vadd.f32 v1, v0;
	v1 =	vmul.f32 v4, v12  }
0x345: {  	v20 =	vand.u32 $0xFFFFFF80, v19;
	v19 =	vand.u32 $0x7F, v19;
	v4 =	vld.idx.msk [tilespmem:v18+s17+$0x0], $0xffff  }
0x346: {  	v14 =	vadd.s32 v3, v20;
	v7 =	vld.idx.msk [tilespmem:v6+s16+$0x0], $0xffff;
	v0 =	vadd.f32 v1, v0;
	v1 =	vmul.f32 v5, v11  }
0x347: {  	v14 =	vor.u32 v19, v14;
	v19 =	vand.u32 $0xFFFFFF80, v17;
	v17 =	vand.u32 $0x7F, v17;
	v5 =	vld.idx.msk [tilespmem:v16+s17+$0x0], $0xffff  }
0x348: {  	v6 =	vld [tilespmem:$0x1FE70];
	v12 =	vadd.s32 v3, v19;
	v0 =	vadd.f32 v1, v0;
	v1 =	vmul.f32 v2, v10  }
0x349: {  	v12 =	vor.u32 v17, v12;
	v17 =	vand.u32 $0xFFFFFF80, v15;
	v15 =	vand.u32 $0x7F, v15  }
0x34a: {  	v11 =	vadd.s32 v3, v17;
	v0 =	vadd.f32 v1, v0;
	v1 =	vmul.f32 v4, v9;
	v9 =	vld [tilespmem:$0x1FE80]  }
0x34b: {  	v11 =	vor.u32 v15, v11  }
0x34c: {  	v15 =	vand.u32 $0xFFFFFF80, v13;
	v0 =	vadd.f32 v1, v0;
	v1 =	vmul.f32 v5, v8;
	v8 =	vld [tilespmem:$0x1FE90]  }
0x34d: {  	v13 =	vand.u32 $0x7F, v13;
	v3 =	vadd.s32 v3, v15  }
0x34e: {  	v2 =	vld.idx.msk [tilespmem:v14+s17+$0x0], $0xffff;
	v3 =	vor.u32 v13, v3  }
0x34f: {  	v4 =	vld.idx.msk [tilespmem:v12+s17+$0x0], $0xffff  }
0x350: {  	v6 =	vld.idx.msk [tilespmem:v6+s16+$0x0], $0xffff  }
0x351: {  	v5 =	vld.idx.msk [tilespmem:v11+s17+$0x0], $0xffff  }
0x352: {  	v9 =	vld.idx.msk [tilespmem:v9+s16+$0x0], $0xffff  }
0x353: {  	v0 =	vadd.f32 v1, v0;
	v1 =	vmul.f32 v2, v7;
	v2 =	vld.idx.msk [tilespmem:v3+s17+$0x0], $0xffff  }
0x354: {  	v8 =	vld.idx.msk [tilespmem:v8+s16+$0x0], $0xffff  }
0x355: {  	v0 =	vadd.f32 v1, v0;
	v1 =	vmul.f32 v4, v6;
	_ =	sdelay $0x1  }
0x356: {  	v0 =	vadd.f32 v1, v0;
	v1 =	vmul.f32 v5, v9;
	_ =	sdelay $0x1  }
0x357: {  	v0 =	vadd.f32 v1, v0;
	v1 =	vmul.f32 v2, v8;
	_ =	sdelay $0x1  }
0x358: {  	v0 =	vadd.f32 v1, v0;
	v1 =	vld [tilespmem:$0x1FF20];
	_ =	sdelay $0x4  }
0x359: {  	v0 =	vmul.f32 v0, v1;
	v1 =	vld [tilespmem:$0x1FF30];
	_ =	sdelay $0x4  }
0x35a: {  	v0 =	vadd.f32 v0, v1;
	_ =	sdelay $0x1  }
0x35b: {  	v0 =	vsub.f32 $0.0e+00, v0;
	_ =	sdelay $0x1  }
0x35c: {  	v0 =	vmul.f32 $1.442695020e+00, v0;
	_ =	sdelay $0x1  }
0x35d: {  	(erf) = vpow2.f32 v0;
	_ =	sdelay $0x8  }
0x35e: {  	v0 =	vpop (erf)  }
0x35f: {  	v0 =	vadd.f32 $1.000000000e+00, v0;
	_ =	sdelay $0x1  }
0x360: {  	(erf) = vrcp.f32 v0;
	_ =	sdelay $0x8  }
0x361: {  	s30 =	sadd.s32 $0x10, s30;
	v0 =	vpop (erf)  }
0x362: {  	s31 =	sadd.s32 $0x10, s31;
	v2 =	vld [tilespmem:$0x1FFF0];
	[tilespmem:s30+$0x0] =	vst v0  }
0x363: {  	v0 =	vld [tilespmem:s31+$0x0];
	_ =	sdelay $0x2  }
0x364: {  	v1 =	vmov s4  }
0x365: {  	v1 =	vshll.u32 v1, $0x7  }
0x366: {  	v3 =	vor.u32 v2, v1;
	v1 =	vadd.s32 $0x1E, v0;
	v2 =	vadd.s32 $0x1F, v0  }
0x367: {  	v4 =	vadd.s32 $0x1B, v0;
	v5 =	vadd.s32 $0x1C, v0;
	v6 =	vadd.s32 $0x1D, v0  }
0x368: {  	v7 =	vadd.s32 $0x18, v0;
	v8 =	vadd.s32 $0x19, v0;
	v9 =	vadd.s32 $0x1A, v0  }
0x369: {  	v10 =	vadd.s32 $0x15, v0;
	v11 =	vadd.s32 $0x16, v0;
	v12 =	vadd.s32 $0x17, v0  }
0x36a: {  	v13 =	vadd.s32 $0x12, v0;
	v14 =	vadd.s32 $0x13, v0;
	v15 =	vadd.s32 $0x14, v0  }
0x36b: {  	v16 =	vadd.s32 $0xF, v0;
	v17 =	vadd.s32 $0x10, v0;
	v18 =	vadd.s32 $0x11, v0  }
0x36c: {  	v19 =	vadd.s32 $0xC, v0;
	v20 =	vadd.s32 $0xD, v0;
	v21 =	vadd.s32 $0xE, v0  }
0x36d: {  	v22 =	vadd.s32 $0x9, v0;
	v23 =	vadd.s32 $0xA, v0;
	v24 =	vadd.s32 $0xB, v0  }
0x36e: {  	v25 =	vadd.s32 $0x6, v0;
	v26 =	vadd.s32 $0x7, v0;
	v27 =	vadd.s32 $0x8, v0  }
0x36f: {  	v28 =	vadd.s32 $0x3, v0;
	v29 =	vadd.s32 $0x4, v0;
	v30 =	vadd.s32 $0x5, v0  }
0x370: {  	v31 =	vand.u32 $0x7F, v0;
	v32 =	vadd.s32 $0x1, v0;
	v33 =	vadd.s32 $0x2, v0  }
0x371: {  	[tilespmem:$0x1FE50] =	vst v31;
	v31 =	vand.u32 $0xFFFFFF80, v0;
	v34 =	vand.u32 $0xFFFFFF80, v2;
	v0 =	vand.u32 $0x7F, v2  }
0x372: {  	v35 =	vand.u32 $0x7F, v6;
	v36 =	vand.u32 $0xFFFFFF80, v1;
	v2 =	vand.u32 $0x7F, v1  }
0x373: {  	v37 =	vand.u32 $0xFFFFFF80, v5;
	v5 =	vand.u32 $0x7F, v5;
	v6 =	vand.u32 $0xFFFFFF80, v6  }
0x374: {  	v39 =	vand.u32 $0x7F, v9;
	v38 =	vand.u32 $0xFFFFFF80, v4;
	v4 =	vand.u32 $0x7F, v4  }
0x375: {  	v40 =	vand.u32 $0xFFFFFF80, v8;
	v41 =	vand.u32 $0x7F, v8;
	v8 =	vand.u32 $0xFFFFFF80, v9  }
0x376: {  	v42 =	vand.u32 $0x7F, v12;
	v9 =	vand.u32 $0xFFFFFF80, v7;
	v43 =	vand.u32 $0x7F, v7  }
0x377: {  	v7 =	vand.u32 $0xFFFFFF80, v11;
	v44 =	vand.u32 $0x7F, v11;
	v11 =	vand.u32 $0xFFFFFF80, v12  }
0x378: {  	v45 =	vand.u32 $0x7F, v15;
	v12 =	vand.u32 $0xFFFFFF80, v10;
	v46 =	vand.u32 $0x7F, v10  }
0x379: {  	v10 =	vand.u32 $0xFFFFFF80, v14;
	v47 =	vand.u32 $0x7F, v14;
	v14 =	vand.u32 $0xFFFFFF80, v15  }
0x37a: {  	v15 =	vand.u32 $0x7F, v18;
	v48 =	vand.u32 $0xFFFFFF80, v13;
	v13 =	vand.u32 $0x7F, v13  }
0x37b: {  	v49 =	vand.u32 $0xFFFFFF80, v17;
	v17 =	vand.u32 $0x7F, v17;
	v18 =	vand.u32 $0xFFFFFF80, v18  }
0x37c: {  	v50 =	vand.u32 $0x7F, v21;
	v51 =	vand.u32 $0xFFFFFF80, v16;
	v52 =	vand.u32 $0x7F, v16  }
0x37d: {  	v16 =	vand.u32 $0xFFFFFF80, v20;
	v20 =	vand.u32 $0x7F, v20;
	v21 =	vand.u32 $0xFFFFFF80, v21  }
0x37e: {  	v53 =	vand.u32 $0x7F, v24;
	v54 =	vand.u32 $0xFFFFFF80, v19;
	v19 =	vand.u32 $0x7F, v19  }
0x37f: {  	v55 =	vand.u32 $0xFFFFFF80, v23;
	v56 =	vand.u32 $0x7F, v23;
	v23 =	vand.u32 $0xFFFFFF80, v24  }
0x380: {  	v57 =	vand.u32 $0x7F, v27;
	v24 =	vand.u32 $0xFFFFFF80, v22;
	v58 =	vand.u32 $0x7F, v22  }
0x381: {  	v22 =	vand.u32 $0xFFFFFF80, v26;
	v59 =	vand.u32 $0x7F, v26;
	v26 =	vand.u32 $0xFFFFFF80, v27  }
0x382: {  	v60 =	vand.u32 $0x7F, v30;
	v27 =	vand.u32 $0xFFFFFF80, v25;
	v61 =	vand.u32 $0x7F, v25  }
0x383: {  	v25 =	vand.u32 $0xFFFFFF80, v29;
	v62 =	vand.u32 $0x7F, v29;
	v29 =	vand.u32 $0xFFFFFF80, v30  }
0x384: {  	v63 =	vand.u32 $0x7F, v33;
	v30 =	vand.u32 $0xFFFFFF80, v28;
	v28 =	vand.u32 $0x7F, v28  }
0x385: {  	v33 =	vand.u32 $0xFFFFFF80, v33;
	[tilespmem:$0x1FE60] =	vst v0;
	v0 =	vand.u32 $0xFFFFFF80, v32;
	v32 =	vand.u32 $0x7F, v32  }
0x386: {  	v31 =	vadd.s32 v3, v31;
	v36 =	vadd.s32 v3, v36;
	v34 =	vadd.s32 v3, v34  }
0x387: {  	v1 =	vadd.s32 v3, v38;
	v37 =	vadd.s32 v3, v37;
	v6 =	vadd.s32 v3, v6  }
0x388: {  	v9 =	vadd.s32 v3, v9;
	v40 =	vadd.s32 v3, v40;
	v8 =	vadd.s32 v3, v8  }
0x389: {  	v12 =	vadd.s32 v3, v12;
	v7 =	vadd.s32 v3, v7;
	v11 =	vadd.s32 v3, v11  }
0x38a: {  	v48 =	vadd.s32 v3, v48;
	v10 =	vadd.s32 v3, v10;
	v14 =	vadd.s32 v3, v14  }
0x38b: {  	v51 =	vadd.s32 v3, v51;
	v49 =	vadd.s32 v3, v49;
	v18 =	vadd.s32 v3, v18  }
0x38c: {  	v54 =	vadd.s32 v3, v54;
	v16 =	vadd.s32 v3, v16;
	v21 =	vadd.s32 v3, v21  }
0x38d: {  	v24 =	vadd.s32 v3, v24;
	v55 =	vadd.s32 v3, v55;
	v23 =	vadd.s32 v3, v23  }
0x38e: {  	v27 =	vadd.s32 v3, v27;
	v22 =	vadd.s32 v3, v22;
	v26 =	vadd.s32 v3, v26  }
0x38f: {  	v30 =	vadd.s32 v3, v30;
	v25 =	vadd.s32 v3, v25;
	v38 =	vadd.s32 v3, v29  }
0x390: {  	v33 =	vadd.s32 v3, v33;
	v0 =	vadd.s32 v3, v0;
	v6 =	vor.u32 v35, v6  }
0x391: {  	v29 =	vld [tilespmem:$0x1FE50];
	v2 =	vor.u32 v2, v36;
	v1 =	vor.u32 v4, v1;
	v12 =	vor.u32 v46, v12  }
0x392: {  	v44 =	vor.u32 v44, v7;
	v10 =	vor.u32 v47, v10;
	v21 =	vor.u32 v50, v21  }
0x393: {  	v23 =	vor.u32 v53, v23;
	v16 =	vor.u32 v20, v16;
	v7 =	vor.u32 v58, v24;
	[tilespmem:$0x1FE70] =	vst v6  }
0x394: {  	v24 =	vor.u32 v56, v55;
	v53 =	vor.u32 v63, v33;
	v50 =	vor.u32 v62, v25;
	[tilespmem:$0x1FE80] =	vst v2;
	v2 =	vld [tilespmem:$0x1FE60]  }
0x395: {  	s0 =	sadd.s32 $0x10, s0;
	[tilespmem:$0x1FEB0] =	vst v1;
	v1 =	vor.u32 v5, v37;
	v6 =	vor.u32 v19, v54;
	v54 =	vor.u32 v32, v0  }
0x396: {  	[tilespmem:$0x1FEC0] =	vst v1;
	v1 =	vor.u32 v42, v11;
	v11 =	vor.u32 v15, v18;
	v31 =	vor.u32 v29, v31;
	v29 =	vld [tilespmem:s0+$0x0]  }
0x397: {  	p0 =	sne.s32 s4, $0xF0;
	v18 =	vor.u32 v17, v49;
	[tilespmem:$0x1FED0] =	vst v1;
	v1 =	vor.u32 v43, v9;
	v9 =	vor.u32 v45, v14  }
.Ltmp1:
0x398: {  	v14 =	vor.u32 v52, v51;
	v45 =	vor.u32 v60, v38;
	v43 =	vor.u32 v61, v27;
	(pc) =	sbr.rel @p0 .LBB2_4-.Ltmp1, $4  }
0x399: {  	v52 =	vor.u32 v28, v30;
	[tilespmem:$0x1FEE0] =	vst v1;
	v1 =	vor.u32 v41, v40;
	v2 =	vor.u32 v2, v34  }
0x39a: {  	v41 =	vor.u32 v59, v22;
	v34 =	vor.u32 v57, v26;
	[tilespmem:$0x1FE90] =	vst v2;
	v2 =	vor.u32 v39, v8  }
0x39b: {  	[tilespmem:$0x1FEF0] =	vst v1;
	v8 =	vor.u32 v13, v48;
	v15 =	vadd.s32 $0x1E, v29;
	v13 =	vadd.s32 $0x1F, v29  }
0x39c: {  	s4 =	sadd.s32 $0x10, s4;
	[tilespmem:$0x1FEA0] =	vst v2;
	v20 =	vadd.s32 $0x1B, v29;
	v19 =	vadd.s32 $0x1C, v29;
	v17 =	vadd.s32 $0x1D, v29  }
0x39d: {  	v0 =	vand.u32 $0xFFFFFF80, v29  }
0x39e: {  	v1 =	vand.u32 $0x7F, v29;
	v2 =	vadd.s32 $0x1, v29;
	v0 =	vadd.s32 v3, v0  }
0x39f: {  	v0 =	vor.u32 v1, v0;
	v1 =	vand.u32 $0xFFFFFF80, v2  }
0x3a0: {  	v2 =	vand.u32 $0x7F, v2;
	v1 =	vadd.s32 v3, v1  }
0x3a1: {  	v1 =	vor.u32 v2, v1;
	v2 =	vadd.s32 $0x2, v29  }
0x3a2: {  	v4 =	vand.u32 $0xFFFFFF80, v2  }
0x3a3: {  	v2 =	vand.u32 $0x7F, v2;
	v4 =	vadd.s32 v3, v4  }
0x3a4: {  	v5 =	vld.idx.msk [tilespmem:v31+s16+$0x0], $0xffff;
	v2 =	vor.u32 v2, v4  }
0x3a5: {  	v0 =	vld.idx.msk [tilespmem:v0+s17+$0x0], $0xffff  }
0x3a6: {  	v32 =	vld.idx.msk [tilespmem:v54+s16+$0x0], $0xffff  }
0x3a7: {  	v22 =	vadd.s32 $0x3, v29;
	v26 =	vadd.s32 $0x4, v29;
	v35 =	vadd.s32 $0x5, v29;
	v1 =	vld.idx.msk [tilespmem:v1+s17+$0x0], $0xffff  }
0x3a8: {  	v27 =	vld.idx.msk [tilespmem:v53+s16+$0x0], $0xffff;
	v25 =	vand.u32 $0xFFFFFF80, v22;
	v22 =	vand.u32 $0x7F, v22;
	v33 =	vand.u32 $0xFFFFFF80, v26  }
0x3a9: {  	v26 =	vand.u32 $0x7F, v26;
	v36 =	vand.u32 $0xFFFFFF80, v35;
	v25 =	vadd.s32 v3, v25;
	v2 =	vld.idx.msk [tilespmem:v2+s17+$0x0], $0xffff  }
0x3aa: {  	v22 =	vor.u32 v22, v25;
	v25 =	vadd.s32 v3, v33;
	v0 =	vmul.f32 v0, v5  }
0x3ab: {  	v25 =	vor.u32 v26, v25;
	v4 =	vadd.s32 v3, v36  }
0x3ac: {  	v5 =	vand.u32 $0x7F, v35;
	v1 =	vmul.f32 v1, v32;
	v0 =	vadd.f32 $0.0e+00, v0  }
0x3ad: {  	v37 =	vld.idx.msk [tilespmem:v52+s16+$0x0], $0xffff;
	v38 =	vadd.s32 $0x6, v29;
	v4 =	vor.u32 v5, v4  }
0x3ae: {  	v28 =	vld.idx.msk [tilespmem:v50+s16+$0x0], $0xffff;
	v0 =	vadd.f32 v1, v0;
	v1 =	vand.u32 $0xFFFFFF80, v38;
	v2 =	vmul.f32 v2, v27  }
0x3af: {  	v39 =	vadd.s32 $0x7, v29;
	v22 =	vld.idx.msk [tilespmem:v22+s17+$0x0], $0xffff;
	v5 =	vand.u32 $0x7F, v38;
	v1 =	vadd.s32 v3, v1  }
0x3b0: {  	v25 =	vld.idx.msk [tilespmem:v25+s17+$0x0], $0xffff;
	v1 =	vor.u32 v5, v1;
	v0 =	vadd.f32 v2, v0;
	v2 =	vand.u32 $0xFFFFFF80, v39  }
0x3b1: {  	v5 =	vand.u32 $0x7F, v39;
	v2 =	vadd.s32 v3, v2  }
0x3b2: {  	v40 =	vld.idx.msk [tilespmem:v45+s16+$0x0], $0xffff;
	v2 =	vor.u32 v5, v2  }
0x3b3: {  	v4 =	vld.idx.msk [tilespmem:v4+s17+$0x0], $0xffff  }
0x3b4: {  	v42 =	vadd.s32 $0x8, v29;
	v46 =	vld.idx.msk [tilespmem:v43+s16+$0x0], $0xffff;
	v47 =	vadd.s32 $0x9, v29;
	v22 =	vmul.f32 v22, v37  }
0x3b5: {  	v51 =	vadd.s32 $0xA, v29;
	v45 =	vand.u32 $0xFFFFFF80, v42;
	v25 =	vmul.f32 v25, v28;
	v1 =	vld.idx.msk [tilespmem:v1+s17+$0x0], $0xffff  }
0x3b6: {  	v50 =	vld.idx.msk [tilespmem:v41+s16+$0x0], $0xffff;
	v0 =	vadd.f32 v22, v0;
	v5 =	vand.u32 $0x7F, v42;
	v22 =	vadd.s32 v3, v45  }
0x3b7: {  	v48 =	vand.u32 $0xFFFFFF80, v47;
	v49 =	vand.u32 $0x7F, v47;
	v5 =	vor.u32 v5, v22;
	v2 =	vld.idx.msk [tilespmem:v2+s17+$0x0], $0xffff  }
0x3b8: {  	v22 =	vadd.s32 v3, v48;
	v0 =	vadd.f32 v25, v0;
	v4 =	vmul.f32 v4, v40  }
0x3b9: {  	v52 =	vand.u32 $0xFFFFFF80, v51;
	v22 =	vor.u32 v49, v22;
	v25 =	vand.u32 $0x7F, v51  }
0x3ba: {  	v0 =	vadd.f32 v4, v0;
	v4 =	vadd.s32 v3, v52;
	v1 =	vmul.f32 v1, v46  }
0x3bb: {  	v53 =	vld.idx.msk [tilespmem:v34+s16+$0x0], $0xffff;
	v54 =	vadd.s32 $0xB, v29;
	v4 =	vor.u32 v25, v4  }
0x3bc: {  	v7 =	vld.idx.msk [tilespmem:v7+s16+$0x0], $0xffff;
	v0 =	vadd.f32 v1, v0;
	v1 =	vand.u32 $0xFFFFFF80, v54;
	v2 =	vmul.f32 v2, v50  }
0x3bd: {  	v55 =	vadd.s32 $0xC, v29;
	v25 =	vand.u32 $0x7F, v54;
	v5 =	vld.idx.msk [tilespmem:v5+s17+$0x0], $0xffff;
	v1 =	vadd.s32 v3, v1  }
0x3be: {  	v22 =	vld.idx.msk [tilespmem:v22+s17+$0x0], $0xffff;
	v1 =	vor.u32 v25, v1;
	v0 =	vadd.f32 v2, v0;
	v2 =	vand.u32 $0xFFFFFF80, v55  }
0x3bf: {  	v25 =	vand.u32 $0x7F, v55;
	v2 =	vadd.s32 v3, v2  }
0x3c0: {  	v24 =	vld.idx.msk [tilespmem:v24+s16+$0x0], $0xffff;
	v2 =	vor.u32 v25, v2  }
0x3c1: {  	v4 =	vld.idx.msk [tilespmem:v4+s17+$0x0], $0xffff  }
0x3c2: {  	v56 =	vadd.s32 $0xD, v29;
	v23 =	vld.idx.msk [tilespmem:v23+s16+$0x0], $0xffff;
	v58 =	vadd.s32 $0xE, v29;
	v5 =	vmul.f32 v5, v53  }
0x3c3: {  	v60 =	vadd.s32 $0xF, v29;
	v57 =	vand.u32 $0xFFFFFF80, v56;
	v7 =	vmul.f32 v22, v7;
	v1 =	vld.idx.msk [tilespmem:v1+s17+$0x0], $0xffff  }
0x3c4: {  	v6 =	vld.idx.msk [tilespmem:v6+s16+$0x0], $0xffff;
	v0 =	vadd.f32 v5, v0;
	v25 =	vand.u32 $0x7F, v56;
	v5 =	vadd.s32 v3, v57  }
0x3c5: {  	v59 =	vand.u32 $0xFFFFFF80, v58;
	v22 =	vand.u32 $0x7F, v58;
	v5 =	vor.u32 v25, v5;
	v2 =	vld.idx.msk [tilespmem:v2+s17+$0x0], $0xffff  }
0x3c6: {  	v4 =	vmul.f32 v4, v24;
	v0 =	vadd.f32 v7, v0;
	v7 =	vadd.s32 v3, v59  }
0x3c7: {  	v61 =	vand.u32 $0xFFFFFF80, v60;
	v7 =	vor.u32 v22, v7;
	v22 =	vand.u32 $0x7F, v60  }
0x3c8: {  	v0 =	vadd.f32 v4, v0;
	v4 =	vadd.s32 v3, v61;
	v1 =	vmul.f32 v1, v23  }
0x3c9: {  	v16 =	vld.idx.msk [tilespmem:v16+s16+$0x0], $0xffff;
	v62 =	vadd.s32 $0x10, v29;
	v4 =	vor.u32 v22, v4  }
0x3ca: {  	v21 =	vld.idx.msk [tilespmem:v21+s16+$0x0], $0xffff;
	v0 =	vadd.f32 v1, v0;
	v1 =	vand.u32 $0xFFFFFF80, v62;
	v2 =	vmul.f32 v2, v6  }
0x3cb: {  	v63 =	vand.u32 $0x7F, v62;
	v22 =	vadd.s32 $0x11, v29;
	v5 =	vld.idx.msk [tilespmem:v5+s17+$0x0], $0xffff;
	v1 =	vadd.s32 v3, v1  }
0x3cc: {  	v7 =	vld.idx.msk [tilespmem:v7+s17+$0x0], $0xffff;
	v1 =	vor.u32 v63, v1;
	v0 =	vadd.f32 v2, v0;
	v2 =	vand.u32 $0xFFFFFF80, v22  }
0x3cd: {  	v14 =	vld.idx.msk [tilespmem:v14+s16+$0x0], $0xffff;
	v6 =	vand.u32 $0x7F, v22;
	v2 =	vadd.s32 v3, v2  }
0x3ce: {  	v11 =	vld.idx.msk [tilespmem:v11+s16+$0x0], $0xffff;
	v2 =	vor.u32 v6, v2  }
0x3cf: {  	v30 =	vadd.s32 $0x14, v29;
	v4 =	vld.idx.msk [tilespmem:v4+s17+$0x0], $0xffff  }
0x3d0: {  	v26 =	vadd.s32 $0x13, v29;
	v25 =	vld.idx.msk [tilespmem:v18+s16+$0x0], $0xffff;
	v23 =	vadd.s32 $0x12, v29;
	v5 =	vmul.f32 v5, v16  }
0x3d1: {  	v27 =	vand.u32 $0xFFFFFF80, v26;
	v24 =	vand.u32 $0xFFFFFF80, v23;
	v7 =	vmul.f32 v7, v21;
	v1 =	vld.idx.msk [tilespmem:v1+s17+$0x0], $0xffff  }
0x3d2: {  	v8 =	vld.idx.msk [tilespmem:v8+s16+$0x0], $0xffff;
	v0 =	vadd.f32 v5, v0;
	v6 =	vand.u32 $0x7F, v23;
	v5 =	vadd.s32 v3, v24  }
0x3d3: {  	v28 =	vand.u32 $0x7F, v26;
	v5 =	vor.u32 v6, v5;
	v6 =	vadd.s32 v3, v27;
	v2 =	vld.idx.msk [tilespmem:v2+s17+$0x0], $0xffff  }
0x3d4: {  	v10 =	vld.idx.msk [tilespmem:v10+s16+$0x0], $0xffff;
	v4 =	vmul.f32 v4, v14;
	v0 =	vadd.f32 v7, v0;
	v6 =	vor.u32 v28, v6  }
0x3d5: {  	v9 =	vld.idx.msk [tilespmem:v9+s16+$0x0], $0xffff;
	v31 =	vand.u32 $0xFFFFFF80, v30;
	v7 =	vand.u32 $0x7F, v30  }
0x3d6: {  	v47 =	vld [tilespmem:$0x1FEE0];
	v0 =	vadd.f32 v4, v0;
	v4 =	vadd.s32 v3, v31;
	v1 =	vmul.f32 v1, v25  }
0x3d7: {  	v36 =	vld.idx.msk [tilespmem:v12+s16+$0x0], $0xffff;
	v32 =	vadd.s32 $0x15, v29;
	v4 =	vor.u32 v7, v4  }
0x3d8: {  	v5 =	vld.idx.msk [tilespmem:v5+s17+$0x0], $0xffff;
	v0 =	vadd.f32 v1, v0;
	v1 =	vand.u32 $0xFFFFFF80, v32;
	v2 =	vmul.f32 v2, v11  }
0x3d9: {  	v33 =	vadd.s32 $0x16, v29;
	v7 =	vand.u32 $0x7F, v32;
	v6 =	vld.idx.msk [tilespmem:v6+s17+$0x0], $0xffff;
	v1 =	vadd.s32 v3, v1  }
0x3da: {  	v40 =	vld.idx.msk [tilespmem:v44+s16+$0x0], $0xffff;
	v1 =	vor.u32 v7, v1;
	v0 =	vadd.f32 v2, v0;
	v2 =	vand.u32 $0xFFFFFF80, v33  }
0x3db: {  	v44 =	vld [tilespmem:$0x1FED0];
	v7 =	vand.u32 $0x7F, v33;
	v2 =	vadd.s32 v3, v2  }
0x3dc: {  	v34 =	vadd.s32 $0x17, v29;
	v41 =	vadd.s32 $0x19, v29;
	v4 =	vld.idx.msk [tilespmem:v4+s17+$0x0], $0xffff;
	v2 =	vor.u32 v7, v2  }
0x3dd: {  	v43 =	vand.u32 $0xFFFFFF80, v41;
	v37 =	vadd.s32 $0x18, v29;
	v49 =	vld [tilespmem:$0x1FEF0];
	v5 =	vmul.f32 v5, v8  }
0x3de: {  	v35 =	vand.u32 $0xFFFFFF80, v34;
	v38 =	vand.u32 $0xFFFFFF80, v37;
	v52 =	vld [tilespmem:$0x1FEA0];
	v6 =	vmul.f32 v6, v10  }
0x3df: {  	v0 =	vadd.f32 v5, v0;
	v7 =	vand.u32 $0x7F, v34;
	v5 =	vadd.s32 v3, v35;
	v1 =	vld.idx.msk [tilespmem:v1+s17+$0x0], $0xffff  }
0x3e0: {  	v39 =	vand.u32 $0x7F, v37;
	v42 =	vadd.s32 $0x1A, v29;
	v55 =	vld [tilespmem:$0x1FEB0];
	v5 =	vor.u32 v7, v5  }
0x3e1: {  	v4 =	vmul.f32 v4, v9;
	v0 =	vadd.f32 v6, v0;
	v6 =	vadd.s32 v3, v38;
	v2 =	vld.idx.msk [tilespmem:v2+s17+$0x0], $0xffff  }
0x3e2: {  	v45 =	vand.u32 $0xFFFFFF80, v42;
	v46 =	vand.u32 $0x7F, v42;
	v57 =	vld [tilespmem:$0x1FEC0];
	v6 =	vor.u32 v39, v6  }
0x3e3: {  	v61 =	vld [tilespmem:$0x1FE70];
	v7 =	vand.u32 $0x7F, v41;
	v0 =	vadd.f32 v4, v0;
	v4 =	vadd.s32 v3, v43  }
0x3e4: {  	v11 =	vld.idx.msk [tilespmem:v44+s16+$0x0], $0xffff;
	v8 =	vadd.s32 v3, v45;
	v4 =	vor.u32 v7, v4;
	v1 =	vmul.f32 v1, v36  }
0x3e5: {  	v7 =	vor.u32 v46, v8;
	v5 =	vld.idx.msk [tilespmem:v5+s17+$0x0], $0xffff  }
0x3e6: {  	v8 =	vld.idx.msk [tilespmem:v47+s16+$0x0], $0xffff;
	v0 =	vadd.f32 v1, v0;
	v1 =	vand.u32 $0xFFFFFF80, v20;
	v2 =	vmul.f32 v2, v40  }
0x3e7: {  	v48 =	vand.u32 $0x7F, v20;
	v6 =	vld.idx.msk [tilespmem:v6+s17+$0x0], $0xffff;
	v1 =	vadd.s32 v3, v1  }
0x3e8: {  	v9 =	vld.idx.msk [tilespmem:v49+s16+$0x0], $0xffff;
	v1 =	vor.u32 v48, v1;
	v0 =	vadd.f32 v2, v0;
	v2 =	vand.u32 $0xFFFFFF80, v19  }
0x3e9: {  	v50 =	vand.u32 $0x7F, v19;
	v4 =	vld.idx.msk [tilespmem:v4+s17+$0x0], $0xffff;
	v2 =	vadd.s32 v3, v2  }
0x3ea: {  	v10 =	vld.idx.msk [tilespmem:v52+s16+$0x0], $0xffff;
	v5 =	vmul.f32 v5, v11;
	v2 =	vor.u32 v50, v2  }
0x3eb: {  	v7 =	vld.idx.msk [tilespmem:v7+s17+$0x0], $0xffff  }
0x3ec: {  	v6 =	vmul.f32 v6, v8;
	v8 =	vld.idx.msk [tilespmem:v55+s16+$0x0], $0xffff;
	v0 =	vadd.f32 v5, v0  }
0x3ed: {  	v1 =	vld.idx.msk [tilespmem:v1+s17+$0x0], $0xffff  }
0x3ee: {  	v4 =	vmul.f32 v4, v9;
	v0 =	vadd.f32 v6, v0;
	v6 =	vld.idx.msk [tilespmem:v57+s16+$0x0], $0xffff  }
0x3ef: {  	v2 =	vld.idx.msk [tilespmem:v2+s17+$0x0], $0xffff  }
0x3f0: {  	v60 =	vmul.f32 v7, v10;
	v0 =	vadd.f32 v4, v0  }
0x3f1: {  	v51 =	vand.u32 $0xFFFFFF80, v17;
	v54 =	vand.u32 $0xFFFFFF80, v15;
	v53 =	vand.u32 $0x7F, v17;
	v63 =	vld [tilespmem:$0x1FE80]  }
0x3f2: {  	v11 =	vadd.s32 v3, v51;
	v0 =	vadd.f32 v60, v0;
	v1 =	vmul.f32 v1, v8  }
0x3f3: {  	v58 =	vand.u32 $0xFFFFFF80, v13;
	v56 =	vand.u32 $0x7F, v15;
	v11 =	vor.u32 v53, v11  }
0x3f4: {  	v5 =	vadd.s32 v3, v54;
	v0 =	vadd.f32 v1, v0;
	v1 =	vmul.f32 v2, v6;
	v2 =	vld [tilespmem:$0x1FE90]  }
0x3f5: {  	v59 =	vand.u32 $0x7F, v13;
	v3 =	vadd.s32 v3, v58;
	v5 =	vor.u32 v56, v5  }
0x3f6: {  	v3 =	vor.u32 v59, v3  }
0x3f7: {  	v7 =	vld.idx.msk [tilespmem:v61+s16+$0x0], $0xffff  }
0x3f8: {  	v62 =	vld.idx.msk [tilespmem:v11+s17+$0x0], $0xffff  }
0x3f9: {  	v4 =	vld.idx.msk [tilespmem:v63+s16+$0x0], $0xffff  }
0x3fa: {  	v5 =	vld.idx.msk [tilespmem:v5+s17+$0x0], $0xffff  }
0x3fb: {  	v3 =	vld.idx.msk [tilespmem:v3+s17+$0x0], $0xffff  }
0x3fc: {  	v2 =	vld.idx.msk [tilespmem:v2+s16+$0x0], $0xffff  }
0x3fd: {  	v0 =	vadd.f32 v1, v0;
	v1 =	vmul.f32 v62, v7;
	_ =	sdelay $0x1  }
0x3fe: {  	v0 =	vadd.f32 v1, v0;
	v1 =	vmul.f32 v5, v4;
	_ =	sdelay $0x1  }
0x3ff: {  	v0 =	vadd.f32 v1, v0;
	v1 =	vmul.f32 v3, v2;
	_ =	sdelay $0x1  }
0x400: {  	v0 =	vadd.f32 v1, v0;
	v1 =	vld [tilespmem:$0x1FF20];
	_ =	sdelay $0x4  }
0x401: {  	v0 =	vmul.f32 v0, v1;
	v1 =	vld [tilespmem:$0x1FF30];
	_ =	sdelay $0x4  }
0x402: {  	v0 =	vadd.f32 v0, v1;
	_ =	sdelay $0x1  }
0x403: {  	v0 =	vsub.f32 $0.0e+00, v0;
	_ =	sdelay $0x1  }
0x404: {  	v0 =	vmul.f32 $1.442695020e+00, v0;
	_ =	sdelay $0x1  }
0x405: {  	(erf) = vpow2.f32 v0;
	_ =	sdelay $0x8  }
0x406: {  	v0 =	vpop (erf)  }
0x407: {  	v0 =	vadd.f32 $1.000000000e+00, v0;
	_ =	sdelay $0x1  }
0x408: {  	(erf) = vrcp.f32 v0;
	_ =	sdelay $0x7  }
0x409: {  	s29 =	sadd.s32 $0x1, s29  }
0x40a: {  	s0 =	sadd.s32 $0x10, s30;
	p0 =	sne.s32 s29, s11;
	v0 =	vpop (erf)  }
.Ltmp2:
0x40b: {  	[tilespmem:s0+$0x0] =	vst v0;
	(pc) =	sbr.rel @p0 .LBB2_1-.Ltmp2, $4  }
0x40c: {  	[hbm4b:s10+s5] =	stream.linear.scatter [tilespmem:s28], [sflag:$0x3], $0x200, $0x38;
	[tilespmem:$0x10B00] =	vst v63  }
0x40d: {  	_ =	swait.ge [sflag:s12], $0x200  }
0x40e: {  	[sflag:s12] =	ssyncset.done $0x0  }
0x40f: {  	v0 =	vld [tilespmem:$0x1FFF0];
	[sflag:s12] =	ssyncadd.s32 $0xFFFFFE00  }
0x410: {  	_ =	sfence.sel $0x180000  }
0x411: {  	[bflag:$0x0] =	sbarrier.arrive $0xFFFF  }
0x412: {  	_ =	strace $0x90000047  }
0x413: {  	s0 =	stileid.u32;
	[bflag:$0x2] =	sbarrier.arrive $0xFFFF  }
0x414: {  	p0 =	sne.s32 s0, $0x0;
	s0 =	rddreg [dreg:$0x8]  }
0x415: {  	s0 =	sadd.s32 @!p0 $0x100000, s0  }
0x416: {  	[sflag:s0] =	ssyncadd.tile.s32 @!p0 $0x1;
	_ =	shalt  }
.Lfunc_end2:
_tile_overlayer_lowered:
.L_overlay_start_2:
0x417: {  	(tag) =	ssettag $0x2  }
0x418: {  	s0 =	rddreg [dreg:$0x0];
	s2 =	stileid.u32  }
0x419: {  	s1 =	rddreg [dreg:$0x1];
	p0 =	sne.s32 s2, $0x0  }
0x41a: {  	s3 =	rddreg [dreg:$0x2];
	[bflag:$0x3] =	sbarrier.arrive $0xFFFF;
	s2 =	simm.s32 @!p0 $0x1C03  }
0x41b: {  	[timem:s3], [sflag:s2] =	dma.local @!p0 [hbm:s0], s1  }
0x41c: {  	s0 =	simm.s32 @!p0 $0x3  }
0x41d: {  	_ =	swait.ge @!p0 [sflag:s0], s1  }
0x41e: {  	s1 =	ssub.s32 @!p0 $0x0, s1;
	[sflag:s0] =	ssyncset.done @!p0 $0x0  }
0x41f: {  	[sflag:s0] =	ssyncadd.s32 @!p0 s1  }
0x420: {  	[bflag:$0x3] =	sbarrier.arrive $0xFFFF  }
0x421: {  	_ =	shalt  }

</sc_bundles>
